<compile_context>
chip_gen: v7x
topology: tpu7x:2x2x1
jax: 0.10.2.dev20260603
libtpu: 0.0.44.dev20260713+nightly
codegen_flags: <defaults>
</compile_context>

<pallas_src>
import functools

import jax
import jax.numpy as jnp
from jax import lax
from jax.experimental import pallas as pl
from jax.experimental.pallas import tpu as pltpu
from jax.experimental.pallas import tpu_sc as plsc

_LANES = 16


def _make_sc_gather(B, DU, DM):
    NC, NS = 2, 16
    NW = NC * NS
    bpw = B // NW
    half = bpw // 2
    mesh = plsc.VectorSubcoreMesh(core_axis_name="c", subcore_axis_name="s",
                                  num_cores=NC, num_subcores=NS)

    @functools.partial(
        pl.kernel,
        out_type=[
            jax.ShapeDtypeStruct((B, DU), jnp.float32),
            jax.ShapeDtypeStruct((B, DM), jnp.float32),
        ],
        mesh=mesh,
        scratch_types=[
            pltpu.VMEM((bpw,), jnp.int32),
            pltpu.VMEM((bpw,), jnp.int32),
            pltpu.VMEM((half, DU), jnp.float32),
            pltpu.VMEM((half, DM), jnp.float32),
            pltpu.SemaphoreType.DMA,
            pltpu.SemaphoreType.DMA,
        ],
    )
    def sc_gather(uid, mid, U, M, u_out, m_out,
                  idx_u, idx_m, urows, mrows, sem_u, sem_m):
        wid = lax.axis_index("s") * NC + lax.axis_index("c")
        base = wid * bpw
        pltpu.sync_copy(uid.at[pl.ds(base, bpw)], idx_u)
        pltpu.sync_copy(mid.at[pl.ds(base, bpw)], idx_m)

        for h in range(2):
            off = h * half

            def fire(g, _):
                vu = idx_u[pl.ds(off + g * _LANES, _LANES)]
                vm = idx_m[pl.ds(off + g * _LANES, _LANES)]
                for j in range(_LANES):
                    i = g * _LANES + j
                    pltpu.async_copy(U.at[vu[j]], urows.at[i], sem_u)
                    pltpu.async_copy(M.at[vm[j]], mrows.at[i], sem_m)
                return 0

            lax.fori_loop(0, half // _LANES, fire, 0)

            def drain(i, _):
                pltpu.make_async_copy(U.at[0], urows.at[i], sem_u).wait()
                pltpu.make_async_copy(M.at[0], mrows.at[i], sem_m).wait()
                return 0

            lax.fori_loop(0, half, drain, 0)
            pltpu.sync_copy(urows, u_out.at[pl.ds(base + off, half)])
            pltpu.sync_copy(mrows, m_out.at[pl.ds(base + off, half)])

    return sc_gather


def _mlp_body(u, m, rid, kw, age, R, Wk, bk, W1u, W1m, W1r, W1k, w1a, b1, W2,
              b2, out):
    f32 = jnp.float32
    NR = R.shape[0]
    k = jnp.maximum(jnp.dot(kw[:], Wk[:], preferred_element_type=f32) + bk[:],
                    0.0)
    onehot = (rid[:] == lax.broadcasted_iota(jnp.int32, (1, NR), 1)).astype(f32)
    r = jnp.dot(onehot, R[:], preferred_element_type=f32)
    h = (jnp.dot(u[:], W1u[:], preferred_element_type=f32)
         + jnp.dot(m[:], W1m[:], preferred_element_type=f32)
         + jnp.dot(r, W1r[:], preferred_element_type=f32)
         + jnp.dot(k, W1k[:], preferred_element_type=f32)
         + age[:] * w1a[:]
         + b1[:])
    h = jnp.maximum(h, 0.0)
    o = jnp.dot(h, W2[:], preferred_element_type=f32) + b2[:]
    out[:] = 1.0 / (1.0 + jnp.exp(-o))


def _make_mlp(B, DU, DM, DR, NR, KW, H1, BLK):
    grid = (B // BLK,)
    row = lambda i: (i, 0)
    rep = lambda i: (0, 0)
    return pl.pallas_call(
        _mlp_body,
        grid=grid,
        in_specs=[
            pl.BlockSpec((BLK, DU), row),
            pl.BlockSpec((BLK, DM), row),
            pl.BlockSpec((BLK, 1), row),
            pl.BlockSpec((BLK, KW), row),
            pl.BlockSpec((BLK, 1), row),
            pl.BlockSpec((NR, DR), rep),
            pl.BlockSpec((KW, 32), rep),
            pl.BlockSpec((1, 32), rep),
            pl.BlockSpec((DU, H1), rep),
            pl.BlockSpec((DM, H1), rep),
            pl.BlockSpec((DR, H1), rep),
            pl.BlockSpec((32, H1), rep),
            pl.BlockSpec((1, H1), rep),
            pl.BlockSpec((1, H1), rep),
            pl.BlockSpec((H1, 1), rep),
            pl.BlockSpec((1, 1), rep),
        ],
        out_specs=pl.BlockSpec((BLK, 1), row),
        out_shape=jax.ShapeDtypeStruct((B, 1), jnp.float32),
    )


def kernel(user_id, movie_id, region_id, keywords, age, U, M, R, Wk, bk, W1,
           b1, W2, b2):
    B = user_id.shape[0]
    DU, DM, DR = U.shape[1], M.shape[1], R.shape[1]
    NR = R.shape[0]
    KW = keywords.shape[1]
    H1 = W1.shape[1]

    sc_gather = _make_sc_gather(B, DU, DM)
    u, m = sc_gather(user_id, movie_id, U, M)

    mlp = _make_mlp(B, DU, DM, DR, NR, KW, H1, BLK=2048)
    out = mlp(u, m, region_id.reshape(B, 1), keywords, age.reshape(B, 1),
              R, Wk, bk.reshape(1, -1),
              W1[:DU], W1[DU:DU + DM], W1[DU + DM:DU + DM + DR],
              W1[DU + DM + DR:DU + DM + DR + 32], W1[-1:],
              b1.reshape(1, -1), W2, b2.reshape(1, 1))
    return out.reshape(B)

# --- scband reference (transcript-rebuilt; emitter-appended) ---
"""Pipeline reference for scband-movie-rec-model-70806830842571 (READ-ONLY COPY).

The authoritative reference and input builder live on the scoring server;
editing this copy changes nothing except your own understanding.
"""

import jax, jax.numpy as jnp
import numpy as np

B = 16384
NUM_USERS = 1000000
NUM_MOVIES = 1000000
NUM_REGIONS = 1000
KW_DIM = 128


def setup_inputs(seed: int = 0) -> dict:
    key = jax.random.key(seed)
    ks = jax.random.split(key, 12)
    user_id = jax.random.randint(ks[0], (B,), 0, NUM_USERS, dtype=jnp.int32)
    movie_id = jax.random.randint(ks[1], (B,), 0, NUM_MOVIES, dtype=jnp.int32)
    region_id = jax.random.randint(ks[2], (B,), 0, NUM_REGIONS, dtype=jnp.int32)
    keywords = jax.random.normal(ks[3], (B, KW_DIM), dtype=jnp.float32)
    age = jax.random.uniform(ks[4], (B,), dtype=jnp.float32)
    U = jax.random.normal(ks[5], (NUM_USERS, 50), dtype=jnp.float32) * 0.02
    M = jax.random.normal(ks[6], (NUM_MOVIES, 50), dtype=jnp.float32) * 0.02
    R = jax.random.normal(ks[7], (NUM_REGIONS, 5), dtype=jnp.float32) * 0.02
    Wk = jax.random.normal(ks[8], (KW_DIM, 32), dtype=jnp.float32) * (1.0 / np.sqrt(KW_DIM))
    bk = jnp.zeros((32,), dtype=jnp.float32)
    W1 = jax.random.normal(ks[9], (138, 128), dtype=jnp.float32) * (1.0 / np.sqrt(138))
    b1 = jnp.zeros((128,), dtype=jnp.float32)
    W2 = jax.random.normal(ks[10], (128, 1), dtype=jnp.float32) * (1.0 / np.sqrt(128))
    b2 = jnp.zeros((1,), dtype=jnp.float32)
    return {"user_id": user_id, "movie_id": movie_id, "region_id": region_id,
            "keywords": keywords, "age": age,
            "U": U, "M": M, "R": R,
            "Wk": Wk, "bk": bk, "W1": W1, "b1": b1, "W2": W2, "b2": b2}


def reference(user_id, movie_id, region_id, keywords, age, U, M, R, Wk, bk, W1, b1, W2, b2):
    u = jnp.take(U, user_id, axis=0)
    m = jnp.take(M, movie_id, axis=0)
    r = jnp.take(R, region_id, axis=0)
    k = jax.nn.relu(keywords @ Wk + bk)
    x = jnp.concatenate([u, m, r, k, age[:, None]], axis=1)
    x = jax.nn.relu(x @ W1 + b1)
    out = jax.nn.sigmoid(x @ W2 + b2)
    return jnp.squeeze(out, axis=-1)

if __name__ == "__main__":
    import jax
    _d = setup_inputs()
    print(jax.jit(kernel)(*tuple(_d.values())))

</pallas_src>

<mosaic_0001>
#map = affine_map<(d0, d1) -> (0)>
#map1 = affine_map<(d0, d1) -> (0, 0)>
module attributes {stable_mosaic.version = 14 : i64} {
  func.func @sc_gather(%arg0: i32, %arg1: i32, %arg2: memref<16384xi32, #tpu.memory_space<hbm>>, %arg3: memref<16384xi32, #tpu.memory_space<hbm>>, %arg4: memref<1000000x50xf32, #tpu.memory_space<hbm>>, %arg5: memref<1000000x50xf32, #tpu.memory_space<hbm>>, %arg6: memref<16384x50xf32, #tpu.memory_space<hbm>>, %arg7: memref<16384x50xf32, #tpu.memory_space<hbm>>, %arg8: memref<512xi32, #tpu.memory_space<vmem>>, %arg9: memref<512xi32, #tpu.memory_space<vmem>>, %arg10: memref<256x50xf32, #tpu.memory_space<vmem>>, %arg11: memref<256x50xf32, #tpu.memory_space<vmem>>, %arg12: memref<!tpu.dma_semaphore, #tpu.memory_space<semaphore_mem>>, %arg13: memref<!tpu.dma_semaphore, #tpu.memory_space<semaphore_mem>>) attributes {dimension_semantics = [#tpu.dimension_semantics<core_parallel>, #tpu.dimension_semantics<subcore_parallel>], iteration_bounds = array<i64: 2, 16>, scalar_prefetch = 0 : i64, scratch_operands = 6 : i64, tpu.core_type = #tpu.core_type<sc_vector_subcore>, window_params = [{transform_indices = #map}, {transform_indices = #map}, {transform_indices = #map1}, {transform_indices = #map1}, {transform_indices = #map1}, {transform_indices = #map1}]} {
    %mul3A = arith.constant 2 : i32
    %mul3A_0 = arith.muli %arg1, %mul3A : i32
    %add3A = arith.addi %mul3A_0, %arg0 : i32
    %mul3A_1 = arith.constant 512 : i32
    %mul3A_2 = arith.muli %add3A, %mul3A_1 : i32
    "tpu.region"() ({
      %run_scoped3A = tpu.sem_alloc : memref<!tpu.dma_semaphore, #tpu.memory_space<semaphore_mem>>
      %dma_start3A = tpu.memref_slice %arg2[%mul3A_2] : memref<16384xi32, #tpu.memory_space<hbm>> -> memref<512xi32, #tpu.memory_space<hbm>>
      %dma_start3A_38 = tpu.memref_slice %arg2[%mul3A_2] : memref<16384xi32, #tpu.memory_space<hbm>> -> memref<512xi32, #tpu.memory_space<hbm>>
      tpu.enqueue_dma source(%dma_start3A_38 : memref<512xi32, #tpu.memory_space<hbm>>) target(%arg8 : memref<512xi32, #tpu.memory_space<vmem>>) target_semaphore(%run_scoped3A : memref<!tpu.dma_semaphore, #tpu.memory_space<semaphore_mem>>)
      %dma_wait3A = tpu.memref_slice %arg2[%mul3A_2] : memref<16384xi32, #tpu.memory_space<hbm>> -> memref<512xi32, #tpu.memory_space<hbm>>
      %dma_wait3A_39 = tpu.memref_slice %arg2[%mul3A_2] : memref<16384xi32, #tpu.memory_space<hbm>> -> memref<512xi32, #tpu.memory_space<hbm>>
      tpu.wait_dma2 semaphore(%run_scoped3A : memref<!tpu.dma_semaphore, #tpu.memory_space<semaphore_mem>>) src(%dma_wait3A_39 : memref<512xi32, #tpu.memory_space<hbm>>) dst(%arg8 : memref<512xi32, #tpu.memory_space<vmem>>)
      tpu.yield
    }) : () -> ()
    "tpu.region"() ({
      %run_scoped3A = tpu.sem_alloc : memref<!tpu.dma_semaphore, #tpu.memory_space<semaphore_mem>>
      %dma_start3A = tpu.memref_slice %arg3[%mul3A_2] : memref<16384xi32, #tpu.memory_space<hbm>> -> memref<512xi32, #tpu.memory_space<hbm>>
      %dma_start3A_38 = tpu.memref_slice %arg3[%mul3A_2] : memref<16384xi32, #tpu.memory_space<hbm>> -> memref<512xi32, #tpu.memory_space<hbm>>
      tpu.enqueue_dma source(%dma_start3A_38 : memref<512xi32, #tpu.memory_space<hbm>>) target(%arg9 : memref<512xi32, #tpu.memory_space<vmem>>) target_semaphore(%run_scoped3A : memref<!tpu.dma_semaphore, #tpu.memory_space<semaphore_mem>>)
      %dma_wait3A = tpu.memref_slice %arg3[%mul3A_2] : memref<16384xi32, #tpu.memory_space<hbm>> -> memref<512xi32, #tpu.memory_space<hbm>>
      %dma_wait3A_39 = tpu.memref_slice %arg3[%mul3A_2] : memref<16384xi32, #tpu.memory_space<hbm>> -> memref<512xi32, #tpu.memory_space<hbm>>
      tpu.wait_dma2 semaphore(%run_scoped3A : memref<!tpu.dma_semaphore, #tpu.memory_space<semaphore_mem>>) src(%dma_wait3A_39 : memref<512xi32, #tpu.memory_space<hbm>>) dst(%arg9 : memref<512xi32, #tpu.memory_space<vmem>>)
      tpu.yield
    }) : () -> ()
    %scan3A = arith.constant 0 : i32
    %scan3A_3 = arith.constant 0 : i32
    %scan3A_4 = arith.constant 16 : i32
    %scan3A_5 = arith.addi %scan3A_3, %scan3A_4 : i32
    %scan3A_6 = arith.constant 1 : i32
    %scan3A_7 = scf.for %scan3A_38 = %scan3A_3 to %scan3A_5 step %scan3A_6 iter_args(%scan3A_39 = %scan3A) -> (i32)  : i32 {
      %mul3A_40 = arith.constant 16 : i32
      %mul3A_41 = arith.muli %scan3A_38, %mul3A_40 : i32
      %add3A_42 = arith.constant 0 : i32
      %add3A_43 = arith.addi %add3A_42, %mul3A_41 : i32
      %get3A = arith.index_cast %add3A_43 : i32 to index
      %get3A_44 = tpu.vector_load %arg8[%get3A] {strides = array<i32>} : memref<512xi32, #tpu.memory_space<vmem>>, vector<16xi32>,
      %get3A_45 = vector.shape_cast %get3A_44 : vector<16xi32> to vector<16xi32>
      %mul3A_46 = arith.constant 16 : i32
      %mul3A_47 = arith.muli %scan3A_38, %mul3A_46 : i32
      %add3A_48 = arith.constant 0 : i32
      %add3A_49 = arith.addi %add3A_48, %mul3A_47 : i32
      %get3A_50 = arith.index_cast %add3A_49 : i32 to index
      %get3A_51 = tpu.vector_load %arg9[%get3A_50] {strides = array<i32>} : memref<512xi32, #tpu.memory_space<vmem>>, vector<16xi32>,
      %get3A_52 = vector.shape_cast %get3A_51 : vector<16xi32> to vector<16xi32>
      %mul3A_53 = arith.constant 16 : i32
      %mul3A_54 = arith.muli %scan3A_38, %mul3A_53 : i32
      %add3A_55 = arith.constant 0 : i32
      %add3A_56 = arith.addi %mul3A_54, %add3A_55 : i32
      %slice3A = vector.extract_strided_slice %get3A_45 {offsets = [0], sizes = [1], strides = [1]} : vector<16xi32> to vector<1xi32>
      %squeeze3A = vector.extract %slice3A[0] : i32 from vector<1xi32>
      %dma_start3A = arith.constant 0 : i32
      %dma_start3A_57 = tpu.memref_slice %arg10[%add3A_56, %dma_start3A] : memref<256x50xf32, #tpu.memory_space<vmem>> -> memref<1x50xf32, #tpu.memory_space<vmem>>
      %dma_start3A_58 = tpu.memref_squeeze %dma_start3A_57 : memref<1x50xf32, #tpu.memory_space<vmem>> -> memref<50xf32, #tpu.memory_space<vmem>>
      %dma_start3A_59 = arith.constant 0 : i32
      %dma_start3A_60 = tpu.memref_slice %arg4[%squeeze3A, %dma_start3A_59] : memref<1000000x50xf32, #tpu.memory_space<hbm>> -> memref<1x50xf32, #tpu.memory_space<hbm>>
      %dma_start3A_61 = tpu.memref_squeeze %dma_start3A_60 : memref<1x50xf32, #tpu.memory_space<hbm>> -> memref<50xf32, #tpu.memory_space<hbm>>
      %dma_start3A_62 = arith.constant 0 : i32
      %dma_start3A_63 = tpu.memref_slice %arg10[%add3A_56, %dma_start3A_62] : memref<256x50xf32, #tpu.memory_space<vmem>> -> memref<1x50xf32, #tpu.memory_space<vmem>>
      %dma_start3A_64 = tpu.memref_squeeze %dma_start3A_63 : memref<1x50xf32, #tpu.memory_space<vmem>> -> memref<50xf32, #tpu.memory_space<vmem>>
      %dma_start3A_65 = arith.constant 0 : i32
      %dma_start3A_66 = tpu.memref_slice %arg4[%squeeze3A, %dma_start3A_65] : memref<1000000x50xf32, #tpu.memory_space<hbm>> -> memref<1x50xf32, #tpu.memory_space<hbm>>
      %dma_start3A_67 = tpu.memref_squeeze %dma_start3A_66 : memref<1x50xf32, #tpu.memory_space<hbm>> -> memref<50xf32, #tpu.memory_space<hbm>>
      tpu.enqueue_dma source(%dma_start3A_67 : memref<50xf32, #tpu.memory_space<hbm>>) target(%dma_start3A_64 : memref<50xf32, #tpu.memory_space<vmem>>) target_semaphore(%arg12 : memref<!tpu.dma_semaphore, #tpu.memory_space<semaphore_mem>>)
      %slice3A_68 = vector.extract_strided_slice %get3A_52 {offsets = [0], sizes = [1], strides = [1]} : vector<16xi32> to vector<1xi32>
      %squeeze3A_69 = vector.extract %slice3A_68[0] : i32 from vector<1xi32>
      %dma_start3A_70 = arith.constant 0 : i32
      %dma_start3A_71 = tpu.memref_slice %arg11[%add3A_56, %dma_start3A_70] : memref<256x50xf32, #tpu.memory_space<vmem>> -> memref<1x50xf32, #tpu.memory_space<vmem>>
      %dma_start3A_72 = tpu.memref_squeeze %dma_start3A_71 : memref<1x50xf32, #tpu.memory_space<vmem>> -> memref<50xf32, #tpu.memory_space<vmem>>
      %dma_start3A_73 = arith.constant 0 : i32
      %dma_start3A_74 = tpu.memref_slice %arg5[%squeeze3A_69, %dma_start3A_73] : memref<1000000x50xf32, #tpu.memory_space<hbm>> -> memref<1x50xf32, #tpu.memory_space<hbm>>
      %dma_start3A_75 = tpu.memref_squeeze %dma_start3A_74 : memref<1x50xf32, #tpu.memory_space<hbm>> -> memref<50xf32, #tpu.memory_space<hbm>>
      %dma_start3A_76 = arith.constant 0 : i32
      %dma_start3A_77 = tpu.memref_slice %arg11[%add3A_56, %dma_start3A_76] : memref<256x50xf32, #tpu.memory_space<vmem>> -> memref<1x50xf32, #tpu.memory_space<vmem>>
      %dma_start3A_78 = tpu.memref_squeeze %dma_start3A_77 : memref<1x50xf32, #tpu.memory_space<vmem>> -> memref<50xf32, #tpu.memory_space<vmem>>
      %dma_start3A_79 = arith.constant 0 : i32
      %dma_start3A_80 = tpu.memref_slice %arg5[%squeeze3A_69, %dma_start3A_79] : memref<1000000x50xf32, #tpu.memory_space<hbm>> -> memref<1x50xf32, #tpu.memory_space<hbm>>
      %dma_start3A_81 = tpu.memref_squeeze %dma_start3A_80 : memref<1x50xf32, #tpu.memory_space<hbm>> -> memref<50xf32, #tpu.memory_space<hbm>>
      tpu.enqueue_dma source(%dma_start3A_81 : memref<50xf32, #tpu.memory_space<hbm>>) target(%dma_start3A_78 : memref<50xf32, #tpu.memory_space<vmem>>) target_semaphore(%arg13 : memref<!tpu.dma_semaphore, #tpu.memory_space<semaphore_mem>>)
      %mul3A_82 = arith.constant 16 : i32
      %mul3A_83 = arith.muli %scan3A_38, %mul3A_82 : i32
      %add3A_84 = arith.constant 1 : i32
      %add3A_85 = arith.addi %mul3A_83, %add3A_84 : i32
      %slice3A_86 = vector.extract_strided_slice %get3A_45 {offsets = [1], sizes = [1], strides = [1]} : vector<16xi32> to vector<1xi32>
      %squeeze3A_87 = vector.extract %slice3A_86[0] : i32 from vector<1xi32>
      %dma_start3A_88 = arith.constant 0 : i32
      %dma_start3A_89 = tpu.memref_slice %arg10[%add3A_85, %dma_start3A_88] : memref<256x50xf32, #tpu.memory_space<vmem>> -> memref<1x50xf32, #tpu.memory_space<vmem>>
      %dma_start3A_90 = tpu.memref_squeeze %dma_start3A_89 : memref<1x50xf32, #tpu.memory_space<vmem>> -> memref<50xf32, #tpu.memory_space<vmem>>
      %dma_start3A_91 = arith.constant 0 : i32
      %dma_start3A_92 = tpu.memref_slice %arg4[%squeeze3A_87, %dma_start3A_91] : memref<1000000x50xf32, #tpu.memory_space<hbm>> -> memref<1x50xf32, #tpu.memory_space<hbm>>
      %dma_start3A_93 = tpu.memref_squeeze %dma_start3A_92 : memref<1x50xf32, #tpu.memory_space<hbm>> -> memref<50xf32, #tpu.memory_space<hbm>>
      %dma_start3A_94 = arith.constant 0 : i32
      %dma_start3A_95 = tpu.memref_slice %arg10[%add3A_85, %dma_start3A_94] : memref<256x50xf32, #tpu.memory_space<vmem>> -> memref<1x50xf32, #tpu.memory_space<vmem>>
      %dma_start3A_96 = tpu.memref_squeeze %dma_start3A_95 : memref<1x50xf32, #tpu.memory_space<vmem>> -> memref<50xf32, #tpu.memory_space<vmem>>
      %dma_start3A_97 = arith.constant 0 : i32
      %dma_start3A_98 = tpu.memref_slice %arg4[%squeeze3A_87, %dma_start3A_97] : memref<1000000x50xf32, #tpu.memory_space<hbm>> -> memref<1x50xf32, #tpu.memory_space<hbm>>
      %dma_start3A_99 = tpu.memref_squeeze %dma_start3A_98 : memref<1x50xf32, #tpu.memory_space<hbm>> -> memref<50xf32, #tpu.memory_space<hbm>>
      tpu.enqueue_dma source(%dma_start3A_99 : memref<50xf32, #tpu.memory_space<hbm>>) target(%dma_start3A_96 : memref<50xf32, #tpu.memory_space<vmem>>) target_semaphore(%arg12 : memref<!tpu.dma_semaphore, #tpu.memory_space<semaphore_mem>>)
      %slice3A_100 = vector.extract_strided_slice %get3A_52 {offsets = [1], sizes = [1], strides = [1]} : vector<16xi32> to vector<1xi32>
      %squeeze3A_101 = vector.extract %slice3A_100[0] : i32 from vector<1xi32>
      %dma_start3A_102 = arith.constant 0 : i32
      %dma_start3A_103 = tpu.memref_slice %arg11[%add3A_85, %dma_start3A_102] : memref<256x50xf32, #tpu.memory_space<vmem>> -> memref<1x50xf32, #tpu.memory_space<vmem>>
      %dma_start3A_104 = tpu.memref_squeeze %dma_start3A_103 : memref<1x50xf32, #tpu.memory_space<vmem>> -> memref<50xf32, #tpu.memory_space<vmem>>
      %dma_start3A_105 = arith.constant 0 : i32
      %dma_start3A_106 = tpu.memref_slice %arg5[%squeeze3A_101, %dma_start3A_105] : memref<1000000x50xf32, #tpu.memory_space<hbm>> -> memref<1x50xf32, #tpu.memory_space<hbm>>
      %dma_start3A_107 = tpu.memref_squeeze %dma_start3A_106 : memref<1x50xf32, #tpu.memory_space<hbm>> -> memref<50xf32, #tpu.memory_space<hbm>>
      %dma_start3A_108 = arith.constant 0 : i32
      %dma_start3A_109 = tpu.memref_slice %arg11[%add3A_85, %dma_start3A_108] : memref<256x50xf32, #tpu.memory_space<vmem>> -> memref<1x50xf32, #tpu.memory_space<vmem>>
      %dma_start3A_110 = tpu.memref_squeeze %dma_start3A_109 : memref<1x50xf32, #tpu.memory_space<vmem>> -> memref<50xf32, #tpu.memory_space<vmem>>
      %dma_start3A_111 = arith.constant 0 : i32
      %dma_start3A_112 = tpu.memref_slice %arg5[%squeeze3A_101, %dma_start3A_111] : memref<1000000x50xf32, #tpu.memory_space<hbm>> -> memref<1x50xf32, #tpu.memory_space<hbm>>
      %dma_start3A_113 = tpu.memref_squeeze %dma_start3A_112 : memref<1x50xf32, #tpu.memory_space<hbm>> -> memref<50xf32, #tpu.memory_space<hbm>>
      tpu.enqueue_dma source(%dma_start3A_113 : memref<50xf32, #tpu.memory_space<hbm>>) target(%dma_start3A_110 : memref<50xf32, #tpu.memory_space<vmem>>) target_semaphore(%arg13 : memref<!tpu.dma_semaphore, #tpu.memory_space<semaphore_mem>>)
      %mul3A_114 = arith.constant 16 : i32
      %mul3A_115 = arith.muli %scan3A_38, %mul3A_114 : i32
      %add3A_116 = arith.constant 2 : i32
      %add3A_117 = arith.addi %mul3A_115, %add3A_116 : i32
      %slice3A_118 = vector.extract_strided_slice %get3A_45 {offsets = [2], sizes = [1], strides = [1]} : vector<16xi32> to vector<1xi32>
      %squeeze3A_119 = vector.extract %slice3A_118[0] : i32 from vector<1xi32>
      %dma_start3A_120 = arith.constant 0 : i32
      %dma_start3A_121 = tpu.memref_slice %arg10[%add3A_117, %dma_start3A_120] : memref<256x50xf32, #tpu.memory_space<vmem>> -> memref<1x50xf32, #tpu.memory_space<vmem>>
      %dma_start3A_122 = tpu.memref_squeeze %dma_start3A_121 : memref<1x50xf32, #tpu.memory_space<vmem>> -> memref<50xf32, #tpu.memory_space<vmem>>
      %dma_start3A_123 = arith.constant 0 : i32
      %dma_start3A_124 = tpu.memref_slice %arg4[%squeeze3A_119, %dma_start3A_123] : memref<1000000x50xf32, #tpu.memory_space<hbm>> -> memref<1x50xf32, #tpu.memory_space<hbm>>
      %dma_start3A_125 = tpu.memref_squeeze %dma_start3A_124 : memref<1x50xf32, #tpu.memory_space<hbm>> -> memref<50xf32, #tpu.memory_space<hbm>>
      %dma_start3A_126 = arith.constant 0 : i32
      %dma_start3A_127 = tpu.memref_slice %arg10[%add3A_117, %dma_start3A_126] : memref<256x50xf32, #tpu.memory_space<vmem>> -> memref<1x50xf32, #tpu.memory_space<vmem>>
      %dma_start3A_128 = tpu.memref_squeeze %dma_start3A_127 : memref<1x50xf32, #tpu.memory_space<vmem>> -> memref<50xf32, #tpu.memory_space<vmem>>
      %dma_start3A_129 = arith.constant 0 : i32
      %dma_start3A_130 = tpu.memref_slice %arg4[%squeeze3A_119, %dma_start3A_129] : memref<1000000x50xf32, #tpu.memory_space<hbm>> -> memref<1x50xf32, #tpu.memory_space<hbm>>
      %dma_start3A_131 = tpu.memref_squeeze %dma_start3A_130 : memref<1x50xf32, #tpu.memory_space<hbm>> -> memref<50xf32, #tpu.memory_space<hbm>>
      tpu.enqueue_dma source(%dma_start3A_131 : memref<50xf32, #tpu.memory_space<hbm>>) target(%dma_start3A_128 : memref<50xf32, #tpu.memory_space<vmem>>) target_semaphore(%arg12 : memref<!tpu.dma_semaphore, #tpu.memory_space<semaphore_mem>>)
      %slice3A_132 = vector.extract_strided_slice %get3A_52 {offsets = [2], sizes = [1], strides = [1]} : vector<16xi32> to vector<1xi32>
      %squeeze3A_133 = vector.extract %slice3A_132[0] : i32 from vector<1xi32>
      %dma_start3A_134 = arith.constant 0 : i32
      %dma_start3A_135 = tpu.memref_slice %arg11[%add3A_117, %dma_start3A_134] : memref<256x50xf32, #tpu.memory_space<vmem>> -> memref<1x50xf32, #tpu.memory_space<vmem>>
      %dma_start3A_136 = tpu.memref_squeeze %dma_start3A_135 : memref<1x50xf32, #tpu.memory_space<vmem>> -> memref<50xf32, #tpu.memory_space<vmem>>
      %dma_start3A_137 = arith.constant 0 : i32
      %dma_start3A_138 = tpu.memref_slice %arg5[%squeeze3A_133, %dma_start3A_137] : memref<1000000x50xf32, #tpu.memory_space<hbm>> -> memref<1x50xf32, #tpu.memory_space<hbm>>
      %dma_start3A_139 = tpu.memref_squeeze %dma_start3A_138 : memref<1x50xf32, #tpu.memory_space<hbm>> -> memref<50xf32, #tpu.memory_space<hbm>>
      %dma_start3A_140 = arith.constant 0 : i32
      %dma_start3A_141 = tpu.memref_slice %arg11[%add3A_117, %dma_start3A_140] : memref<256x50xf32, #tpu.memory_space<vmem>> -> memref<1x50xf32, #tpu.memory_space<vmem>>
      %dma_start3A_142 = tpu.memref_squeeze %dma_start3A_141 : memref<1x50xf32, #tpu.memory_space<vmem>> -> memref<50xf32, #tpu.memory_space<vmem>>
      %dma_start3A_143 = arith.constant 0 : i32
      %dma_start3A_144 = tpu.memref_slice %arg5[%squeeze3A_133, %dma_start3A_143] : memref<1000000x50xf32, #tpu.memory_space<hbm>> -> memref<1x50xf32, #tpu.memory_space<hbm>>
      %dma_start3A_145 = tpu.memref_squeeze %dma_start3A_144 : memref<1x50xf32, #tpu.memory_space<hbm>> -> memref<50xf32, #tpu.memory_space<hbm>>
      tpu.enqueue_dma source(%dma_start3A_145 : memref<50xf32, #tpu.memory_space<hbm>>) target(%dma_start3A_142 : memref<50xf32, #tpu.memory_space<vmem>>) target_semaphore(%arg13 : memref<!tpu.dma_semaphore, #tpu.memory_space<semaphore_mem>>)
      %mul3A_146 = arith.constant 16 : i32
      %mul3A_147 = arith.muli %scan3A_38, %mul3A_146 : i32
      %add3A_148 = arith.constant 3 : i32
      %add3A_149 = arith.addi %mul3A_147, %add3A_148 : i32
      %slice3A_150 = vector.extract_strided_slice %get3A_45 {offsets = [3], sizes = [1], strides = [1]} : vector<16xi32> to vector<1xi32>
      %squeeze3A_151 = vector.extract %slice3A_150[0] : i32 from vector<1xi32>
      %dma_start3A_152 = arith.constant 0 : i32
      %dma_start3A_153 = tpu.memref_slice %arg10[%add3A_149, %dma_start3A_152] : memref<256x50xf32, #tpu.memory_space<vmem>> -> memref<1x50xf32, #tpu.memory_space<vmem>>
      %dma_start3A_154 = tpu.memref_squeeze %dma_start3A_153 : memref<1x50xf32, #tpu.memory_space<vmem>> -> memref<50xf32, #tpu.memory_space<vmem>>
      %dma_start3A_155 = arith.constant 0 : i32
      %dma_start3A_156 = tpu.memref_slice %arg4[%squeeze3A_151, %dma_start3A_155] : memref<1000000x50xf32, #tpu.memory_space<hbm>> -> memref<1x50xf32, #tpu.memory_space<hbm>>
      %dma_start3A_157 = tpu.memref_squeeze %dma_start3A_156 : memref<1x50xf32, #tpu.memory_space<hbm>> -> memref<50xf32, #tpu.memory_space<hbm>>
      %dma_start3A_158 = arith.constant 0 : i32
      %dma_start3A_159 = tpu.memref_slice %arg10[%add3A_149, %dma_start3A_158] : memref<256x50xf32, #tpu.memory_space<vmem>> -> memref<1x50xf32, #tpu.memory_space<vmem>>
      %dma_start3A_160 = tpu.memref_squeeze %dma_start3A_159 : memref<1x50xf32, #tpu.memory_space<vmem>> -> memref<50xf32, #tpu.memory_space<vmem>>
      %dma_start3A_161 = arith.constant 0 : i32
      %dma_start3A_162 = tpu.memref_slice %arg4[%squeeze3A_151, %dma_start3A_161] : memref<1000000x50xf32, #tpu.memory_space<hbm>> -> memref<1x50xf32, #tpu.memory_space<hbm>>
      %dma_start3A_163 = tpu.memref_squeeze %dma_start3A_162 : memref<1x50xf32, #tpu.memory_space<hbm>> -> memref<50xf32, #tpu.memory_space<hbm>>
      tpu.enqueue_dma source(%dma_start3A_163 : memref<50xf32, #tpu.memory_space<hbm>>) target(%dma_start3A_160 : memref<50xf32, #tpu.memory_space<vmem>>) target_semaphore(%arg12 : memref<!tpu.dma_semaphore, #tpu.memory_space<semaphore_mem>>)
      %slice3A_164 = vector.extract_strided_slice %get3A_52 {offsets = [3], sizes = [1], strides = [1]} : vector<16xi32> to vector<1xi32>
      %squeeze3A_165 = vector.extract %slice3A_164[0] : i32 from vector<1xi32>
      %dma_start3A_166 = arith.constant 0 : i32
      %dma_start3A_167 = tpu.memref_slice %arg11[%add3A_149, %dma_start3A_166] : memref<256x50xf32, #tpu.memory_space<vmem>> -> memref<1x50xf32, #tpu.memory_space<vmem>>
      %dma_start3A_168 = tpu.memref_squeeze %dma_start3A_167 : memref<1x50xf32, #tpu.memory_space<vmem>> -> memref<50xf32, #tpu.memory_space<vmem>>
      %dma_start3A_169 = arith.constant 0 : i32
      %dma_start3A_170 = tpu.memref_slice %arg5[%squeeze3A_165, %dma_start3A_169] : memref<1000000x50xf32, #tpu.memory_space<hbm>> -> memref<1x50xf32, #tpu.memory_space<hbm>>
      %dma_start3A_171 = tpu.memref_squeeze %dma_start3A_170 : memref<1x50xf32, #tpu.memory_space<hbm>> -> memref<50xf32, #tpu.memory_space<hbm>>
      %dma_start3A_172 = arith.constant 0 : i32
      %dma_start3A_173 = tpu.memref_slice %arg11[%add3A_149, %dma_start3A_172] : memref<256x50xf32, #tpu.memory_space<vmem>> -> memref<1x50xf32, #tpu.memory_space<vmem>>
      %dma_start3A_174 = tpu.memref_squeeze %dma_start3A_173 : memref<1x50xf32, #tpu.memory_space<vmem>> -> memref<50xf32, #tpu.memory_space<vmem>>
      %dma_start3A_175 = arith.constant 0 : i32
      %dma_start3A_176 = tpu.memref_slice %arg5[%squeeze3A_165, %dma_start3A_175] : memref<1000000x50xf32, #tpu.memory_space<hbm>> -> memref<1x50xf32, #tpu.memory_space<hbm>>
      %dma_start3A_177 = tpu.memref_squeeze %dma_start3A_176 : memref<1x50xf32, #tpu.memory_space<hbm>> -> memref<50xf32, #tpu.memory_space<hbm>>
      tpu.enqueue_dma source(%dma_start3A_177 : memref<50xf32, #tpu.memory_space<hbm>>) target(%dma_start3A_174 : memref<50xf32, #tpu.memory_space<vmem>>) target_semaphore(%arg13 : memref<!tpu.dma_semaphore, #tpu.memory_space<semaphore_mem>>)
      %mul3A_178 = arith.constant 16 : i32
      %mul3A_179 = arith.muli %scan3A_38, %mul3A_178 : i32
      %add3A_180 = arith.constant 4 : i32
      %add3A_181 = arith.addi %mul3A_179, %add3A_180 : i32
      %slice3A_182 = vector.extract_strided_slice %get3A_45 {offsets = [4], sizes = [1], strides = [1]} : vector<16xi32> to vector<1xi32>
      %squeeze3A_183 = vector.extract %slice3A_182[0] : i32 from vector<1xi32>
      %dma_start3A_184 = arith.constant 0 : i32
      %dma_start3A_185 = tpu.memref_slice %arg10[%add3A_181, %dma_start3A_184] : memref<256x50xf32, #tpu.memory_space<vmem>> -> memref<1x50xf32, #tpu.memory_space<vmem>>
      %dma_start3A_186 = tpu.memref_squeeze %dma_start3A_185 : memref<1x50xf32, #tpu.memory_space<vmem>> -> memref<50xf32, #tpu.memory_space<vmem>>
      %dma_start3A_187 = arith.constant 0 : i32
      %dma_start3A_188 = tpu.memref_slice %arg4[%squeeze3A_183, %dma_start3A_187] : memref<1000000x50xf32, #tpu.memory_space<hbm>> -> memref<1x50xf32, #tpu.memory_space<hbm>>
      %dma_start3A_189 = tpu.memref_squeeze %dma_start3A_188 : memref<1x50xf32, #tpu.memory_space<hbm>> -> memref<50xf32, #tpu.memory_space<hbm>>
      %dma_start3A_190 = arith.constant 0 : i32
      %dma_start3A_191 = tpu.memref_slice %arg10[%add3A_181, %dma_start3A_190] : memref<256x50xf32, #tpu.memory_space<vmem>> -> memref<1x50xf32, #tpu.memory_space<vmem>>
      %dma_start3A_192 = tpu.memref_squeeze %dma_start3A_191 : memref<1x50xf32, #tpu.memory_space<vmem>> -> memref<50xf32, #tpu.memory_space<vmem>>
      %dma_start3A_193 = arith.constant 0 : i32
      %dma_start3A_194 = tpu.memref_slice %arg4[%squeeze3A_183, %dma_start3A_193] : memref<1000000x50xf32, #tpu.memory_space<hbm>> -> memref<1x50xf32, #tpu.memory_space<hbm>>
      %dma_start3A_195 = tpu.memref_squeeze %dma_start3A_194 : memref<1x50xf32, #tpu.memory_space<hbm>> -> memref<50xf32, #tpu.memory_space<hbm>>
      tpu.enqueue_dma source(%dma_start3A_195 : memref<50xf32, #tpu.memory_space<hbm>>) target(%dma_start3A_192 : memref<50xf32, #tpu.memory_space<vmem>>) target_semaphore(%arg12 : memref<!tpu.dma_semaphore, #tpu.memory_space<semaphore_mem>>)
      %slice3A_196 = vector.extract_strided_slice %get3A_52 {offsets = [4], sizes = [1], strides = [1]} : vector<16xi32> to vector<1xi32>
      %squeeze3A_197 = vector.extract %slice3A_196[0] : i32 from vector<1xi32>
      %dma_start3A_198 = arith.constant 0 : i32
      %dma_start3A_199 = tpu.memref_slice %arg11[%add3A_181, %dma_start3A_198] : memref<256x50xf32, #tpu.memory_space<vmem>> -> memref<1x50xf32, #tpu.memory_space<vmem>>
      %dma_start3A_200 = tpu.memref_squeeze %dma_start3A_199 : memref<1x50xf32, #tpu.memory_space<vmem>> -> memref<50xf32, #tpu.memory_space<vmem>>
      %dma_start3A_201 = arith.constant 0 : i32
      %dma_start3A_202 = tpu.memref_slice %arg5[%squeeze3A_197, %dma_start3A_201] : memref<1000000x50xf32, #tpu.memory_space<hbm>> -> memref<1x50xf32, #tpu.memory_space<hbm>>
      %dma_start3A_203 = tpu.memref_squeeze %dma_start3A_202 : memref<1x50xf32, #tpu.memory_space<hbm>> -> memref<50xf32, #tpu.memory_space<hbm>>
      %dma_start3A_204 = arith.constant 0 : i32
      %dma_start3A_205 = tpu.memref_slice %arg11[%add3A_181, %dma_start3A_204] : memref<256x50xf32, #tpu.memory_space<vmem>> -> memref<1x50xf32, #tpu.memory_space<vmem>>
      %dma_start3A_206 = tpu.memref_squeeze %dma_start3A_205 : memref<1x50xf32, #tpu.memory_space<vmem>> -> memref<50xf32, #tpu.memory_space<vmem>>
      %dma_start3A_207 = arith.constant 0 : i32
      %dma_start3A_208 = tpu.memref_slice %arg5[%squeeze3A_197, %dma_start3A_207] : memref<1000000x50xf32, #tpu.memory_space<hbm>> -> memref<1x50xf32, #tpu.memory_space<hbm>>
      %dma_start3A_209 = tpu.memref_squeeze %dma_start3A_208 : memref<1x50xf32, #tpu.memory_space<hbm>> -> memref<50xf32, #tpu.memory_space<hbm>>
      tpu.enqueue_dma source(%dma_start3A_209 : memref<50xf32, #tpu.memory_space<hbm>>) target(%dma_start3A_206 : memref<50xf32, #tpu.memory_space<vmem>>) target_semaphore(%arg13 : memref<!tpu.dma_semaphore, #tpu.memory_space<semaphore_mem>>)
      %mul3A_210 = arith.constant 16 : i32
      %mul3A_211 = arith.muli %scan3A_38, %mul3A_210 : i32
      %add3A_212 = arith.constant 5 : i32
      %add3A_213 = arith.addi %mul3A_211, %add3A_212 : i32
      %slice3A_214 = vector.extract_strided_slice %get3A_45 {offsets = [5], sizes = [1], strides = [1]} : vector<16xi32> to vector<1xi32>
      %squeeze3A_215 = vector.extract %slice3A_214[0] : i32 from vector<1xi32>
      %dma_start3A_216 = arith.constant 0 : i32
      %dma_start3A_217 = tpu.memref_slice %arg10[%add3A_213, %dma_start3A_216] : memref<256x50xf32, #tpu.memory_space<vmem>> -> memref<1x50xf32, #tpu.memory_space<vmem>>
      %dma_start3A_218 = tpu.memref_squeeze %dma_start3A_217 : memref<1x50xf32, #tpu.memory_space<vmem>> -> memref<50xf32, #tpu.memory_space<vmem>>
      %dma_start3A_219 = arith.constant 0 : i32
      %dma_start3A_220 = tpu.memref_slice %arg4[%squeeze3A_215, %dma_start3A_219] : memref<1000000x50xf32, #tpu.memory_space<hbm>> -> memref<1x50xf32, #tpu.memory_space<hbm>>
      %dma_start3A_221 = tpu.memref_squeeze %dma_start3A_220 : memref<1x50xf32, #tpu.memory_space<hbm>> -> memref<50xf32, #tpu.memory_space<hbm>>
      %dma_start3A_222 = arith.constant 0 : i32
      %dma_start3A_223 = tpu.memref_slice %arg10[%add3A_213, %dma_start3A_222] : memref<256x50xf32, #tpu.memory_space<vmem>> -> memref<1x50xf32, #tpu.memory_space<vmem>>
      %dma_start3A_224 = tpu.memref_squeeze %dma_start3A_223 : memref<1x50xf32, #tpu.memory_space<vmem>> -> memref<50xf32, #tpu.memory_space<vmem>>
      %dma_start3A_225 = arith.constant 0 : i32
      %dma_start3A_226 = tpu.memref_slice %arg4[%squeeze3A_215, %dma_start3A_225] : memref<1000000x50xf32, #tpu.memory_space<hbm>> -> memref<1x50xf32, #tpu.memory_space<hbm>>
      %dma_start3A_227 = tpu.memref_squeeze %dma_start3A_226 : memref<1x50xf32, #tpu.memory_space<hbm>> -> memref<50xf32, #tpu.memory_space<hbm>>
      tpu.enqueue_dma source(%dma_start3A_227 : memref<50xf32, #tpu.memory_space<hbm>>) target(%dma_start3A_224 : memref<50xf32, #tpu.memory_space<vmem>>) target_semaphore(%arg12 : memref<!tpu.dma_semaphore, #tpu.memory_space<semaphore_mem>>)
      %slice3A_228 = vector.extract_strided_slice %get3A_52 {offsets = [5], sizes = [1], strides = [1]} : vector<16xi32> to vector<1xi32>
      %squeeze3A_229 = vector.extract %slice3A_228[0] : i32 from vector<1xi32>
      %dma_start3A_230 = arith.constant 0 : i32
      %dma_start3A_231 = tpu.memref_slice %arg11[%add3A_213, %dma_start3A_230] : memref<256x50xf32, #tpu.memory_space<vmem>> -> memref<1x50xf32, #tpu.memory_space<vmem>>
      %dma_start3A_232 = tpu.memref_squeeze %dma_start3A_231 : memref<1x50xf32, #tpu.memory_space<vmem>> -> memref<50xf32, #tpu.memory_space<vmem>>
      %dma_start3A_233 = arith.constant 0 : i32
      %dma_start3A_234 = tpu.memref_slice %arg5[%squeeze3A_229, %dma_start3A_233] : memref<1000000x50xf32, #tpu.memory_space<hbm>> -> memref<1x50xf32, #tpu.memory_space<hbm>>
      %dma_start3A_235 = tpu.memref_squeeze %dma_start3A_234 : memref<1x50xf32, #tpu.memory_space<hbm>> -> memref<50xf32, #tpu.memory_space<hbm>>
      %dma_start3A_236 = arith.constant 0 : i32
      %dma_start3A_237 = tpu.memref_slice %arg11[%add3A_213, %dma_start3A_236] : memref<256x50xf32, #tpu.memory_space<vmem>> -> memref<1x50xf32, #tpu.memory_space<vmem>>
      %dma_start3A_238 = tpu.memref_squeeze %dma_start3A_237 : memref<1x50xf32, #tpu.memory_space<vmem>> -> memref<50xf32, #tpu.memory_space<vmem>>
      %dma_start3A_239 = arith.constant 0 : i32
      %dma_start3A_240 = tpu.memref_slice %arg5[%squeeze3A_229, %dma_start3A_239] : memref<1000000x50xf32, #tpu.memory_space<hbm>> -> memref<1x50xf32, #tpu.memory_space<hbm>>
      %dma_start3A_241 = tpu.memref_squeeze %dma_start3A_240 : memref<1x50xf32, #tpu.memory_space<hbm>> -> memref<50xf32, #tpu.memory_space<hbm>>
      tpu.enqueue_dma source(%dma_start3A_241 : memref<50xf32, #tpu.memory_space<hbm>>) target(%dma_start3A_238 : memref<50xf32, #tpu.memory_space<vmem>>) target_semaphore(%arg13 : memref<!tpu.dma_semaphore, #tpu.memory_space<semaphore_mem>>)
      %mul3A_242 = arith.constant 16 : i32
      %mul3A_243 = arith.muli %scan3A_38, %mul3A_242 : i32
      %add3A_244 = arith.constant 6 : i32
      %add3A_245 = arith.addi %mul3A_243, %add3A_244 : i32
      %slice3A_246 = vector.extract_strided_slice %get3A_45 {offsets = [6], sizes = [1], strides = [1]} : vector<16xi32> to vector<1xi32>
      %squeeze3A_247 = vector.extract %slice3A_246[0] : i32 from vector<1xi32>
      %dma_start3A_248 = arith.constant 0 : i32
      %dma_start3A_249 = tpu.memref_slice %arg10[%add3A_245, %dma_start3A_248] : memref<256x50xf32, #tpu.memory_space<vmem>> -> memref<1x50xf32, #tpu.memory_space<vmem>>
      %dma_start3A_250 = tpu.memref_squeeze %dma_start3A_249 : memref<1x50xf32, #tpu.memory_space<vmem>> -> memref<50xf32, #tpu.memory_space<vmem>>
      %dma_start3A_251 = arith.constant 0 : i32
      %dma_start3A_252 = tpu.memref_slice %arg4[%squeeze3A_247, %dma_start3A_251] : memref<1000000x50xf32, #tpu.memory_space<hbm>> -> memref<1x50xf32, #tpu.memory_space<hbm>>
      %dma_start3A_253 = tpu.memref_squeeze %dma_start3A_252 : memref<1x50xf32, #tpu.memory_space<hbm>> -> memref<50xf32, #tpu.memory_space<hbm>>
      %dma_start3A_254 = arith.constant 0 : i32
      %dma_start3A_255 = tpu.memref_slice %arg10[%add3A_245, %dma_start3A_254] : memref<256x50xf32, #tpu.memory_space<vmem>> -> memref<1x50xf32, #tpu.memory_space<vmem>>
      %dma_start3A_256 = tpu.memref_squeeze %dma_start3A_255 : memref<1x50xf32, #tpu.memory_space<vmem>> -> memref<50xf32, #tpu.memory_space<vmem>>
      %dma_start3A_257 = arith.constant 0 : i32
      %dma_start3A_258 = tpu.memref_slice %arg4[%squeeze3A_247, %dma_start3A_257] : memref<1000000x50xf32, #tpu.memory_space<hbm>> -> memref<1x50xf32, #tpu.memory_space<hbm>>
      %dma_start3A_259 = tpu.memref_squeeze %dma_start3A_258 : memref<1x50xf32, #tpu.memory_space<hbm>> -> memref<50xf32, #tpu.memory_space<hbm>>
      tpu.enqueue_dma source(%dma_start3A_259 : memref<50xf32, #tpu.memory_space<hbm>>) target(%dma_start3A_256 : memref<50xf32, #tpu.memory_space<vmem>>) target_semaphore(%arg12 : memref<!tpu.dma_semaphore, #tpu.memory_space<semaphore_mem>>)
      %slice3A_260 = vector.extract_strided_slice %get3A_52 {offsets = [6], sizes = [1], strides = [1]} : vector<16xi32> to vector<1xi32>
      %squeeze3A_261 = vector.extract %slice3A_260[0] : i32 from vector<1xi32>
      %dma_start3A_262 = arith.constant 0 : i32
      %dma_start3A_263 = tpu.memref_slice %arg11[%add3A_245, %dma_start3A_262] : memref<256x50xf32, #tpu.memory_space<vmem>> -> memref<1x50xf32, #tpu.memory_space<vmem>>
      %dma_start3A_264 = tpu.memref_squeeze %dma_start3A_263 : memref<1x50xf32, #tpu.memory_space<vmem>> -> memref<50xf32, #tpu.memory_space<vmem>>
      %dma_start3A_265 = arith.constant 0 : i32
      %dma_start3A_266 = tpu.memref_slice %arg5[%squeeze3A_261, %dma_start3A_265] : memref<1000000x50xf32, #tpu.memory_space<hbm>> -> memref<1x50xf32, #tpu.memory_space<hbm>>
      %dma_start3A_267 = tpu.memref_squeeze %dma_start3A_266 : memref<1x50xf32, #tpu.memory_space<hbm>> -> memref<50xf32, #tpu.memory_space<hbm>>
      %dma_start3A_268 = arith.constant 0 : i32
      %dma_start3A_269 = tpu.memref_slice %arg11[%add3A_245, %dma_start3A_268] : memref<256x50xf32, #tpu.memory_space<vmem>> -> memref<1x50xf32, #tpu.memory_space<vmem>>
      %dma_start3A_270 = tpu.memref_squeeze %dma_start3A_269 : memref<1x50xf32, #tpu.memory_space<vmem>> -> memref<50xf32, #tpu.memory_space<vmem>>
      %dma_start3A_271 = arith.constant 0 : i32
      %dma_start3A_272 = tpu.memref_slice %arg5[%squeeze3A_261, %dma_start3A_271] : memref<1000000x50xf32, #tpu.memory_space<hbm>> -> memref<1x50xf32, #tpu.memory_space<hbm>>
      %dma_start3A_273 = tpu.memref_squeeze %dma_start3A_272 : memref<1x50xf32, #tpu.memory_space<hbm>> -> memref<50xf32, #tpu.memory_space<hbm>>
      tpu.enqueue_dma source(%dma_start3A_273 : memref<50xf32, #tpu.memory_space<hbm>>) target(%dma_start3A_270 : memref<50xf32, #tpu.memory_space<vmem>>) target_semaphore(%arg13 : memref<!tpu.dma_semaphore, #tpu.memory_space<semaphore_mem>>)
      %mul3A_274 = arith.constant 16 : i32
      %mul3A_275 = arith.muli %scan3A_38, %mul3A_274 : i32
      %add3A_276 = arith.constant 7 : i32
      %add3A_277 = arith.addi %mul3A_275, %add3A_276 : i32
      %slice3A_278 = vector.extract_strided_slice %get3A_45 {offsets = [7], sizes = [1], strides = [1]} : vector<16xi32> to vector<1xi32>
      %squeeze3A_279 = vector.extract %slice3A_278[0] : i32 from vector<1xi32>
      %dma_start3A_280 = arith.constant 0 : i32
      %dma_start3A_281 = tpu.memref_slice %arg10[%add3A_277, %dma_start3A_280] : memref<256x50xf32, #tpu.memory_space<vmem>> -> memref<1x50xf32, #tpu.memory_space<vmem>>
      %dma_start3A_282 = tpu.memref_squeeze %dma_start3A_281 : memref<1x50xf32, #tpu.memory_space<vmem>> -> memref<50xf32, #tpu.memory_space<vmem>>
      %dma_start3A_283 = arith.constant 0 : i32
      %dma_start3A_284 = tpu.memref_slice %arg4[%squeeze3A_279, %dma_start3A_283] : memref<1000000x50xf32, #tpu.memory_space<hbm>> -> memref<1x50xf32, #tpu.memory_space<hbm>>
      %dma_start3A_285 = tpu.memref_squeeze %dma_start3A_284 : memref<1x50xf32, #tpu.memory_space<hbm>> -> memref<50xf32, #tpu.memory_space<hbm>>
      %dma_start3A_286 = arith.constant 0 : i32
      %dma_start3A_287 = tpu.memref_slice %arg10[%add3A_277, %dma_start3A_286] : memref<256x50xf32, #tpu.memory_space<vmem>> -> memref<1x50xf32, #tpu.memory_space<vmem>>
      %dma_start3A_288 = tpu.memref_squeeze %dma_start3A_287 : memref<1x50xf32, #tpu.memory_space<vmem>> -> memref<50xf32, #tpu.memory_space<vmem>>
      %dma_start3A_289 = arith.constant 0 : i32
      %dma_start3A_290 = tpu.memref_slice %arg4[%squeeze3A_279, %dma_start3A_289] : memref<1000000x50xf32, #tpu.memory_space<hbm>> -> memref<1x50xf32, #tpu.memory_space<hbm>>
      %dma_start3A_291 = tpu.memref_squeeze %dma_start3A_290 : memref<1x50xf32, #tpu.memory_space<hbm>> -> memref<50xf32, #tpu.memory_space<hbm>>
      tpu.enqueue_dma source(%dma_start3A_291 : memref<50xf32, #tpu.memory_space<hbm>>) target(%dma_start3A_288 : memref<50xf32, #tpu.memory_space<vmem>>) target_semaphore(%arg12 : memref<!tpu.dma_semaphore, #tpu.memory_space<semaphore_mem>>)
      %slice3A_292 = vector.extract_strided_slice %get3A_52 {offsets = [7], sizes = [1], strides = [1]} : vector<16xi32> to vector<1xi32>
      %squeeze3A_293 = vector.extract %slice3A_292[0] : i32 from vector<1xi32>
      %dma_start3A_294 = arith.constant 0 : i32
      %dma_start3A_295 = tpu.memref_slice %arg11[%add3A_277, %dma_start3A_294] : memref<256x50xf32, #tpu.memory_space<vmem>> -> memref<1x50xf32, #tpu.memory_space<vmem>>
      %dma_start3A_296 = tpu.memref_squeeze %dma_start3A_295 : memref<1x50xf32, #tpu.memory_space<vmem>> -> memref<50xf32, #tpu.memory_space<vmem>>
      %dma_start3A_297 = arith.constant 0 : i32
      %dma_start3A_298 = tpu.memref_slice %arg5[%squeeze3A_293, %dma_start3A_297] : memref<1000000x50xf32, #tpu.memory_space<hbm>> -> memref<1x50xf32, #tpu.memory_space<hbm>>
      %dma_start3A_299 = tpu.memref_squeeze %dma_start3A_298 : memref<1x50xf32, #tpu.memory_space<hbm>> -> memref<50xf32, #tpu.memory_space<hbm>>
      %dma_start3A_300 = arith.constant 0 : i32
      %dma_start3A_301 = tpu.memref_slice %arg11[%add3A_277, %dma_start3A_300] : memref<256x50xf32, #tpu.memory_space<vmem>> -> memref<1x50xf32, #tpu.memory_space<vmem>>
      %dma_start3A_302 = tpu.memref_squeeze %dma_start3A_301 : memref<1x50xf32, #tpu.memory_space<vmem>> -> memref<50xf32, #tpu.memory_space<vmem>>
      %dma_start3A_303 = arith.constant 0 : i32
      %dma_start3A_304 = tpu.memref_slice %arg5[%squeeze3A_293, %dma_start3A_303] : memref<1000000x50xf32, #tpu.memory_space<hbm>> -> memref<1x50xf32, #tpu.memory_space<hbm>>
      %dma_start3A_305 = tpu.memref_squeeze %dma_start3A_304 : memref<1x50xf32, #tpu.memory_space<hbm>> -> memref<50xf32, #tpu.memory_space<hbm>>
      tpu.enqueue_dma source(%dma_start3A_305 : memref<50xf32, #tpu.memory_space<hbm>>) target(%dma_start3A_302 : memref<50xf32, #tpu.memory_space<vmem>>) target_semaphore(%arg13 : memref<!tpu.dma_semaphore, #tpu.memory_space<semaphore_mem>>)
      %mul3A_306 = arith.constant 16 : i32
      %mul3A_307 = arith.muli %scan3A_38, %mul3A_306 : i32
      %add3A_308 = arith.constant 8 : i32
      %add3A_309 = arith.addi %mul3A_307, %add3A_308 : i32
      %slice3A_310 = vector.extract_strided_slice %get3A_45 {offsets = [8], sizes = [1], strides = [1]} : vector<16xi32> to vector<1xi32>
      %squeeze3A_311 = vector.extract %slice3A_310[0] : i32 from vector<1xi32>
      %dma_start3A_312 = arith.constant 0 : i32
      %dma_start3A_313 = tpu.memref_slice %arg10[%add3A_309, %dma_start3A_312] : memref<256x50xf32, #tpu.memory_space<vmem>> -> memref<1x50xf32, #tpu.memory_space<vmem>>
      %dma_start3A_314 = tpu.memref_squeeze %dma_start3A_313 : memref<1x50xf32, #tpu.memory_space<vmem>> -> memref<50xf32, #tpu.memory_space<vmem>>
      %dma_start3A_315 = arith.constant 0 : i32
      %dma_start3A_316 = tpu.memref_slice %arg4[%squeeze3A_311, %dma_start3A_315] : memref<1000000x50xf32, #tpu.memory_space<hbm>> -> memref<1x50xf32, #tpu.memory_space<hbm>>
      %dma_start3A_317 = tpu.memref_squeeze %dma_start3A_316 : memref<1x50xf32, #tpu.memory_space<hbm>> -> memref<50xf32, #tpu.memory_space<hbm>>
      %dma_start3A_318 = arith.constant 0 : i32
      %dma_start3A_319 = tpu.memref_slice %arg10[%add3A_309, %dma_start3A_318] : memref<256x50xf32, #tpu.memory_space<vmem>> -> memref<1x50xf32, #tpu.memory_space<vmem>>
      %dma_start3A_320 = tpu.memref_squeeze %dma_start3A_319 : memref<1x50xf32, #tpu.memory_space<vmem>> -> memref<50xf32, #tpu.memory_space<vmem>>
      %dma_start3A_321 = arith.constant 0 : i32
      %dma_start3A_322 = tpu.memref_slice %arg4[%squeeze3A_311, %dma_start3A_321] : memref<1000000x50xf32, #tpu.memory_space<hbm>> -> memref<1x50xf32, #tpu.memory_space<hbm>>
      %dma_start3A_323 = tpu.memref_squeeze %dma_start3A_322 : memref<1x50xf32, #tpu.memory_space<hbm>> -> memref<50xf32, #tpu.memory_space<hbm>>
      tpu.enqueue_dma source(%dma_start3A_323 : memref<50xf32, #tpu.memory_space<hbm>>) target(%dma_start3A_320 : memref<50xf32, #tpu.memory_space<vmem>>) target_semaphore(%arg12 : memref<!tpu.dma_semaphore, #tpu.memory_space<semaphore_mem>>)
      %slice3A_324 = vector.extract_strided_slice %get3A_52 {offsets = [8], sizes = [1], strides = [1]} : vector<16xi32> to vector<1xi32>
      %squeeze3A_325 = vector.extract %slice3A_324[0] : i32 from vector<1xi32>
      %dma_start3A_326 = arith.constant 0 : i32
      %dma_start3A_327 = tpu.memref_slice %arg11[%add3A_309, %dma_start3A_326] : memref<256x50xf32, #tpu.memory_space<vmem>> -> memref<1x50xf32, #tpu.memory_space<vmem>>
      %dma_start3A_328 = tpu.memref_squeeze %dma_start3A_327 : memref<1x50xf32, #tpu.memory_space<vmem>> -> memref<50xf32, #tpu.memory_space<vmem>>
      %dma_start3A_329 = arith.constant 0 : i32
      %dma_start3A_330 = tpu.memref_slice %arg5[%squeeze3A_325, %dma_start3A_329] : memref<1000000x50xf32, #tpu.memory_space<hbm>> -> memref<1x50xf32, #tpu.memory_space<hbm>>
      %dma_start3A_331 = tpu.memref_squeeze %dma_start3A_330 : memref<1x50xf32, #tpu.memory_space<hbm>> -> memref<50xf32, #tpu.memory_space<hbm>>
      %dma_start3A_332 = arith.constant 0 : i32
      %dma_start3A_333 = tpu.memref_slice %arg11[%add3A_309, %dma_start3A_332] : memref<256x50xf32, #tpu.memory_space<vmem>> -> memref<1x50xf32, #tpu.memory_space<vmem>>
      %dma_start3A_334 = tpu.memref_squeeze %dma_start3A_333 : memref<1x50xf32, #tpu.memory_space<vmem>> -> memref<50xf32, #tpu.memory_space<vmem>>
      %dma_start3A_335 = arith.constant 0 : i32
      %dma_start3A_336 = tpu.memref_slice %arg5[%squeeze3A_325, %dma_start3A_335] : memref<1000000x50xf32, #tpu.memory_space<hbm>> -> memref<1x50xf32, #tpu.memory_space<hbm>>
      %dma_start3A_337 = tpu.memref_squeeze %dma_start3A_336 : memref<1x50xf32, #tpu.memory_space<hbm>> -> memref<50xf32, #tpu.memory_space<hbm>>
      tpu.enqueue_dma source(%dma_start3A_337 : memref<50xf32, #tpu.memory_space<hbm>>) target(%dma_start3A_334 : memref<50xf32, #tpu.memory_space<vmem>>) target_semaphore(%arg13 : memref<!tpu.dma_semaphore, #tpu.memory_space<semaphore_mem>>)
      %mul3A_338 = arith.constant 16 : i32
      %mul3A_339 = arith.muli %scan3A_38, %mul3A_338 : i32
      %add3A_340 = arith.constant 9 : i32
      %add3A_341 = arith.addi %mul3A_339, %add3A_340 : i32
      %slice3A_342 = vector.extract_strided_slice %get3A_45 {offsets = [9], sizes = [1], strides = [1]} : vector<16xi32> to vector<1xi32>
      %squeeze3A_343 = vector.extract %slice3A_342[0] : i32 from vector<1xi32>
      %dma_start3A_344 = arith.constant 0 : i32
      %dma_start3A_345 = tpu.memref_slice %arg10[%add3A_341, %dma_start3A_344] : memref<256x50xf32, #tpu.memory_space<vmem>> -> memref<1x50xf32, #tpu.memory_space<vmem>>
      %dma_start3A_346 = tpu.memref_squeeze %dma_start3A_345 : memref<1x50xf32, #tpu.memory_space<vmem>> -> memref<50xf32, #tpu.memory_space<vmem>>
      %dma_start3A_347 = arith.constant 0 : i32
      %dma_start3A_348 = tpu.memref_slice %arg4[%squeeze3A_343, %dma_start3A_347] : memref<1000000x50xf32, #tpu.memory_space<hbm>> -> memref<1x50xf32, #tpu.memory_space<hbm>>
      %dma_start3A_349 = tpu.memref_squeeze %dma_start3A_348 : memref<1x50xf32, #tpu.memory_space<hbm>> -> memref<50xf32, #tpu.memory_space<hbm>>
      %dma_start3A_350 = arith.constant 0 : i32
      %dma_start3A_351 = tpu.memref_slice %arg10[%add3A_341, %dma_start3A_350] : memref<256x50xf32, #tpu.memory_space<vmem>> -> memref<1x50xf32, #tpu.memory_space<vmem>>
      %dma_start3A_352 = tpu.memref_squeeze %dma_start3A_351 : memref<1x50xf32, #tpu.memory_space<vmem>> -> memref<50xf32, #tpu.memory_space<vmem>>
      %dma_start3A_353 = arith.constant 0 : i32
      %dma_start3A_354 = tpu.memref_slice %arg4[%squeeze3A_343, %dma_start3A_353] : memref<1000000x50xf32, #tpu.memory_space<hbm>> -> memref<1x50xf32, #tpu.memory_space<hbm>>
      %dma_start3A_355 = tpu.memref_squeeze %dma_start3A_354 : memref<1x50xf32, #tpu.memory_space<hbm>> -> memref<50xf32, #tpu.memory_space<hbm>>
      tpu.enqueue_dma source(%dma_start3A_355 : memref<50xf32, #tpu.memory_space<hbm>>) target(%dma_start3A_352 : memref<50xf32, #tpu.memory_space<vmem>>) target_semaphore(%arg12 : memref<!tpu.dma_semaphore, #tpu.memory_space<semaphore_mem>>)
      %slice3A_356 = vector.extract_strided_slice %get3A_52 {offsets = [9], sizes = [1], strides = [1]} : vector<16xi32> to vector<1xi32>
      %squeeze3A_357 = vector.extract %slice3A_356[0] : i32 from vector<1xi32>
      %dma_start3A_358 = arith.constant 0 : i32
      %dma_start3A_359 = tpu.memref_slice %arg11[%add3A_341, %dma_start3A_358] : memref<256x50xf32, #tpu.memory_space<vmem>> -> memref<1x50xf32, #tpu.memory_space<vmem>>
      %dma_start3A_360 = tpu.memref_squeeze %dma_start3A_359 : memref<1x50xf32, #tpu.memory_space<vmem>> -> memref<50xf32, #tpu.memory_space<vmem>>
      %dma_start3A_361 = arith.constant 0 : i32
      %dma_start3A_362 = tpu.memref_slice %arg5[%squeeze3A_357, %dma_start3A_361] : memref<1000000x50xf32, #tpu.memory_space<hbm>> -> memref<1x50xf32, #tpu.memory_space<hbm>>
      %dma_start3A_363 = tpu.memref_squeeze %dma_start3A_362 : memref<1x50xf32, #tpu.memory_space<hbm>> -> memref<50xf32, #tpu.memory_space<hbm>>
      %dma_start3A_364 = arith.constant 0 : i32
      %dma_start3A_365 = tpu.memref_slice %arg11[%add3A_341, %dma_start3A_364] : memref<256x50xf32, #tpu.memory_space<vmem>> -> memref<1x50xf32, #tpu.memory_space<vmem>>
      %dma_start3A_366 = tpu.memref_squeeze %dma_start3A_365 : memref<1x50xf32, #tpu.memory_space<vmem>> -> memref<50xf32, #tpu.memory_space<vmem>>
      %dma_start3A_367 = arith.constant 0 : i32
      %dma_start3A_368 = tpu.memref_slice %arg5[%squeeze3A_357, %dma_start3A_367] : memref<1000000x50xf32, #tpu.memory_space<hbm>> -> memref<1x50xf32, #tpu.memory_space<hbm>>
      %dma_start3A_369 = tpu.memref_squeeze %dma_start3A_368 : memref<1x50xf32, #tpu.memory_space<hbm>> -> memref<50xf32, #tpu.memory_space<hbm>>
      tpu.enqueue_dma source(%dma_start3A_369 : memref<50xf32, #tpu.memory_space<hbm>>) target(%dma_start3A_366 : memref<50xf32, #tpu.memory_space<vmem>>) target_semaphore(%arg13 : memref<!tpu.dma_semaphore, #tpu.memory_space<semaphore_mem>>)
      %mul3A_370 = arith.constant 16 : i32
      %mul3A_371 = arith.muli %scan3A_38, %mul3A_370 : i32
      %add3A_372 = arith.constant 10 : i32
      %add3A_373 = arith.addi %mul3A_371, %add3A_372 : i32
      %slice3A_374 = vector.extract_strided_slice %get3A_45 {offsets = [10], sizes = [1], strides = [1]} : vector<16xi32> to vector<1xi32>
      %squeeze3A_375 = vector.extract %slice3A_374[0] : i32 from vector<1xi32>
      %dma_start3A_376 = arith.constant 0 : i32
      %dma_start3A_377 = tpu.memref_slice %arg10[%add3A_373, %dma_start3A_376] : memref<256x50xf32, #tpu.memory_space<vmem>> -> memref<1x50xf32, #tpu.memory_space<vmem>>
      %dma_start3A_378 = tpu.memref_squeeze %dma_start3A_377 : memref<1x50xf32, #tpu.memory_space<vmem>> -> memref<50xf32, #tpu.memory_space<vmem>>
      %dma_start3A_379 = arith.constant 0 : i32
      %dma_start3A_380 = tpu.memref_slice %arg4[%squeeze3A_375, %dma_start3A_379] : memref<1000000x50xf32, #tpu.memory_space<hbm>> -> memref<1x50xf32, #tpu.memory_space<hbm>>
      %dma_start3A_381 = tpu.memref_squeeze %dma_start3A_380 : memref<1x50xf32, #tpu.memory_space<hbm>> -> memref<50xf32, #tpu.memory_space<hbm>>
      %dma_start3A_382 = arith.constant 0 : i32
      %dma_start3A_383 = tpu.memref_slice %arg10[%add3A_373, %dma_start3A_382] : memref<256x50xf32, #tpu.memory_space<vmem>> -> memref<1x50xf32, #tpu.memory_space<vmem>>
      %dma_start3A_384 = tpu.memref_squeeze %dma_start3A_383 : memref<1x50xf32, #tpu.memory_space<vmem>> -> memref<50xf32, #tpu.memory_space<vmem>>
      %dma_start3A_385 = arith.constant 0 : i32
      %dma_start3A_386 = tpu.memref_slice %arg4[%squeeze3A_375, %dma_start3A_385] : memref<1000000x50xf32, #tpu.memory_space<hbm>> -> memref<1x50xf32, #tpu.memory_space<hbm>>
      %dma_start3A_387 = tpu.memref_squeeze %dma_start3A_386 : memref<1x50xf32, #tpu.memory_space<hbm>> -> memref<50xf32, #tpu.memory_space<hbm>>
      tpu.enqueue_dma source(%dma_start3A_387 : memref<50xf32, #tpu.memory_space<hbm>>) target(%dma_start3A_384 : memref<50xf32, #tpu.memory_space<vmem>>) target_semaphore(%arg12 : memref<!tpu.dma_semaphore, #tpu.memory_space<semaphore_mem>>)
      %slice3A_388 = vector.extract_strided_slice %get3A_52 {offsets = [10], sizes = [1], strides = [1]} : vector<16xi32> to vector<1xi32>
      %squeeze3A_389 = vector.extract %slice3A_388[0] : i32 from vector<1xi32>
      %dma_start3A_390 = arith.constant 0 : i32
      %dma_start3A_391 = tpu.memref_slice %arg11[%add3A_373, %dma_start3A_390] : memref<256x50xf32, #tpu.memory_space<vmem>> -> memref<1x50xf32, #tpu.memory_space<vmem>>
      %dma_start3A_392 = tpu.memref_squeeze %dma_start3A_391 : memref<1x50xf32, #tpu.memory_space<vmem>> -> memref<50xf32, #tpu.memory_space<vmem>>
      %dma_start3A_393 = arith.constant 0 : i32
      %dma_start3A_394 = tpu.memref_slice %arg5[%squeeze3A_389, %dma_start3A_393] : memref<1000000x50xf32, #tpu.memory_space<hbm>> -> memref<1x50xf32, #tpu.memory_space<hbm>>
      %dma_start3A_395 = tpu.memref_squeeze %dma_start3A_394 : memref<1x50xf32, #tpu.memory_space<hbm>> -> memref<50xf32, #tpu.memory_space<hbm>>
      %dma_start3A_396 = arith.constant 0 : i32
      %dma_start3A_397 = tpu.memref_slice %arg11[%add3A_373, %dma_start3A_396] : memref<256x50xf32, #tpu.memory_space<vmem>> -> memref<1x50xf32, #tpu.memory_space<vmem>>
      %dma_start3A_398 = tpu.memref_squeeze %dma_start3A_397 : memref<1x50xf32, #tpu.memory_space<vmem>> -> memref<50xf32, #tpu.memory_space<vmem>>
      %dma_start3A_399 = arith.constant 0 : i32
      %dma_start3A_400 = tpu.memref_slice %arg5[%squeeze3A_389, %dma_start3A_399] : memref<1000000x50xf32, #tpu.memory_space<hbm>> -> memref<1x50xf32, #tpu.memory_space<hbm>>
      %dma_start3A_401 = tpu.memref_squeeze %dma_start3A_400 : memref<1x50xf32, #tpu.memory_space<hbm>> -> memref<50xf32, #tpu.memory_space<hbm>>
      tpu.enqueue_dma source(%dma_start3A_401 : memref<50xf32, #tpu.memory_space<hbm>>) target(%dma_start3A_398 : memref<50xf32, #tpu.memory_space<vmem>>) target_semaphore(%arg13 : memref<!tpu.dma_semaphore, #tpu.memory_space<semaphore_mem>>)
      %mul3A_402 = arith.constant 16 : i32
      %mul3A_403 = arith.muli %scan3A_38, %mul3A_402 : i32
      %add3A_404 = arith.constant 11 : i32
      %add3A_405 = arith.addi %mul3A_403, %add3A_404 : i32
      %slice3A_406 = vector.extract_strided_slice %get3A_45 {offsets = [11], sizes = [1], strides = [1]} : vector<16xi32> to vector<1xi32>
      %squeeze3A_407 = vector.extract %slice3A_406[0] : i32 from vector<1xi32>
      %dma_start3A_408 = arith.constant 0 : i32
      %dma_start3A_409 = tpu.memref_slice %arg10[%add3A_405, %dma_start3A_408] : memref<256x50xf32, #tpu.memory_space<vmem>> -> memref<1x50xf32, #tpu.memory_space<vmem>>
      %dma_start3A_410 = tpu.memref_squeeze %dma_start3A_409 : memref<1x50xf32, #tpu.memory_space<vmem>> -> memref<50xf32, #tpu.memory_space<vmem>>
      %dma_start3A_411 = arith.constant 0 : i32
      %dma_start3A_412 = tpu.memref_slice %arg4[%squeeze3A_407, %dma_start3A_411] : memref<1000000x50xf32, #tpu.memory_space<hbm>> -> memref<1x50xf32, #tpu.memory_space<hbm>>
      %dma_start3A_413 = tpu.memref_squeeze %dma_start3A_412 : memref<1x50xf32, #tpu.memory_space<hbm>> -> memref<50xf32, #tpu.memory_space<hbm>>
      %dma_start3A_414 = arith.constant 0 : i32
      %dma_start3A_415 = tpu.memref_slice %arg10[%add3A_405, %dma_start3A_414] : memref<256x50xf32, #tpu.memory_space<vmem>> -> memref<1x50xf32, #tpu.memory_space<vmem>>
      %dma_start3A_416 = tpu.memref_squeeze %dma_start3A_415 : memref<1x50xf32, #tpu.memory_space<vmem>> -> memref<50xf32, #tpu.memory_space<vmem>>
      %dma_start3A_417 = arith.constant 0 : i32
      %dma_start3A_418 = tpu.memref_slice %arg4[%squeeze3A_407, %dma_start3A_417] : memref<1000000x50xf32, #tpu.memory_space<hbm>> -> memref<1x50xf32, #tpu.memory_space<hbm>>
      %dma_start3A_419 = tpu.memref_squeeze %dma_start3A_418 : memref<1x50xf32, #tpu.memory_space<hbm>> -> memref<50xf32, #tpu.memory_space<hbm>>
      tpu.enqueue_dma source(%dma_start3A_419 : memref<50xf32, #tpu.memory_space<hbm>>) target(%dma_start3A_416 : memref<50xf32, #tpu.memory_space<vmem>>) target_semaphore(%arg12 : memref<!tpu.dma_semaphore, #tpu.memory_space<semaphore_mem>>)
      %slice3A_420 = vector.extract_strided_slice %get3A_52 {offsets = [11], sizes = [1], strides = [1]} : vector<16xi32> to vector<1xi32>
      %squeeze3A_421 = vector.extract %slice3A_420[0] : i32 from vector<1xi32>
      %dma_start3A_422 = arith.constant 0 : i32
      %dma_start3A_423 = tpu.memref_slice %arg11[%add3A_405, %dma_start3A_422] : memref<256x50xf32, #tpu.memory_space<vmem>> -> memref<1x50xf32, #tpu.memory_space<vmem>>
      %dma_start3A_424 = tpu.memref_squeeze %dma_start3A_423 : memref<1x50xf32, #tpu.memory_space<vmem>> -> memref<50xf32, #tpu.memory_space<vmem>>
      %dma_start3A_425 = arith.constant 0 : i32
      %dma_start3A_426 = tpu.memref_slice %arg5[%squeeze3A_421, %dma_start3A_425] : memref<1000000x50xf32, #tpu.memory_space<hbm>> -> memref<1x50xf32, #tpu.memory_space<hbm>>
      %dma_start3A_427 = tpu.memref_squeeze %dma_start3A_426 : memref<1x50xf32, #tpu.memory_space<hbm>> -> memref<50xf32, #tpu.memory_space<hbm>>
      %dma_start3A_428 = arith.constant 0 : i32
      %dma_start3A_429 = tpu.memref_slice %arg11[%add3A_405, %dma_start3A_428] : memref<256x50xf32, #tpu.memory_space<vmem>> -> memref<1x50xf32, #tpu.memory_space<vmem>>
      %dma_start3A_430 = tpu.memref_squeeze %dma_start3A_429 : memref<1x50xf32, #tpu.memory_space<vmem>> -> memref<50xf32, #tpu.memory_space<vmem>>
      %dma_start3A_431 = arith.constant 0 : i32
      %dma_start3A_432 = tpu.memref_slice %arg5[%squeeze3A_421, %dma_start3A_431] : memref<1000000x50xf32, #tpu.memory_space<hbm>> -> memref<1x50xf32, #tpu.memory_space<hbm>>
      %dma_start3A_433 = tpu.memref_squeeze %dma_start3A_432 : memref<1x50xf32, #tpu.memory_space<hbm>> -> memref<50xf32, #tpu.memory_space<hbm>>
      tpu.enqueue_dma source(%dma_start3A_433 : memref<50xf32, #tpu.memory_space<hbm>>) target(%dma_start3A_430 : memref<50xf32, #tpu.memory_space<vmem>>) target_semaphore(%arg13 : memref<!tpu.dma_semaphore, #tpu.memory_space<semaphore_mem>>)
      %mul3A_434 = arith.constant 16 : i32
      %mul3A_435 = arith.muli %scan3A_38, %mul3A_434 : i32
      %add3A_436 = arith.constant 12 : i32
      %add3A_437 = arith.addi %mul3A_435, %add3A_436 : i32
      %slice3A_438 = vector.extract_strided_slice %get3A_45 {offsets = [12], sizes = [1], strides = [1]} : vector<16xi32> to vector<1xi32>
      %squeeze3A_439 = vector.extract %slice3A_438[0] : i32 from vector<1xi32>
      %dma_start3A_440 = arith.constant 0 : i32
      %dma_start3A_441 = tpu.memref_slice %arg10[%add3A_437, %dma_start3A_440] : memref<256x50xf32, #tpu.memory_space<vmem>> -> memref<1x50xf32, #tpu.memory_space<vmem>>
      %dma_start3A_442 = tpu.memref_squeeze %dma_start3A_441 : memref<1x50xf32, #tpu.memory_space<vmem>> -> memref<50xf32, #tpu.memory_space<vmem>>
      %dma_start3A_443 = arith.constant 0 : i32
      %dma_start3A_444 = tpu.memref_slice %arg4[%squeeze3A_439, %dma_start3A_443] : memref<1000000x50xf32, #tpu.memory_space<hbm>> -> memref<1x50xf32, #tpu.memory_space<hbm>>
      %dma_start3A_445 = tpu.memref_squeeze %dma_start3A_444 : memref<1x50xf32, #tpu.memory_space<hbm>> -> memref<50xf32, #tpu.memory_space<hbm>>
      %dma_start3A_446 = arith.constant 0 : i32
      %dma_start3A_447 = tpu.memref_slice %arg10[%add3A_437, %dma_start3A_446] : memref<256x50xf32, #tpu.memory_space<vmem>> -> memref<1x50xf32, #tpu.memory_space<vmem>>
      %dma_start3A_448 = tpu.memref_squeeze %dma_start3A_447 : memref<1x50xf32, #tpu.memory_space<vmem>> -> memref<50xf32, #tpu.memory_space<vmem>>
      %dma_start3A_449 = arith.constant 0 : i32
      %dma_start3A_450 = tpu.memref_slice %arg4[%squeeze3A_439, %dma_start3A_449] : memref<1000000x50xf32, #tpu.memory_space<hbm>> -> memref<1x50xf32, #tpu.memory_space<hbm>>
      %dma_start3A_451 = tpu.memref_squeeze %dma_start3A_450 : memref<1x50xf32, #tpu.memory_space<hbm>> -> memref<50xf32, #tpu.memory_space<hbm>>
      tpu.enqueue_dma source(%dma_start3A_451 : memref<50xf32, #tpu.memory_space<hbm>>) target(%dma_start3A_448 : memref<50xf32, #tpu.memory_space<vmem>>) target_semaphore(%arg12 : memref<!tpu.dma_semaphore, #tpu.memory_space<semaphore_mem>>)
      %slice3A_452 = vector.extract_strided_slice %get3A_52 {offsets = [12], sizes = [1], strides = [1]} : vector<16xi32> to vector<1xi32>
      %squeeze3A_453 = vector.extract %slice3A_452[0] : i32 from vector<1xi32>
      %dma_start3A_454 = arith.constant 0 : i32
      %dma_start3A_455 = tpu.memref_slice %arg11[%add3A_437, %dma_start3A_454] : memref<256x50xf32, #tpu.memory_space<vmem>> -> memref<1x50xf32, #tpu.memory_space<vmem>>
      %dma_start3A_456 = tpu.memref_squeeze %dma_start3A_455 : memref<1x50xf32, #tpu.memory_space<vmem>> -> memref<50xf32, #tpu.memory_space<vmem>>
      %dma_start3A_457 = arith.constant 0 : i32
      %dma_start3A_458 = tpu.memref_slice %arg5[%squeeze3A_453, %dma_start3A_457] : memref<1000000x50xf32, #tpu.memory_space<hbm>> -> memref<1x50xf32, #tpu.memory_space<hbm>>
      %dma_start3A_459 = tpu.memref_squeeze %dma_start3A_458 : memref<1x50xf32, #tpu.memory_space<hbm>> -> memref<50xf32, #tpu.memory_space<hbm>>
      %dma_start3A_460 = arith.constant 0 : i32
      %dma_start3A_461 = tpu.memref_slice %arg11[%add3A_437, %dma_start3A_460] : memref<256x50xf32, #tpu.memory_space<vmem>> -> memref<1x50xf32, #tpu.memory_space<vmem>>
      %dma_start3A_462 = tpu.memref_squeeze %dma_start3A_461 : memref<1x50xf32, #tpu.memory_space<vmem>> -> memref<50xf32, #tpu.memory_space<vmem>>
      %dma_start3A_463 = arith.constant 0 : i32
      %dma_start3A_464 = tpu.memref_slice %arg5[%squeeze3A_453, %dma_start3A_463] : memref<1000000x50xf32, #tpu.memory_space<hbm>> -> memref<1x50xf32, #tpu.memory_space<hbm>>
      %dma_start3A_465 = tpu.memref_squeeze %dma_start3A_464 : memref<1x50xf32, #tpu.memory_space<hbm>> -> memref<50xf32, #tpu.memory_space<hbm>>
      tpu.enqueue_dma source(%dma_start3A_465 : memref<50xf32, #tpu.memory_space<hbm>>) target(%dma_start3A_462 : memref<50xf32, #tpu.memory_space<vmem>>) target_semaphore(%arg13 : memref<!tpu.dma_semaphore, #tpu.memory_space<semaphore_mem>>)
      %mul3A_466 = arith.constant 16 : i32
      %mul3A_467 = arith.muli %scan3A_38, %mul3A_466 : i32
      %add3A_468 = arith.constant 13 : i32
      %add3A_469 = arith.addi %mul3A_467, %add3A_468 : i32
      %slice3A_470 = vector.extract_strided_slice %get3A_45 {offsets = [13], sizes = [1], strides = [1]} : vector<16xi32> to vector<1xi32>
      %squeeze3A_471 = vector.extract %slice3A_470[0] : i32 from vector<1xi32>
      %dma_start3A_472 = arith.constant 0 : i32
      %dma_start3A_473 = tpu.memref_slice %arg10[%add3A_469, %dma_start3A_472] : memref<256x50xf32, #tpu.memory_space<vmem>> -> memref<1x50xf32, #tpu.memory_space<vmem>>
      %dma_start3A_474 = tpu.memref_squeeze %dma_start3A_473 : memref<1x50xf32, #tpu.memory_space<vmem>> -> memref<50xf32, #tpu.memory_space<vmem>>
      %dma_start3A_475 = arith.constant 0 : i32
      %dma_start3A_476 = tpu.memref_slice %arg4[%squeeze3A_471, %dma_start3A_475] : memref<1000000x50xf32, #tpu.memory_space<hbm>> -> memref<1x50xf32, #tpu.memory_space<hbm>>
      %dma_start3A_477 = tpu.memref_squeeze %dma_start3A_476 : memref<1x50xf32, #tpu.memory_space<hbm>> -> memref<50xf32, #tpu.memory_space<hbm>>
      %dma_start3A_478 = arith.constant 0 : i32
      %dma_start3A_479 = tpu.memref_slice %arg10[%add3A_469, %dma_start3A_478] : memref<256x50xf32, #tpu.memory_space<vmem>> -> memref<1x50xf32, #tpu.memory_space<vmem>>
      %dma_start3A_480 = tpu.memref_squeeze %dma_start3A_479 : memref<1x50xf32, #tpu.memory_space<vmem>> -> memref<50xf32, #tpu.memory_space<vmem>>
      %dma_start3A_481 = arith.constant 0 : i32
      %dma_start3A_482 = tpu.memref_slice %arg4[%squeeze3A_471, %dma_start3A_481] : memref<1000000x50xf32, #tpu.memory_space<hbm>> -> memref<1x50xf32, #tpu.memory_space<hbm>>
      %dma_start3A_483 = tpu.memref_squeeze %dma_start3A_482 : memref<1x50xf32, #tpu.memory_space<hbm>> -> memref<50xf32, #tpu.memory_space<hbm>>
      tpu.enqueue_dma source(%dma_start3A_483 : memref<50xf32, #tpu.memory_space<hbm>>) target(%dma_start3A_480 : memref<50xf32, #tpu.memory_space<vmem>>) target_semaphore(%arg12 : memref<!tpu.dma_semaphore, #tpu.memory_space<semaphore_mem>>)
      %slice3A_484 = vector.extract_strided_slice %get3A_52 {offsets = [13], sizes = [1], strides = [1]} : vector<16xi32> to vector<1xi32>
      %squeeze3A_485 = vector.extract %slice3A_484[0] : i32 from vector<1xi32>
      %dma_start3A_486 = arith.constant 0 : i32
      %dma_start3A_487 = tpu.memref_slice %arg11[%add3A_469, %dma_start3A_486] : memref<256x50xf32, #tpu.memory_space<vmem>> -> memref<1x50xf32, #tpu.memory_space<vmem>>
      %dma_start3A_488 = tpu.memref_squeeze %dma_start3A_487 : memref<1x50xf32, #tpu.memory_space<vmem>> -> memref<50xf32, #tpu.memory_space<vmem>>
      %dma_start3A_489 = arith.constant 0 : i32
      %dma_start3A_490 = tpu.memref_slice %arg5[%squeeze3A_485, %dma_start3A_489] : memref<1000000x50xf32, #tpu.memory_space<hbm>> -> memref<1x50xf32, #tpu.memory_space<hbm>>
      %dma_start3A_491 = tpu.memref_squeeze %dma_start3A_490 : memref<1x50xf32, #tpu.memory_space<hbm>> -> memref<50xf32, #tpu.memory_space<hbm>>
      %dma_start3A_492 = arith.constant 0 : i32
      %dma_start3A_493 = tpu.memref_slice %arg11[%add3A_469, %dma_start3A_492] : memref<256x50xf32, #tpu.memory_space<vmem>> -> memref<1x50xf32, #tpu.memory_space<vmem>>
      %dma_start3A_494 = tpu.memref_squeeze %dma_start3A_493 : memref<1x50xf32, #tpu.memory_space<vmem>> -> memref<50xf32, #tpu.memory_space<vmem>>
      %dma_start3A_495 = arith.constant 0 : i32
      %dma_start3A_496 = tpu.memref_slice %arg5[%squeeze3A_485, %dma_start3A_495] : memref<1000000x50xf32, #tpu.memory_space<hbm>> -> memref<1x50xf32, #tpu.memory_space<hbm>>
      %dma_start3A_497 = tpu.memref_squeeze %dma_start3A_496 : memref<1x50xf32, #tpu.memory_space<hbm>> -> memref<50xf32, #tpu.memory_space<hbm>>
      tpu.enqueue_dma source(%dma_start3A_497 : memref<50xf32, #tpu.memory_space<hbm>>) target(%dma_start3A_494 : memref<50xf32, #tpu.memory_space<vmem>>) target_semaphore(%arg13 : memref<!tpu.dma_semaphore, #tpu.memory_space<semaphore_mem>>)
      %mul3A_498 = arith.constant 16 : i32
      %mul3A_499 = arith.muli %scan3A_38, %mul3A_498 : i32
      %add3A_500 = arith.constant 14 : i32
      %add3A_501 = arith.addi %mul3A_499, %add3A_500 : i32
      %slice3A_502 = vector.extract_strided_slice %get3A_45 {offsets = [14], sizes = [1], strides = [1]} : vector<16xi32> to vector<1xi32>
      %squeeze3A_503 = vector.extract %slice3A_502[0] : i32 from vector<1xi32>
      %dma_start3A_504 = arith.constant 0 : i32
      %dma_start3A_505 = tpu.memref_slice %arg10[%add3A_501, %dma_start3A_504] : memref<256x50xf32, #tpu.memory_space<vmem>> -> memref<1x50xf32, #tpu.memory_space<vmem>>
      %dma_start3A_506 = tpu.memref_squeeze %dma_start3A_505 : memref<1x50xf32, #tpu.memory_space<vmem>> -> memref<50xf32, #tpu.memory_space<vmem>>
      %dma_start3A_507 = arith.constant 0 : i32
      %dma_start3A_508 = tpu.memref_slice %arg4[%squeeze3A_503, %dma_start3A_507] : memref<1000000x50xf32, #tpu.memory_space<hbm>> -> memref<1x50xf32, #tpu.memory_space<hbm>>
      %dma_start3A_509 = tpu.memref_squeeze %dma_start3A_508 : memref<1x50xf32, #tpu.memory_space<hbm>> -> memref<50xf32, #tpu.memory_space<hbm>>
      %dma_start3A_510 = arith.constant 0 : i32
      %dma_start3A_511 = tpu.memref_slice %arg10[%add3A_501, %dma_start3A_510] : memref<256x50xf32, #tpu.memory_space<vmem>> -> memref<1x50xf32, #tpu.memory_space<vmem>>
      %dma_start3A_512 = tpu.memref_squeeze %dma_start3A_511 : memref<1x50xf32, #tpu.memory_space<vmem>> -> memref<50xf32, #tpu.memory_space<vmem>>
      %dma_start3A_513 = arith.constant 0 : i32
      %dma_start3A_514 = tpu.memref_slice %arg4[%squeeze3A_503, %dma_start3A_513] : memref<1000000x50xf32, #tpu.memory_space<hbm>> -> memref<1x50xf32, #tpu.memory_space<hbm>>
      %dma_start3A_515 = tpu.memref_squeeze %dma_start3A_514 : memref<1x50xf32, #tpu.memory_space<hbm>> -> memref<50xf32, #tpu.memory_space<hbm>>
      tpu.enqueue_dma source(%dma_start3A_515 : memref<50xf32, #tpu.memory_space<hbm>>) target(%dma_start3A_512 : memref<50xf32, #tpu.memory_space<vmem>>) target_semaphore(%arg12 : memref<!tpu.dma_semaphore, #tpu.memory_space<semaphore_mem>>)
      %slice3A_516 = vector.extract_strided_slice %get3A_52 {offsets = [14], sizes = [1], strides = [1]} : vector<16xi32> to vector<1xi32>
      %squeeze3A_517 = vector.extract %slice3A_516[0] : i32 from vector<1xi32>
      %dma_start3A_518 = arith.constant 0 : i32
      %dma_start3A_519 = tpu.memref_slice %arg11[%add3A_501, %dma_start3A_518] : memref<256x50xf32, #tpu.memory_space<vmem>> -> memref<1x50xf32, #tpu.memory_space<vmem>>
      %dma_start3A_520 = tpu.memref_squeeze %dma_start3A_519 : memref<1x50xf32, #tpu.memory_space<vmem>> -> memref<50xf32, #tpu.memory_space<vmem>>
      %dma_start3A_521 = arith.constant 0 : i32
      %dma_start3A_522 = tpu.memref_slice %arg5[%squeeze3A_517, %dma_start3A_521] : memref<1000000x50xf32, #tpu.memory_space<hbm>> -> memref<1x50xf32, #tpu.memory_space<hbm>>
      %dma_start3A_523 = tpu.memref_squeeze %dma_start3A_522 : memref<1x50xf32, #tpu.memory_space<hbm>> -> memref<50xf32, #tpu.memory_space<hbm>>
      %dma_start3A_524 = arith.constant 0 : i32
      %dma_start3A_525 = tpu.memref_slice %arg11[%add3A_501, %dma_start3A_524] : memref<256x50xf32, #tpu.memory_space<vmem>> -> memref<1x50xf32, #tpu.memory_space<vmem>>
      %dma_start3A_526 = tpu.memref_squeeze %dma_start3A_525 : memref<1x50xf32, #tpu.memory_space<vmem>> -> memref<50xf32, #tpu.memory_space<vmem>>
      %dma_start3A_527 = arith.constant 0 : i32
      %dma_start3A_528 = tpu.memref_slice %arg5[%squeeze3A_517, %dma_start3A_527] : memref<1000000x50xf32, #tpu.memory_space<hbm>> -> memref<1x50xf32, #tpu.memory_space<hbm>>
      %dma_start3A_529 = tpu.memref_squeeze %dma_start3A_528 : memref<1x50xf32, #tpu.memory_space<hbm>> -> memref<50xf32, #tpu.memory_space<hbm>>
      tpu.enqueue_dma source(%dma_start3A_529 : memref<50xf32, #tpu.memory_space<hbm>>) target(%dma_start3A_526 : memref<50xf32, #tpu.memory_space<vmem>>) target_semaphore(%arg13 : memref<!tpu.dma_semaphore, #tpu.memory_space<semaphore_mem>>)
      %mul3A_530 = arith.constant 16 : i32
      %mul3A_531 = arith.muli %scan3A_38, %mul3A_530 : i32
      %add3A_532 = arith.constant 15 : i32
      %add3A_533 = arith.addi %mul3A_531, %add3A_532 : i32
      %slice3A_534 = vector.extract_strided_slice %get3A_45 {offsets = [15], sizes = [1], strides = [1]} : vector<16xi32> to vector<1xi32>
      %squeeze3A_535 = vector.extract %slice3A_534[0] : i32 from vector<1xi32>
      %dma_start3A_536 = arith.constant 0 : i32
      %dma_start3A_537 = tpu.memref_slice %arg10[%add3A_533, %dma_start3A_536] : memref<256x50xf32, #tpu.memory_space<vmem>> -> memref<1x50xf32, #tpu.memory_space<vmem>>
      %dma_start3A_538 = tpu.memref_squeeze %dma_start3A_537 : memref<1x50xf32, #tpu.memory_space<vmem>> -> memref<50xf32, #tpu.memory_space<vmem>>
      %dma_start3A_539 = arith.constant 0 : i32
      %dma_start3A_540 = tpu.memref_slice %arg4[%squeeze3A_535, %dma_start3A_539] : memref<1000000x50xf32, #tpu.memory_space<hbm>> -> memref<1x50xf32, #tpu.memory_space<hbm>>
      %dma_start3A_541 = tpu.memref_squeeze %dma_start3A_540 : memref<1x50xf32, #tpu.memory_space<hbm>> -> memref<50xf32, #tpu.memory_space<hbm>>
      %dma_start3A_542 = arith.constant 0 : i32
      %dma_start3A_543 = tpu.memref_slice %arg10[%add3A_533, %dma_start3A_542] : memref<256x50xf32, #tpu.memory_space<vmem>> -> memref<1x50xf32, #tpu.memory_space<vmem>>
      %dma_start3A_544 = tpu.memref_squeeze %dma_start3A_543 : memref<1x50xf32, #tpu.memory_space<vmem>> -> memref<50xf32, #tpu.memory_space<vmem>>
      %dma_start3A_545 = arith.constant 0 : i32
      %dma_start3A_546 = tpu.memref_slice %arg4[%squeeze3A_535, %dma_start3A_545] : memref<1000000x50xf32, #tpu.memory_space<hbm>> -> memref<1x50xf32, #tpu.memory_space<hbm>>
      %dma_start3A_547 = tpu.memref_squeeze %dma_start3A_546 : memref<1x50xf32, #tpu.memory_space<hbm>> -> memref<50xf32, #tpu.memory_space<hbm>>
      tpu.enqueue_dma source(%dma_start3A_547 : memref<50xf32, #tpu.memory_space<hbm>>) target(%dma_start3A_544 : memref<50xf32, #tpu.memory_space<vmem>>) target_semaphore(%arg12 : memref<!tpu.dma_semaphore, #tpu.memory_space<semaphore_mem>>)
      %slice3A_548 = vector.extract_strided_slice %get3A_52 {offsets = [15], sizes = [1], strides = [1]} : vector<16xi32> to vector<1xi32>
      %squeeze3A_549 = vector.extract %slice3A_548[0] : i32 from vector<1xi32>
      %dma_start3A_550 = arith.constant 0 : i32
      %dma_start3A_551 = tpu.memref_slice %arg11[%add3A_533, %dma_start3A_550] : memref<256x50xf32, #tpu.memory_space<vmem>> -> memref<1x50xf32, #tpu.memory_space<vmem>>
      %dma_start3A_552 = tpu.memref_squeeze %dma_start3A_551 : memref<1x50xf32, #tpu.memory_space<vmem>> -> memref<50xf32, #tpu.memory_space<vmem>>
      %dma_start3A_553 = arith.constant 0 : i32
      %dma_start3A_554 = tpu.memref_slice %arg5[%squeeze3A_549, %dma_start3A_553] : memref<1000000x50xf32, #tpu.memory_space<hbm>> -> memref<1x50xf32, #tpu.memory_space<hbm>>
      %dma_start3A_555 = tpu.memref_squeeze %dma_start3A_554 : memref<1x50xf32, #tpu.memory_space<hbm>> -> memref<50xf32, #tpu.memory_space<hbm>>
      %dma_start3A_556 = arith.constant 0 : i32
      %dma_start3A_557 = tpu.memref_slice %arg11[%add3A_533, %dma_start3A_556] : memref<256x50xf32, #tpu.memory_space<vmem>> -> memref<1x50xf32, #tpu.memory_space<vmem>>
      %dma_start3A_558 = tpu.memref_squeeze %dma_start3A_557 : memref<1x50xf32, #tpu.memory_space<vmem>> -> memref<50xf32, #tpu.memory_space<vmem>>
      %dma_start3A_559 = arith.constant 0 : i32
      %dma_start3A_560 = tpu.memref_slice %arg5[%squeeze3A_549, %dma_start3A_559] : memref<1000000x50xf32, #tpu.memory_space<hbm>> -> memref<1x50xf32, #tpu.memory_space<hbm>>
      %dma_start3A_561 = tpu.memref_squeeze %dma_start3A_560 : memref<1x50xf32, #tpu.memory_space<hbm>> -> memref<50xf32, #tpu.memory_space<hbm>>
      tpu.enqueue_dma source(%dma_start3A_561 : memref<50xf32, #tpu.memory_space<hbm>>) target(%dma_start3A_558 : memref<50xf32, #tpu.memory_space<vmem>>) target_semaphore(%arg13 : memref<!tpu.dma_semaphore, #tpu.memory_space<semaphore_mem>>)
      %scan3A_562 = arith.constant 0 : i32
      scf.yield %scan3A_562 : i32
    }
    %scan3A_8 = arith.constant 16 : i32
    %scan3A_9 = arith.constant 0 : i32
    %scan3A_10 = arith.constant 0 : i32
    %scan3A_11 = arith.constant 256 : i32
    %scan3A_12 = arith.addi %scan3A_10, %scan3A_11 : i32
    %scan3A_13 = arith.constant 1 : i32
    %scan3A_14 = scf.for %scan3A_38 = %scan3A_10 to %scan3A_12 step %scan3A_13 iter_args(%scan3A_39 = %scan3A_9) -> (i32)  : i32 {
      %dma_wait3A = arith.constant 0 : i32
      %dma_wait3A_40 = arith.constant 0 : i32
      %dma_wait3A_41 = tpu.memref_slice %arg10[%scan3A_38, %dma_wait3A_40] : memref<256x50xf32, #tpu.memory_space<vmem>> -> memref<1x50xf32, #tpu.memory_space<vmem>>
      %dma_wait3A_42 = tpu.memref_squeeze %dma_wait3A_41 : memref<1x50xf32, #tpu.memory_space<vmem>> -> memref<50xf32, #tpu.memory_space<vmem>>
      %dma_wait3A_43 = arith.constant 0 : i32
      %dma_wait3A_44 = tpu.memref_slice %arg4[%dma_wait3A, %dma_wait3A_43] : memref<1000000x50xf32, #tpu.memory_space<hbm>> -> memref<1x50xf32, #tpu.memory_space<hbm>>
      %dma_wait3A_45 = tpu.memref_squeeze %dma_wait3A_44 : memref<1x50xf32, #tpu.memory_space<hbm>> -> memref<50xf32, #tpu.memory_space<hbm>>
      %dma_wait3A_46 = arith.constant 0 : i32
      %dma_wait3A_47 = tpu.memref_slice %arg10[%scan3A_38, %dma_wait3A_46] : memref<256x50xf32, #tpu.memory_space<vmem>> -> memref<1x50xf32, #tpu.memory_space<vmem>>
      %dma_wait3A_48 = tpu.memref_squeeze %dma_wait3A_47 : memref<1x50xf32, #tpu.memory_space<vmem>> -> memref<50xf32, #tpu.memory_space<vmem>>
      %dma_wait3A_49 = arith.constant 0 : i32
      %dma_wait3A_50 = tpu.memref_slice %arg4[%dma_wait3A, %dma_wait3A_49] : memref<1000000x50xf32, #tpu.memory_space<hbm>> -> memref<1x50xf32, #tpu.memory_space<hbm>>
      %dma_wait3A_51 = tpu.memref_squeeze %dma_wait3A_50 : memref<1x50xf32, #tpu.memory_space<hbm>> -> memref<50xf32, #tpu.memory_space<hbm>>
      tpu.wait_dma2 semaphore(%arg12 : memref<!tpu.dma_semaphore, #tpu.memory_space<semaphore_mem>>) src(%dma_wait3A_51 : memref<50xf32, #tpu.memory_space<hbm>>) dst(%dma_wait3A_48 : memref<50xf32, #tpu.memory_space<vmem>>)
      %dma_wait3A_52 = arith.constant 0 : i32
      %dma_wait3A_53 = arith.constant 0 : i32
      %dma_wait3A_54 = tpu.memref_slice %arg11[%scan3A_38, %dma_wait3A_53] : memref<256x50xf32, #tpu.memory_space<vmem>> -> memref<1x50xf32, #tpu.memory_space<vmem>>
      %dma_wait3A_55 = tpu.memref_squeeze %dma_wait3A_54 : memref<1x50xf32, #tpu.memory_space<vmem>> -> memref<50xf32, #tpu.memory_space<vmem>>
      %dma_wait3A_56 = arith.constant 0 : i32
      %dma_wait3A_57 = tpu.memref_slice %arg5[%dma_wait3A_52, %dma_wait3A_56] : memref<1000000x50xf32, #tpu.memory_space<hbm>> -> memref<1x50xf32, #tpu.memory_space<hbm>>
      %dma_wait3A_58 = tpu.memref_squeeze %dma_wait3A_57 : memref<1x50xf32, #tpu.memory_space<hbm>> -> memref<50xf32, #tpu.memory_space<hbm>>
      %dma_wait3A_59 = arith.constant 0 : i32
      %dma_wait3A_60 = tpu.memref_slice %arg11[%scan3A_38, %dma_wait3A_59] : memref<256x50xf32, #tpu.memory_space<vmem>> -> memref<1x50xf32, #tpu.memory_space<vmem>>
      %dma_wait3A_61 = tpu.memref_squeeze %dma_wait3A_60 : memref<1x50xf32, #tpu.memory_space<vmem>> -> memref<50xf32, #tpu.memory_space<vmem>>
      %dma_wait3A_62 = arith.constant 0 : i32
      %dma_wait3A_63 = tpu.memref_slice %arg5[%dma_wait3A_52, %dma_wait3A_62] : memref<1000000x50xf32, #tpu.memory_space<hbm>> -> memref<1x50xf32, #tpu.memory_space<hbm>>
      %dma_wait3A_64 = tpu.memref_squeeze %dma_wait3A_63 : memref<1x50xf32, #tpu.memory_space<hbm>> -> memref<50xf32, #tpu.memory_space<hbm>>
      tpu.wait_dma2 semaphore(%arg13 : memref<!tpu.dma_semaphore, #tpu.memory_space<semaphore_mem>>) src(%dma_wait3A_64 : memref<50xf32, #tpu.memory_space<hbm>>) dst(%dma_wait3A_61 : memref<50xf32, #tpu.memory_space<vmem>>)
      %scan3A_65 = arith.constant 0 : i32
      scf.yield %scan3A_65 : i32
    }
    %scan3A_15 = arith.constant 256 : i32
    %add3A_16 = arith.constant 0 : i32
    %add3A_17 = arith.addi %mul3A_2, %add3A_16 : i32
    "tpu.region"() ({
      %run_scoped3A = tpu.sem_alloc : memref<!tpu.dma_semaphore, #tpu.memory_space<semaphore_mem>>
      %dma_start3A = arith.constant 0 : i32
      %dma_start3A_38 = tpu.memref_slice %arg6[%add3A_17, %dma_start3A] : memref<16384x50xf32, #tpu.memory_space<hbm>> -> memref<256x50xf32, #tpu.memory_space<hbm>>
      %dma_start3A_39 = arith.constant 0 : i32
      %dma_start3A_40 = tpu.memref_slice %arg6[%add3A_17, %dma_start3A_39] : memref<16384x50xf32, #tpu.memory_space<hbm>> -> memref<256x50xf32, #tpu.memory_space<hbm>>
      tpu.enqueue_dma source(%arg10 : memref<256x50xf32, #tpu.memory_space<vmem>>) target(%dma_start3A_40 : memref<256x50xf32, #tpu.memory_space<hbm>>) target_semaphore(%run_scoped3A : memref<!tpu.dma_semaphore, #tpu.memory_space<semaphore_mem>>)
      %dma_wait3A = arith.constant 0 : i32
      %dma_wait3A_41 = tpu.memref_slice %arg6[%add3A_17, %dma_wait3A] : memref<16384x50xf32, #tpu.memory_space<hbm>> -> memref<256x50xf32, #tpu.memory_space<hbm>>
      %dma_wait3A_42 = arith.constant 0 : i32
      %dma_wait3A_43 = tpu.memref_slice %arg6[%add3A_17, %dma_wait3A_42] : memref<16384x50xf32, #tpu.memory_space<hbm>> -> memref<256x50xf32, #tpu.memory_space<hbm>>
      tpu.wait_dma2 semaphore(%run_scoped3A : memref<!tpu.dma_semaphore, #tpu.memory_space<semaphore_mem>>) src(%arg10 : memref<256x50xf32, #tpu.memory_space<vmem>>) dst(%dma_wait3A_43 : memref<256x50xf32, #tpu.memory_space<hbm>>)
      tpu.yield
    }) : () -> ()
    %add3A_18 = arith.constant 0 : i32
    %add3A_19 = arith.addi %mul3A_2, %add3A_18 : i32
    "tpu.region"() ({
      %run_scoped3A = tpu.sem_alloc : memref<!tpu.dma_semaphore, #tpu.memory_space<semaphore_mem>>
      %dma_start3A = arith.constant 0 : i32
      %dma_start3A_38 = tpu.memref_slice %arg7[%add3A_19, %dma_start3A] : memref<16384x50xf32, #tpu.memory_space<hbm>> -> memref<256x50xf32, #tpu.memory_space<hbm>>
      %dma_start3A_39 = arith.constant 0 : i32
      %dma_start3A_40 = tpu.memref_slice %arg7[%add3A_19, %dma_start3A_39] : memref<16384x50xf32, #tpu.memory_space<hbm>> -> memref<256x50xf32, #tpu.memory_space<hbm>>
      tpu.enqueue_dma source(%arg11 : memref<256x50xf32, #tpu.memory_space<vmem>>) target(%dma_start3A_40 : memref<256x50xf32, #tpu.memory_space<hbm>>) target_semaphore(%run_scoped3A : memref<!tpu.dma_semaphore, #tpu.memory_space<semaphore_mem>>)
      %dma_wait3A = arith.constant 0 : i32
      %dma_wait3A_41 = tpu.memref_slice %arg7[%add3A_19, %dma_wait3A] : memref<16384x50xf32, #tpu.memory_space<hbm>> -> memref<256x50xf32, #tpu.memory_space<hbm>>
      %dma_wait3A_42 = arith.constant 0 : i32
      %dma_wait3A_43 = tpu.memref_slice %arg7[%add3A_19, %dma_wait3A_42] : memref<16384x50xf32, #tpu.memory_space<hbm>> -> memref<256x50xf32, #tpu.memory_space<hbm>>
      tpu.wait_dma2 semaphore(%run_scoped3A : memref<!tpu.dma_semaphore, #tpu.memory_space<semaphore_mem>>) src(%arg11 : memref<256x50xf32, #tpu.memory_space<vmem>>) dst(%dma_wait3A_43 : memref<256x50xf32, #tpu.memory_space<hbm>>)
      tpu.yield
    }) : () -> ()
    %scan3A_20 = arith.constant 0 : i32
    %scan3A_21 = arith.constant 0 : i32
    %scan3A_22 = arith.constant 16 : i32
    %scan3A_23 = arith.addi %scan3A_21, %scan3A_22 : i32
    %scan3A_24 = arith.constant 1 : i32
    %scan3A_25 = scf.for %scan3A_38 = %scan3A_21 to %scan3A_23 step %scan3A_24 iter_args(%scan3A_39 = %scan3A_20) -> (i32)  : i32 {
      %mul3A_40 = arith.constant 16 : i32
      %mul3A_41 = arith.muli %scan3A_38, %mul3A_40 : i32
      %add3A_42 = arith.constant 256 : i32
      %add3A_43 = arith.addi %add3A_42, %mul3A_41 : i32
      %get3A = arith.index_cast %add3A_43 : i32 to index
      %get3A_44 = tpu.vector_load %arg8[%get3A] {strides = array<i32>} : memref<512xi32, #tpu.memory_space<vmem>>, vector<16xi32>,
      %get3A_45 = vector.shape_cast %get3A_44 : vector<16xi32> to vector<16xi32>
      %mul3A_46 = arith.constant 16 : i32
      %mul3A_47 = arith.muli %scan3A_38, %mul3A_46 : i32
      %add3A_48 = arith.constant 256 : i32
      %add3A_49 = arith.addi %add3A_48, %mul3A_47 : i32
      %get3A_50 = arith.index_cast %add3A_49 : i32 to index
      %get3A_51 = tpu.vector_load %arg9[%get3A_50] {strides = array<i32>} : memref<512xi32, #tpu.memory_space<vmem>>, vector<16xi32>,
      %get3A_52 = vector.shape_cast %get3A_51 : vector<16xi32> to vector<16xi32>
      %mul3A_53 = arith.constant 16 : i32
      %mul3A_54 = arith.muli %scan3A_38, %mul3A_53 : i32
      %add3A_55 = arith.constant 0 : i32
      %add3A_56 = arith.addi %mul3A_54, %add3A_55 : i32
      %slice3A = vector.extract_strided_slice %get3A_45 {offsets = [0], sizes = [1], strides = [1]} : vector<16xi32> to vector<1xi32>
      %squeeze3A = vector.extract %slice3A[0] : i32 from vector<1xi32>
      %dma_start3A = arith.constant 0 : i32
      %dma_start3A_57 = tpu.memref_slice %arg10[%add3A_56, %dma_start3A] : memref<256x50xf32, #tpu.memory_space<vmem>> -> memref<1x50xf32, #tpu.memory_space<vmem>>
      %dma_start3A_58 = tpu.memref_squeeze %dma_start3A_57 : memref<1x50xf32, #tpu.memory_space<vmem>> -> memref<50xf32, #tpu.memory_space<vmem>>
      %dma_start3A_59 = arith.constant 0 : i32
      %dma_start3A_60 = tpu.memref_slice %arg4[%squeeze3A, %dma_start3A_59] : memref<1000000x50xf32, #tpu.memory_space<hbm>> -> memref<1x50xf32, #tpu.memory_space<hbm>>
      %dma_start3A_61 = tpu.memref_squeeze %dma_start3A_60 : memref<1x50xf32, #tpu.memory_space<hbm>> -> memref<50xf32, #tpu.memory_space<hbm>>
      %dma_start3A_62 = arith.constant 0 : i32
      %dma_start3A_63 = tpu.memref_slice %arg10[%add3A_56, %dma_start3A_62] : memref<256x50xf32, #tpu.memory_space<vmem>> -> memref<1x50xf32, #tpu.memory_space<vmem>>
      %dma_start3A_64 = tpu.memref_squeeze %dma_start3A_63 : memref<1x50xf32, #tpu.memory_space<vmem>> -> memref<50xf32, #tpu.memory_space<vmem>>
      %dma_start3A_65 = arith.constant 0 : i32
      %dma_start3A_66 = tpu.memref_slice %arg4[%squeeze3A, %dma_start3A_65] : memref<1000000x50xf32, #tpu.memory_space<hbm>> -> memref<1x50xf32, #tpu.memory_space<hbm>>
      %dma_start3A_67 = tpu.memref_squeeze %dma_start3A_66 : memref<1x50xf32, #tpu.memory_space<hbm>> -> memref<50xf32, #tpu.memory_space<hbm>>
      tpu.enqueue_dma source(%dma_start3A_67 : memref<50xf32, #tpu.memory_space<hbm>>) target(%dma_start3A_64 : memref<50xf32, #tpu.memory_space<vmem>>) target_semaphore(%arg12 : memref<!tpu.dma_semaphore, #tpu.memory_space<semaphore_mem>>)
      %slice3A_68 = vector.extract_strided_slice %get3A_52 {offsets = [0], sizes = [1], strides = [1]} : vector<16xi32> to vector<1xi32>
      %squeeze3A_69 = vector.extract %slice3A_68[0] : i32 from vector<1xi32>
      %dma_start3A_70 = arith.constant 0 : i32
      %dma_start3A_71 = tpu.memref_slice %arg11[%add3A_56, %dma_start3A_70] : memref<256x50xf32, #tpu.memory_space<vmem>> -> memref<1x50xf32, #tpu.memory_space<vmem>>
      %dma_start3A_72 = tpu.memref_squeeze %dma_start3A_71 : memref<1x50xf32, #tpu.memory_space<vmem>> -> memref<50xf32, #tpu.memory_space<vmem>>
      %dma_start3A_73 = arith.constant 0 : i32
      %dma_start3A_74 = tpu.memref_slice %arg5[%squeeze3A_69, %dma_start3A_73] : memref<1000000x50xf32, #tpu.memory_space<hbm>> -> memref<1x50xf32, #tpu.memory_space<hbm>>
      %dma_start3A_75 = tpu.memref_squeeze %dma_start3A_74 : memref<1x50xf32, #tpu.memory_space<hbm>> -> memref<50xf32, #tpu.memory_space<hbm>>
      %dma_start3A_76 = arith.constant 0 : i32
      %dma_start3A_77 = tpu.memref_slice %arg11[%add3A_56, %dma_start3A_76] : memref<256x50xf32, #tpu.memory_space<vmem>> -> memref<1x50xf32, #tpu.memory_space<vmem>>
      %dma_start3A_78 = tpu.memref_squeeze %dma_start3A_77 : memref<1x50xf32, #tpu.memory_space<vmem>> -> memref<50xf32, #tpu.memory_space<vmem>>
      %dma_start3A_79 = arith.constant 0 : i32
      %dma_start3A_80 = tpu.memref_slice %arg5[%squeeze3A_69, %dma_start3A_79] : memref<1000000x50xf32, #tpu.memory_space<hbm>> -> memref<1x50xf32, #tpu.memory_space<hbm>>
      %dma_start3A_81 = tpu.memref_squeeze %dma_start3A_80 : memref<1x50xf32, #tpu.memory_space<hbm>> -> memref<50xf32, #tpu.memory_space<hbm>>
      tpu.enqueue_dma source(%dma_start3A_81 : memref<50xf32, #tpu.memory_space<hbm>>) target(%dma_start3A_78 : memref<50xf32, #tpu.memory_space<vmem>>) target_semaphore(%arg13 : memref<!tpu.dma_semaphore, #tpu.memory_space<semaphore_mem>>)
      %mul3A_82 = arith.constant 16 : i32
      %mul3A_83 = arith.muli %scan3A_38, %mul3A_82 : i32
      %add3A_84 = arith.constant 1 : i32
      %add3A_85 = arith.addi %mul3A_83, %add3A_84 : i32
      %slice3A_86 = vector.extract_strided_slice %get3A_45 {offsets = [1], sizes = [1], strides = [1]} : vector<16xi32> to vector<1xi32>
      %squeeze3A_87 = vector.extract %slice3A_86[0] : i32 from vector<1xi32>
      %dma_start3A_88 = arith.constant 0 : i32
      %dma_start3A_89 = tpu.memref_slice %arg10[%add3A_85, %dma_start3A_88] : memref<256x50xf32, #tpu.memory_space<vmem>> -> memref<1x50xf32, #tpu.memory_space<vmem>>
      %dma_start3A_90 = tpu.memref_squeeze %dma_start3A_89 : memref<1x50xf32, #tpu.memory_space<vmem>> -> memref<50xf32, #tpu.memory_space<vmem>>
      %dma_start3A_91 = arith.constant 0 : i32
      %dma_start3A_92 = tpu.memref_slice %arg4[%squeeze3A_87, %dma_start3A_91] : memref<1000000x50xf32, #tpu.memory_space<hbm>> -> memref<1x50xf32, #tpu.memory_space<hbm>>
      %dma_start3A_93 = tpu.memref_squeeze %dma_start3A_92 : memref<1x50xf32, #tpu.memory_space<hbm>> -> memref<50xf32, #tpu.memory_space<hbm>>
      %dma_start3A_94 = arith.constant 0 : i32
      %dma_start3A_95 = tpu.memref_slice %arg10[%add3A_85, %dma_start3A_94] : memref<256x50xf32, #tpu.memory_space<vmem>> -> memref<1x50xf32, #tpu.memory_space<vmem>>
      %dma_start3A_96 = tpu.memref_squeeze %dma_start3A_95 : memref<1x50xf32, #tpu.memory_space<vmem>> -> memref<50xf32, #tpu.memory_space<vmem>>
      %dma_start3A_97 = arith.constant 0 : i32
      %dma_start3A_98 = tpu.memref_slice %arg4[%squeeze3A_87, %dma_start3A_97] : memref<1000000x50xf32, #tpu.memory_space<hbm>> -> memref<1x50xf32, #tpu.memory_space<hbm>>
      %dma_start3A_99 = tpu.memref_squeeze %dma_start3A_98 : memref<1x50xf32, #tpu.memory_space<hbm>> -> memref<50xf32, #tpu.memory_space<hbm>>
      tpu.enqueue_dma source(%dma_start3A_99 : memref<50xf32, #tpu.memory_space<hbm>>) target(%dma_start3A_96 : memref<50xf32, #tpu.memory_space<vmem>>) target_semaphore(%arg12 : memref<!tpu.dma_semaphore, #tpu.memory_space<semaphore_mem>>)
      %slice3A_100 = vector.extract_strided_slice %get3A_52 {offsets = [1], sizes = [1], strides = [1]} : vector<16xi32> to vector<1xi32>
      %squeeze3A_101 = vector.extract %slice3A_100[0] : i32 from vector<1xi32>
      %dma_start3A_102 = arith.constant 0 : i32
      %dma_start3A_103 = tpu.memref_slice %arg11[%add3A_85, %dma_start3A_102] : memref<256x50xf32, #tpu.memory_space<vmem>> -> memref<1x50xf32, #tpu.memory_space<vmem>>
      %dma_start3A_104 = tpu.memref_squeeze %dma_start3A_103 : memref<1x50xf32, #tpu.memory_space<vmem>> -> memref<50xf32, #tpu.memory_space<vmem>>
      %dma_start3A_105 = arith.constant 0 : i32
      %dma_start3A_106 = tpu.memref_slice %arg5[%squeeze3A_101, %dma_start3A_105] : memref<1000000x50xf32, #tpu.memory_space<hbm>> -> memref<1x50xf32, #tpu.memory_space<hbm>>
      %dma_start3A_107 = tpu.memref_squeeze %dma_start3A_106 : memref<1x50xf32, #tpu.memory_space<hbm>> -> memref<50xf32, #tpu.memory_space<hbm>>
      %dma_start3A_108 = arith.constant 0 : i32
      %dma_start3A_109 = tpu.memref_slice %arg11[%add3A_85, %dma_start3A_108] : memref<256x50xf32, #tpu.memory_space<vmem>> -> memref<1x50xf32, #tpu.memory_space<vmem>>
      %dma_start3A_110 = tpu.memref_squeeze %dma_start3A_109 : memref<1x50xf32, #tpu.memory_space<vmem>> -> memref<50xf32, #tpu.memory_space<vmem>>
      %dma_start3A_111 = arith.constant 0 : i32
      %dma_start3A_112 = tpu.memref_slice %arg5[%squeeze3A_101, %dma_start3A_111] : memref<1000000x50xf32, #tpu.memory_space<hbm>> -> memref<1x50xf32, #tpu.memory_space<hbm>>
      %dma_start3A_113 = tpu.memref_squeeze %dma_start3A_112 : memref<1x50xf32, #tpu.memory_space<hbm>> -> memref<50xf32, #tpu.memory_space<hbm>>
      tpu.enqueue_dma source(%dma_start3A_113 : memref<50xf32, #tpu.memory_space<hbm>>) target(%dma_start3A_110 : memref<50xf32, #tpu.memory_space<vmem>>) target_semaphore(%arg13 : memref<!tpu.dma_semaphore, #tpu.memory_space<semaphore_mem>>)
      %mul3A_114 = arith.constant 16 : i32
      %mul3A_115 = arith.muli %scan3A_38, %mul3A_114 : i32
      %add3A_116 = arith.constant 2 : i32
      %add3A_117 = arith.addi %mul3A_115, %add3A_116 : i32
      %slice3A_118 = vector.extract_strided_slice %get3A_45 {offsets = [2], sizes = [1], strides = [1]} : vector<16xi32> to vector<1xi32>
      %squeeze3A_119 = vector.extract %slice3A_118[0] : i32 from vector<1xi32>
      %dma_start3A_120 = arith.constant 0 : i32
      %dma_start3A_121 = tpu.memref_slice %arg10[%add3A_117, %dma_start3A_120] : memref<256x50xf32, #tpu.memory_space<vmem>> -> memref<1x50xf32, #tpu.memory_space<vmem>>
      %dma_start3A_122 = tpu.memref_squeeze %dma_start3A_121 : memref<1x50xf32, #tpu.memory_space<vmem>> -> memref<50xf32, #tpu.memory_space<vmem>>
      %dma_start3A_123 = arith.constant 0 : i32
      %dma_start3A_124 = tpu.memref_slice %arg4[%squeeze3A_119, %dma_start3A_123] : memref<1000000x50xf32, #tpu.memory_space<hbm>> -> memref<1x50xf32, #tpu.memory_space<hbm>>
      %dma_start3A_125 = tpu.memref_squeeze %dma_start3A_124 : memref<1x50xf32, #tpu.memory_space<hbm>> -> memref<50xf32, #tpu.memory_space<hbm>>
      %dma_start3A_126 = arith.constant 0 : i32
      %dma_start3A_127 = tpu.memref_slice %arg10[%add3A_117, %dma_start3A_126] : memref<256x50xf32, #tpu.memory_space<vmem>> -> memref<1x50xf32, #tpu.memory_space<vmem>>
      %dma_start3A_128 = tpu.memref_squeeze %dma_start3A_127 : memref<1x50xf32, #tpu.memory_space<vmem>> -> memref<50xf32, #tpu.memory_space<vmem>>
      %dma_start3A_129 = arith.constant 0 : i32
      %dma_start3A_130 = tpu.memref_slice %arg4[%squeeze3A_119, %dma_start3A_129] : memref<1000000x50xf32, #tpu.memory_space<hbm>> -> memref<1x50xf32, #tpu.memory_space<hbm>>
      %dma_start3A_131 = tpu.memref_squeeze %dma_start3A_130 : memref<1x50xf32, #tpu.memory_space<hbm>> -> memref<50xf32, #tpu.memory_space<hbm>>
      tpu.enqueue_dma source(%dma_start3A_131 : memref<50xf32, #tpu.memory_space<hbm>>) target(%dma_start3A_128 : memref<50xf32, #tpu.memory_space<vmem>>) target_semaphore(%arg12 : memref<!tpu.dma_semaphore, #tpu.memory_space<semaphore_mem>>)
      %slice3A_132 = vector.extract_strided_slice %get3A_52 {offsets = [2], sizes = [1], strides = [1]} : vector<16xi32> to vector<1xi32>
      %squeeze3A_133 = vector.extract %slice3A_132[0] : i32 from vector<1xi32>
      %dma_start3A_134 = arith.constant 0 : i32
      %dma_start3A_135 = tpu.memref_slice %arg11[%add3A_117, %dma_start3A_134] : memref<256x50xf32, #tpu.memory_space<vmem>> -> memref<1x50xf32, #tpu.memory_space<vmem>>
      %dma_start3A_136 = tpu.memref_squeeze %dma_start3A_135 : memref<1x50xf32, #tpu.memory_space<vmem>> -> memref<50xf32, #tpu.memory_space<vmem>>
      %dma_start3A_137 = arith.constant 0 : i32
      %dma_start3A_138 = tpu.memref_slice %arg5[%squeeze3A_133, %dma_start3A_137] : memref<1000000x50xf32, #tpu.memory_space<hbm>> -> memref<1x50xf32, #tpu.memory_space<hbm>>
      %dma_start3A_139 = tpu.memref_squeeze %dma_start3A_138 : memref<1x50xf32, #tpu.memory_space<hbm>> -> memref<50xf32, #tpu.memory_space<hbm>>
      %dma_start3A_140 = arith.constant 0 : i32
      %dma_start3A_141 = tpu.memref_slice %arg11[%add3A_117, %dma_start3A_140] : memref<256x50xf32, #tpu.memory_space<vmem>> -> memref<1x50xf32, #tpu.memory_space<vmem>>
      %dma_start3A_142 = tpu.memref_squeeze %dma_start3A_141 : memref<1x50xf32, #tpu.memory_space<vmem>> -> memref<50xf32, #tpu.memory_space<vmem>>
      %dma_start3A_143 = arith.constant 0 : i32
      %dma_start3A_144 = tpu.memref_slice %arg5[%squeeze3A_133, %dma_start3A_143] : memref<1000000x50xf32, #tpu.memory_space<hbm>> -> memref<1x50xf32, #tpu.memory_space<hbm>>
      %dma_start3A_145 = tpu.memref_squeeze %dma_start3A_144 : memref<1x50xf32, #tpu.memory_space<hbm>> -> memref<50xf32, #tpu.memory_space<hbm>>
      tpu.enqueue_dma source(%dma_start3A_145 : memref<50xf32, #tpu.memory_space<hbm>>) target(%dma_start3A_142 : memref<50xf32, #tpu.memory_space<vmem>>) target_semaphore(%arg13 : memref<!tpu.dma_semaphore, #tpu.memory_space<semaphore_mem>>)
      %mul3A_146 = arith.constant 16 : i32
      %mul3A_147 = arith.muli %scan3A_38, %mul3A_146 : i32
      %add3A_148 = arith.constant 3 : i32
      %add3A_149 = arith.addi %mul3A_147, %add3A_148 : i32
      %slice3A_150 = vector.extract_strided_slice %get3A_45 {offsets = [3], sizes = [1], strides = [1]} : vector<16xi32> to vector<1xi32>
      %squeeze3A_151 = vector.extract %slice3A_150[0] : i32 from vector<1xi32>
      %dma_start3A_152 = arith.constant 0 : i32
      %dma_start3A_153 = tpu.memref_slice %arg10[%add3A_149, %dma_start3A_152] : memref<256x50xf32, #tpu.memory_space<vmem>> -> memref<1x50xf32, #tpu.memory_space<vmem>>
      %dma_start3A_154 = tpu.memref_squeeze %dma_start3A_153 : memref<1x50xf32, #tpu.memory_space<vmem>> -> memref<50xf32, #tpu.memory_space<vmem>>
      %dma_start3A_155 = arith.constant 0 : i32
      %dma_start3A_156 = tpu.memref_slice %arg4[%squeeze3A_151, %dma_start3A_155] : memref<1000000x50xf32, #tpu.memory_space<hbm>> -> memref<1x50xf32, #tpu.memory_space<hbm>>
      %dma_start3A_157 = tpu.memref_squeeze %dma_start3A_156 : memref<1x50xf32, #tpu.memory_space<hbm>> -> memref<50xf32, #tpu.memory_space<hbm>>
      %dma_start3A_158 = arith.constant 0 : i32
      %dma_start3A_159 = tpu.memref_slice %arg10[%add3A_149, %dma_start3A_158] : memref<256x50xf32, #tpu.memory_space<vmem>> -> memref<1x50xf32, #tpu.memory_space<vmem>>
      %dma_start3A_160 = tpu.memref_squeeze %dma_start3A_159 : memref<1x50xf32, #tpu.memory_space<vmem>> -> memref<50xf32, #tpu.memory_space<vmem>>
      %dma_start3A_161 = arith.constant 0 : i32
      %dma_start3A_162 = tpu.memref_slice %arg4[%squeeze3A_151, %dma_start3A_161] : memref<1000000x50xf32, #tpu.memory_space<hbm>> -> memref<1x50xf32, #tpu.memory_space<hbm>>
      %dma_start3A_163 = tpu.memref_squeeze %dma_start3A_162 : memref<1x50xf32, #tpu.memory_space<hbm>> -> memref<50xf32, #tpu.memory_space<hbm>>
      tpu.enqueue_dma source(%dma_start3A_163 : memref<50xf32, #tpu.memory_space<hbm>>) target(%dma_start3A_160 : memref<50xf32, #tpu.memory_space<vmem>>) target_semaphore(%arg12 : memref<!tpu.dma_semaphore, #tpu.memory_space<semaphore_mem>>)
      %slice3A_164 = vector.extract_strided_slice %get3A_52 {offsets = [3], sizes = [1], strides = [1]} : vector<16xi32> to vector<1xi32>
      %squeeze3A_165 = vector.extract %slice3A_164[0] : i32 from vector<1xi32>
      %dma_start3A_166 = arith.constant 0 : i32
      %dma_start3A_167 = tpu.memref_slice %arg11[%add3A_149, %dma_start3A_166] : memref<256x50xf32, #tpu.memory_space<vmem>> -> memref<1x50xf32, #tpu.memory_space<vmem>>
      %dma_start3A_168 = tpu.memref_squeeze %dma_start3A_167 : memref<1x50xf32, #tpu.memory_space<vmem>> -> memref<50xf32, #tpu.memory_space<vmem>>
      %dma_start3A_169 = arith.constant 0 : i32
      %dma_start3A_170 = tpu.memref_slice %arg5[%squeeze3A_165, %dma_start3A_169] : memref<1000000x50xf32, #tpu.memory_space<hbm>> -> memref<1x50xf32, #tpu.memory_space<hbm>>
      %dma_start3A_171 = tpu.memref_squeeze %dma_start3A_170 : memref<1x50xf32, #tpu.memory_space<hbm>> -> memref<50xf32, #tpu.memory_space<hbm>>
      %dma_start3A_172 = arith.constant 0 : i32
      %dma_start3A_173 = tpu.memref_slice %arg11[%add3A_149, %dma_start3A_172] : memref<256x50xf32, #tpu.memory_space<vmem>> -> memref<1x50xf32, #tpu.memory_space<vmem>>
      %dma_start3A_174 = tpu.memref_squeeze %dma_start3A_173 : memref<1x50xf32, #tpu.memory_space<vmem>> -> memref<50xf32, #tpu.memory_space<vmem>>
      %dma_start3A_175 = arith.constant 0 : i32
      %dma_start3A_176 = tpu.memref_slice %arg5[%squeeze3A_165, %dma_start3A_175] : memref<1000000x50xf32, #tpu.memory_space<hbm>> -> memref<1x50xf32, #tpu.memory_space<hbm>>
      %dma_start3A_177 = tpu.memref_squeeze %dma_start3A_176 : memref<1x50xf32, #tpu.memory_space<hbm>> -> memref<50xf32, #tpu.memory_space<hbm>>
      tpu.enqueue_dma source(%dma_start3A_177 : memref<50xf32, #tpu.memory_space<hbm>>) target(%dma_start3A_174 : memref<50xf32, #tpu.memory_space<vmem>>) target_semaphore(%arg13 : memref<!tpu.dma_semaphore, #tpu.memory_space<semaphore_mem>>)
      %mul3A_178 = arith.constant 16 : i32
      %mul3A_179 = arith.muli %scan3A_38, %mul3A_178 : i32
      %add3A_180 = arith.constant 4 : i32
      %add3A_181 = arith.addi %mul3A_179, %add3A_180 : i32
      %slice3A_182 = vector.extract_strided_slice %get3A_45 {offsets = [4], sizes = [1], strides = [1]} : vector<16xi32> to vector<1xi32>
      %squeeze3A_183 = vector.extract %slice3A_182[0] : i32 from vector<1xi32>
      %dma_start3A_184 = arith.constant 0 : i32
      %dma_start3A_185 = tpu.memref_slice %arg10[%add3A_181, %dma_start3A_184] : memref<256x50xf32, #tpu.memory_space<vmem>> -> memref<1x50xf32, #tpu.memory_space<vmem>>
      %dma_start3A_186 = tpu.memref_squeeze %dma_start3A_185 : memref<1x50xf32, #tpu.memory_space<vmem>> -> memref<50xf32, #tpu.memory_space<vmem>>
      %dma_start3A_187 = arith.constant 0 : i32
      %dma_start3A_188 = tpu.memref_slice %arg4[%squeeze3A_183, %dma_start3A_187] : memref<1000000x50xf32, #tpu.memory_space<hbm>> -> memref<1x50xf32, #tpu.memory_space<hbm>>
      %dma_start3A_189 = tpu.memref_squeeze %dma_start3A_188 : memref<1x50xf32, #tpu.memory_space<hbm>> -> memref<50xf32, #tpu.memory_space<hbm>>
      %dma_start3A_190 = arith.constant 0 : i32
      %dma_start3A_191 = tpu.memref_slice %arg10[%add3A_181, %dma_start3A_190] : memref<256x50xf32, #tpu.memory_space<vmem>> -> memref<1x50xf32, #tpu.memory_space<vmem>>
      %dma_start3A_192 = tpu.memref_squeeze %dma_start3A_191 : memref<1x50xf32, #tpu.memory_space<vmem>> -> memref<50xf32, #tpu.memory_space<vmem>>
      %dma_start3A_193 = arith.constant 0 : i32
      %dma_start3A_194 = tpu.memref_slice %arg4[%squeeze3A_183, %dma_start3A_193] : memref<1000000x50xf32, #tpu.memory_space<hbm>> -> memref<1x50xf32, #tpu.memory_space<hbm>>
      %dma_start3A_195 = tpu.memref_squeeze %dma_start3A_194 : memref<1x50xf32, #tpu.memory_space<hbm>> -> memref<50xf32, #tpu.memory_space<hbm>>
      tpu.enqueue_dma source(%dma_start3A_195 : memref<50xf32, #tpu.memory_space<hbm>>) target(%dma_start3A_192 : memref<50xf32, #tpu.memory_space<vmem>>) target_semaphore(%arg12 : memref<!tpu.dma_semaphore, #tpu.memory_space<semaphore_mem>>)
      %slice3A_196 = vector.extract_strided_slice %get3A_52 {offsets = [4], sizes = [1], strides = [1]} : vector<16xi32> to vector<1xi32>
      %squeeze3A_197 = vector.extract %slice3A_196[0] : i32 from vector<1xi32>
      %dma_start3A_198 = arith.constant 0 : i32
      %dma_start3A_199 = tpu.memref_slice %arg11[%add3A_181, %dma_start3A_198] : memref<256x50xf32, #tpu.memory_space<vmem>> -> memref<1x50xf32, #tpu.memory_space<vmem>>
      %dma_start3A_200 = tpu.memref_squeeze %dma_start3A_199 : memref<1x50xf32, #tpu.memory_space<vmem>> -> memref<50xf32, #tpu.memory_space<vmem>>
      %dma_start3A_201 = arith.constant 0 : i32
      %dma_start3A_202 = tpu.memref_slice %arg5[%squeeze3A_197, %dma_start3A_201] : memref<1000000x50xf32, #tpu.memory_space<hbm>> -> memref<1x50xf32, #tpu.memory_space<hbm>>
      %dma_start3A_203 = tpu.memref_squeeze %dma_start3A_202 : memref<1x50xf32, #tpu.memory_space<hbm>> -> memref<50xf32, #tpu.memory_space<hbm>>
      %dma_start3A_204 = arith.constant 0 : i32
      %dma_start3A_205 = tpu.memref_slice %arg11[%add3A_181, %dma_start3A_204] : memref<256x50xf32, #tpu.memory_space<vmem>> -> memref<1x50xf32, #tpu.memory_space<vmem>>
      %dma_start3A_206 = tpu.memref_squeeze %dma_start3A_205 : memref<1x50xf32, #tpu.memory_space<vmem>> -> memref<50xf32, #tpu.memory_space<vmem>>
      %dma_start3A_207 = arith.constant 0 : i32
      %dma_start3A_208 = tpu.memref_slice %arg5[%squeeze3A_197, %dma_start3A_207] : memref<1000000x50xf32, #tpu.memory_space<hbm>> -> memref<1x50xf32, #tpu.memory_space<hbm>>
      %dma_start3A_209 = tpu.memref_squeeze %dma_start3A_208 : memref<1x50xf32, #tpu.memory_space<hbm>> -> memref<50xf32, #tpu.memory_space<hbm>>
      tpu.enqueue_dma source(%dma_start3A_209 : memref<50xf32, #tpu.memory_space<hbm>>) target(%dma_start3A_206 : memref<50xf32, #tpu.memory_space<vmem>>) target_semaphore(%arg13 : memref<!tpu.dma_semaphore, #tpu.memory_space<semaphore_mem>>)
      %mul3A_210 = arith.constant 16 : i32
      %mul3A_211 = arith.muli %scan3A_38, %mul3A_210 : i32
      %add3A_212 = arith.constant 5 : i32
      %add3A_213 = arith.addi %mul3A_211, %add3A_212 : i32
      %slice3A_214 = vector.extract_strided_slice %get3A_45 {offsets = [5], sizes = [1], strides = [1]} : vector<16xi32> to vector<1xi32>
      %squeeze3A_215 = vector.extract %slice3A_214[0] : i32 from vector<1xi32>
      %dma_start3A_216 = arith.constant 0 : i32
      %dma_start3A_217 = tpu.memref_slice %arg10[%add3A_213, %dma_start3A_216] : memref<256x50xf32, #tpu.memory_space<vmem>> -> memref<1x50xf32, #tpu.memory_space<vmem>>
      %dma_start3A_218 = tpu.memref_squeeze %dma_start3A_217 : memref<1x50xf32, #tpu.memory_space<vmem>> -> memref<50xf32, #tpu.memory_space<vmem>>
      %dma_start3A_219 = arith.constant 0 : i32
      %dma_start3A_220 = tpu.memref_slice %arg4[%squeeze3A_215, %dma_start3A_219] : memref<1000000x50xf32, #tpu.memory_space<hbm>> -> memref<1x50xf32, #tpu.memory_space<hbm>>
      %dma_start3A_221 = tpu.memref_squeeze %dma_start3A_220 : memref<1x50xf32, #tpu.memory_space<hbm>> -> memref<50xf32, #tpu.memory_space<hbm>>
      %dma_start3A_222 = arith.constant 0 : i32
      %dma_start3A_223 = tpu.memref_slice %arg10[%add3A_213, %dma_start3A_222] : memref<256x50xf32, #tpu.memory_space<vmem>> -> memref<1x50xf32, #tpu.memory_space<vmem>>
      %dma_start3A_224 = tpu.memref_squeeze %dma_start3A_223 : memref<1x50xf32, #tpu.memory_space<vmem>> -> memref<50xf32, #tpu.memory_space<vmem>>
      %dma_start3A_225 = arith.constant 0 : i32
      %dma_start3A_226 = tpu.memref_slice %arg4[%squeeze3A_215, %dma_start3A_225] : memref<1000000x50xf32, #tpu.memory_space<hbm>> -> memref<1x50xf32, #tpu.memory_space<hbm>>
      %dma_start3A_227 = tpu.memref_squeeze %dma_start3A_226 : memref<1x50xf32, #tpu.memory_space<hbm>> -> memref<50xf32, #tpu.memory_space<hbm>>
      tpu.enqueue_dma source(%dma_start3A_227 : memref<50xf32, #tpu.memory_space<hbm>>) target(%dma_start3A_224 : memref<50xf32, #tpu.memory_space<vmem>>) target_semaphore(%arg12 : memref<!tpu.dma_semaphore, #tpu.memory_space<semaphore_mem>>)
      %slice3A_228 = vector.extract_strided_slice %get3A_52 {offsets = [5], sizes = [1], strides = [1]} : vector<16xi32> to vector<1xi32>
      %squeeze3A_229 = vector.extract %slice3A_228[0] : i32 from vector<1xi32>
      %dma_start3A_230 = arith.constant 0 : i32
      %dma_start3A_231 = tpu.memref_slice %arg11[%add3A_213, %dma_start3A_230] : memref<256x50xf32, #tpu.memory_space<vmem>> -> memref<1x50xf32, #tpu.memory_space<vmem>>
      %dma_start3A_232 = tpu.memref_squeeze %dma_start3A_231 : memref<1x50xf32, #tpu.memory_space<vmem>> -> memref<50xf32, #tpu.memory_space<vmem>>
      %dma_start3A_233 = arith.constant 0 : i32
      %dma_start3A_234 = tpu.memref_slice %arg5[%squeeze3A_229, %dma_start3A_233] : memref<1000000x50xf32, #tpu.memory_space<hbm>> -> memref<1x50xf32, #tpu.memory_space<hbm>>
      %dma_start3A_235 = tpu.memref_squeeze %dma_start3A_234 : memref<1x50xf32, #tpu.memory_space<hbm>> -> memref<50xf32, #tpu.memory_space<hbm>>
      %dma_start3A_236 = arith.constant 0 : i32
      %dma_start3A_237 = tpu.memref_slice %arg11[%add3A_213, %dma_start3A_236] : memref<256x50xf32, #tpu.memory_space<vmem>> -> memref<1x50xf32, #tpu.memory_space<vmem>>
      %dma_start3A_238 = tpu.memref_squeeze %dma_start3A_237 : memref<1x50xf32, #tpu.memory_space<vmem>> -> memref<50xf32, #tpu.memory_space<vmem>>
      %dma_start3A_239 = arith.constant 0 : i32
      %dma_start3A_240 = tpu.memref_slice %arg5[%squeeze3A_229, %dma_start3A_239] : memref<1000000x50xf32, #tpu.memory_space<hbm>> -> memref<1x50xf32, #tpu.memory_space<hbm>>
      %dma_start3A_241 = tpu.memref_squeeze %dma_start3A_240 : memref<1x50xf32, #tpu.memory_space<hbm>> -> memref<50xf32, #tpu.memory_space<hbm>>
      tpu.enqueue_dma source(%dma_start3A_241 : memref<50xf32, #tpu.memory_space<hbm>>) target(%dma_start3A_238 : memref<50xf32, #tpu.memory_space<vmem>>) target_semaphore(%arg13 : memref<!tpu.dma_semaphore, #tpu.memory_space<semaphore_mem>>)
      %mul3A_242 = arith.constant 16 : i32
      %mul3A_243 = arith.muli %scan3A_38, %mul3A_242 : i32
      %add3A_244 = arith.constant 6 : i32
      %add3A_245 = arith.addi %mul3A_243, %add3A_244 : i32
      %slice3A_246 = vector.extract_strided_slice %get3A_45 {offsets = [6], sizes = [1], strides = [1]} : vector<16xi32> to vector<1xi32>
      %squeeze3A_247 = vector.extract %slice3A_246[0] : i32 from vector<1xi32>
      %dma_start3A_248 = arith.constant 0 : i32
      %dma_start3A_249 = tpu.memref_slice %arg10[%add3A_245, %dma_start3A_248] : memref<256x50xf32, #tpu.memory_space<vmem>> -> memref<1x50xf32, #tpu.memory_space<vmem>>
      %dma_start3A_250 = tpu.memref_squeeze %dma_start3A_249 : memref<1x50xf32, #tpu.memory_space<vmem>> -> memref<50xf32, #tpu.memory_space<vmem>>
      %dma_start3A_251 = arith.constant 0 : i32
      %dma_start3A_252 = tpu.memref_slice %arg4[%squeeze3A_247, %dma_start3A_251] : memref<1000000x50xf32, #tpu.memory_space<hbm>> -> memref<1x50xf32, #tpu.memory_space<hbm>>
      %dma_start3A_253 = tpu.memref_squeeze %dma_start3A_252 : memref<1x50xf32, #tpu.memory_space<hbm>> -> memref<50xf32, #tpu.memory_space<hbm>>
      %dma_start3A_254 = arith.constant 0 : i32
      %dma_start3A_255 = tpu.memref_slice %arg10[%add3A_245, %dma_start3A_254] : memref<256x50xf32, #tpu.memory_space<vmem>> -> memref<1x50xf32, #tpu.memory_space<vmem>>
      %dma_start3A_256 = tpu.memref_squeeze %dma_start3A_255 : memref<1x50xf32, #tpu.memory_space<vmem>> -> memref<50xf32, #tpu.memory_space<vmem>>
      %dma_start3A_257 = arith.constant 0 : i32
      %dma_start3A_258 = tpu.memref_slice %arg4[%squeeze3A_247, %dma_start3A_257] : memref<1000000x50xf32, #tpu.memory_space<hbm>> -> memref<1x50xf32, #tpu.memory_space<hbm>>
      %dma_start3A_259 = tpu.memref_squeeze %dma_start3A_258 : memref<1x50xf32, #tpu.memory_space<hbm>> -> memref<50xf32, #tpu.memory_space<hbm>>
      tpu.enqueue_dma source(%dma_start3A_259 : memref<50xf32, #tpu.memory_space<hbm>>) target(%dma_start3A_256 : memref<50xf32, #tpu.memory_space<vmem>>) target_semaphore(%arg12 : memref<!tpu.dma_semaphore, #tpu.memory_space<semaphore_mem>>)
      %slice3A_260 = vector.extract_strided_slice %get3A_52 {offsets = [6], sizes = [1], strides = [1]} : vector<16xi32> to vector<1xi32>
      %squeeze3A_261 = vector.extract %slice3A_260[0] : i32 from vector<1xi32>
      %dma_start3A_262 = arith.constant 0 : i32
      %dma_start3A_263 = tpu.memref_slice %arg11[%add3A_245, %dma_start3A_262] : memref<256x50xf32, #tpu.memory_space<vmem>> -> memref<1x50xf32, #tpu.memory_space<vmem>>
      %dma_start3A_264 = tpu.memref_squeeze %dma_start3A_263 : memref<1x50xf32, #tpu.memory_space<vmem>> -> memref<50xf32, #tpu.memory_space<vmem>>
      %dma_start3A_265 = arith.constant 0 : i32
      %dma_start3A_266 = tpu.memref_slice %arg5[%squeeze3A_261, %dma_start3A_265] : memref<1000000x50xf32, #tpu.memory_space<hbm>> -> memref<1x50xf32, #tpu.memory_space<hbm>>
      %dma_start3A_267 = tpu.memref_squeeze %dma_start3A_266 : memref<1x50xf32, #tpu.memory_space<hbm>> -> memref<50xf32, #tpu.memory_space<hbm>>
      %dma_start3A_268 = arith.constant 0 : i32
      %dma_start3A_269 = tpu.memref_slice %arg11[%add3A_245, %dma_start3A_268] : memref<256x50xf32, #tpu.memory_space<vmem>> -> memref<1x50xf32, #tpu.memory_space<vmem>>
      %dma_start3A_270 = tpu.memref_squeeze %dma_start3A_269 : memref<1x50xf32, #tpu.memory_space<vmem>> -> memref<50xf32, #tpu.memory_space<vmem>>
      %dma_start3A_271 = arith.constant 0 : i32
      %dma_start3A_272 = tpu.memref_slice %arg5[%squeeze3A_261, %dma_start3A_271] : memref<1000000x50xf32, #tpu.memory_space<hbm>> -> memref<1x50xf32, #tpu.memory_space<hbm>>
      %dma_start3A_273 = tpu.memref_squeeze %dma_start3A_272 : memref<1x50xf32, #tpu.memory_space<hbm>> -> memref<50xf32, #tpu.memory_space<hbm>>
      tpu.enqueue_dma source(%dma_start3A_273 : memref<50xf32, #tpu.memory_space<hbm>>) target(%dma_start3A_270 : memref<50xf32, #tpu.memory_space<vmem>>) target_semaphore(%arg13 : memref<!tpu.dma_semaphore, #tpu.memory_space<semaphore_mem>>)
      %mul3A_274 = arith.constant 16 : i32
      %mul3A_275 = arith.muli %scan3A_38, %mul3A_274 : i32
      %add3A_276 = arith.constant 7 : i32
      %add3A_277 = arith.addi %mul3A_275, %add3A_276 : i32
      %slice3A_278 = vector.extract_strided_slice %get3A_45 {offsets = [7], sizes = [1], strides = [1]} : vector<16xi32> to vector<1xi32>
      %squeeze3A_279 = vector.extract %slice3A_278[0] : i32 from vector<1xi32>
      %dma_start3A_280 = arith.constant 0 : i32
      %dma_start3A_281 = tpu.memref_slice %arg10[%add3A_277, %dma_start3A_280] : memref<256x50xf32, #tpu.memory_space<vmem>> -> memref<1x50xf32, #tpu.memory_space<vmem>>
      %dma_start3A_282 = tpu.memref_squeeze %dma_start3A_281 : memref<1x50xf32, #tpu.memory_space<vmem>> -> memref<50xf32, #tpu.memory_space<vmem>>
      %dma_start3A_283 = arith.constant 0 : i32
      %dma_start3A_284 = tpu.memref_slice %arg4[%squeeze3A_279, %dma_start3A_283] : memref<1000000x50xf32, #tpu.memory_space<hbm>> -> memref<1x50xf32, #tpu.memory_space<hbm>>
      %dma_start3A_285 = tpu.memref_squeeze %dma_start3A_284 : memref<1x50xf32, #tpu.memory_space<hbm>> -> memref<50xf32, #tpu.memory_space<hbm>>
      %dma_start3A_286 = arith.constant 0 : i32
      %dma_start3A_287 = tpu.memref_slice %arg10[%add3A_277, %dma_start3A_286] : memref<256x50xf32, #tpu.memory_space<vmem>> -> memref<1x50xf32, #tpu.memory_space<vmem>>
      %dma_start3A_288 = tpu.memref_squeeze %dma_start3A_287 : memref<1x50xf32, #tpu.memory_space<vmem>> -> memref<50xf32, #tpu.memory_space<vmem>>
      %dma_start3A_289 = arith.constant 0 : i32
      %dma_start3A_290 = tpu.memref_slice %arg4[%squeeze3A_279, %dma_start3A_289] : memref<1000000x50xf32, #tpu.memory_space<hbm>> -> memref<1x50xf32, #tpu.memory_space<hbm>>
      %dma_start3A_291 = tpu.memref_squeeze %dma_start3A_290 : memref<1x50xf32, #tpu.memory_space<hbm>> -> memref<50xf32, #tpu.memory_space<hbm>>
      tpu.enqueue_dma source(%dma_start3A_291 : memref<50xf32, #tpu.memory_space<hbm>>) target(%dma_start3A_288 : memref<50xf32, #tpu.memory_space<vmem>>) target_semaphore(%arg12 : memref<!tpu.dma_semaphore, #tpu.memory_space<semaphore_mem>>)
      %slice3A_292 = vector.extract_strided_slice %get3A_52 {offsets = [7], sizes = [1], strides = [1]} : vector<16xi32> to vector<1xi32>
      %squeeze3A_293 = vector.extract %slice3A_292[0] : i32 from vector<1xi32>
      %dma_start3A_294 = arith.constant 0 : i32
      %dma_start3A_295 = tpu.memref_slice %arg11[%add3A_277, %dma_start3A_294] : memref<256x50xf32, #tpu.memory_space<vmem>> -> memref<1x50xf32, #tpu.memory_space<vmem>>
      %dma_start3A_296 = tpu.memref_squeeze %dma_start3A_295 : memref<1x50xf32, #tpu.memory_space<vmem>> -> memref<50xf32, #tpu.memory_space<vmem>>
      %dma_start3A_297 = arith.constant 0 : i32
      %dma_start3A_298 = tpu.memref_slice %arg5[%squeeze3A_293, %dma_start3A_297] : memref<1000000x50xf32, #tpu.memory_space<hbm>> -> memref<1x50xf32, #tpu.memory_space<hbm>>
      %dma_start3A_299 = tpu.memref_squeeze %dma_start3A_298 : memref<1x50xf32, #tpu.memory_space<hbm>> -> memref<50xf32, #tpu.memory_space<hbm>>
      %dma_start3A_300 = arith.constant 0 : i32
      %dma_start3A_301 = tpu.memref_slice %arg11[%add3A_277, %dma_start3A_300] : memref<256x50xf32, #tpu.memory_space<vmem>> -> memref<1x50xf32, #tpu.memory_space<vmem>>
      %dma_start3A_302 = tpu.memref_squeeze %dma_start3A_301 : memref<1x50xf32, #tpu.memory_space<vmem>> -> memref<50xf32, #tpu.memory_space<vmem>>
      %dma_start3A_303 = arith.constant 0 : i32
      %dma_start3A_304 = tpu.memref_slice %arg5[%squeeze3A_293, %dma_start3A_303] : memref<1000000x50xf32, #tpu.memory_space<hbm>> -> memref<1x50xf32, #tpu.memory_space<hbm>>
      %dma_start3A_305 = tpu.memref_squeeze %dma_start3A_304 : memref<1x50xf32, #tpu.memory_space<hbm>> -> memref<50xf32, #tpu.memory_space<hbm>>
      tpu.enqueue_dma source(%dma_start3A_305 : memref<50xf32, #tpu.memory_space<hbm>>) target(%dma_start3A_302 : memref<50xf32, #tpu.memory_space<vmem>>) target_semaphore(%arg13 : memref<!tpu.dma_semaphore, #tpu.memory_space<semaphore_mem>>)
      %mul3A_306 = arith.constant 16 : i32
      %mul3A_307 = arith.muli %scan3A_38, %mul3A_306 : i32
      %add3A_308 = arith.constant 8 : i32
      %add3A_309 = arith.addi %mul3A_307, %add3A_308 : i32
      %slice3A_310 = vector.extract_strided_slice %get3A_45 {offsets = [8], sizes = [1], strides = [1]} : vector<16xi32> to vector<1xi32>
      %squeeze3A_311 = vector.extract %slice3A_310[0] : i32 from vector<1xi32>
      %dma_start3A_312 = arith.constant 0 : i32
      %dma_start3A_313 = tpu.memref_slice %arg10[%add3A_309, %dma_start3A_312] : memref<256x50xf32, #tpu.memory_space<vmem>> -> memref<1x50xf32, #tpu.memory_space<vmem>>
      %dma_start3A_314 = tpu.memref_squeeze %dma_start3A_313 : memref<1x50xf32, #tpu.memory_space<vmem>> -> memref<50xf32, #tpu.memory_space<vmem>>
      %dma_start3A_315 = arith.constant 0 : i32
      %dma_start3A_316 = tpu.memref_slice %arg4[%squeeze3A_311, %dma_start3A_315] : memref<1000000x50xf32, #tpu.memory_space<hbm>> -> memref<1x50xf32, #tpu.memory_space<hbm>>
      %dma_start3A_317 = tpu.memref_squeeze %dma_start3A_316 : memref<1x50xf32, #tpu.memory_space<hbm>> -> memref<50xf32, #tpu.memory_space<hbm>>
      %dma_start3A_318 = arith.constant 0 : i32
      %dma_start3A_319 = tpu.memref_slice %arg10[%add3A_309, %dma_start3A_318] : memref<256x50xf32, #tpu.memory_space<vmem>> -> memref<1x50xf32, #tpu.memory_space<vmem>>
      %dma_start3A_320 = tpu.memref_squeeze %dma_start3A_319 : memref<1x50xf32, #tpu.memory_space<vmem>> -> memref<50xf32, #tpu.memory_space<vmem>>
      %dma_start3A_321 = arith.constant 0 : i32
      %dma_start3A_322 = tpu.memref_slice %arg4[%squeeze3A_311, %dma_start3A_321] : memref<1000000x50xf32, #tpu.memory_space<hbm>> -> memref<1x50xf32, #tpu.memory_space<hbm>>
      %dma_start3A_323 = tpu.memref_squeeze %dma_start3A_322 : memref<1x50xf32, #tpu.memory_space<hbm>> -> memref<50xf32, #tpu.memory_space<hbm>>
      tpu.enqueue_dma source(%dma_start3A_323 : memref<50xf32, #tpu.memory_space<hbm>>) target(%dma_start3A_320 : memref<50xf32, #tpu.memory_space<vmem>>) target_semaphore(%arg12 : memref<!tpu.dma_semaphore, #tpu.memory_space<semaphore_mem>>)
      %slice3A_324 = vector.extract_strided_slice %get3A_52 {offsets = [8], sizes = [1], strides = [1]} : vector<16xi32> to vector<1xi32>
      %squeeze3A_325 = vector.extract %slice3A_324[0] : i32 from vector<1xi32>
      %dma_start3A_326 = arith.constant 0 : i32
      %dma_start3A_327 = tpu.memref_slice %arg11[%add3A_309, %dma_start3A_326] : memref<256x50xf32, #tpu.memory_space<vmem>> -> memref<1x50xf32, #tpu.memory_space<vmem>>
      %dma_start3A_328 = tpu.memref_squeeze %dma_start3A_327 : memref<1x50xf32, #tpu.memory_space<vmem>> -> memref<50xf32, #tpu.memory_space<vmem>>
      %dma_start3A_329 = arith.constant 0 : i32
      %dma_start3A_330 = tpu.memref_slice %arg5[%squeeze3A_325, %dma_start3A_329] : memref<1000000x50xf32, #tpu.memory_space<hbm>> -> memref<1x50xf32, #tpu.memory_space<hbm>>
      %dma_start3A_331 = tpu.memref_squeeze %dma_start3A_330 : memref<1x50xf32, #tpu.memory_space<hbm>> -> memref<50xf32, #tpu.memory_space<hbm>>
      %dma_start3A_332 = arith.constant 0 : i32
      %dma_start3A_333 = tpu.memref_slice %arg11[%add3A_309, %dma_start3A_332] : memref<256x50xf32, #tpu.memory_space<vmem>> -> memref<1x50xf32, #tpu.memory_space<vmem>>
      %dma_start3A_334 = tpu.memref_squeeze %dma_start3A_333 : memref<1x50xf32, #tpu.memory_space<vmem>> -> memref<50xf32, #tpu.memory_space<vmem>>
      %dma_start3A_335 = arith.constant 0 : i32
      %dma_start3A_336 = tpu.memref_slice %arg5[%squeeze3A_325, %dma_start3A_335] : memref<1000000x50xf32, #tpu.memory_space<hbm>> -> memref<1x50xf32, #tpu.memory_space<hbm>>
      %dma_start3A_337 = tpu.memref_squeeze %dma_start3A_336 : memref<1x50xf32, #tpu.memory_space<hbm>> -> memref<50xf32, #tpu.memory_space<hbm>>
      tpu.enqueue_dma source(%dma_start3A_337 : memref<50xf32, #tpu.memory_space<hbm>>) target(%dma_start3A_334 : memref<50xf32, #tpu.memory_space<vmem>>) target_semaphore(%arg13 : memref<!tpu.dma_semaphore, #tpu.memory_space<semaphore_mem>>)
      %mul3A_338 = arith.constant 16 : i32
      %mul3A_339 = arith.muli %scan3A_38, %mul3A_338 : i32
      %add3A_340 = arith.constant 9 : i32
      %add3A_341 = arith.addi %mul3A_339, %add3A_340 : i32
      %slice3A_342 = vector.extract_strided_slice %get3A_45 {offsets = [9], sizes = [1], strides = [1]} : vector<16xi32> to vector<1xi32>
      %squeeze3A_343 = vector.extract %slice3A_342[0] : i32 from vector<1xi32>
      %dma_start3A_344 = arith.constant 0 : i32
      %dma_start3A_345 = tpu.memref_slice %arg10[%add3A_341, %dma_start3A_344] : memref<256x50xf32, #tpu.memory_space<vmem>> -> memref<1x50xf32, #tpu.memory_space<vmem>>
      %dma_start3A_346 = tpu.memref_squeeze %dma_start3A_345 : memref<1x50xf32, #tpu.memory_space<vmem>> -> memref<50xf32, #tpu.memory_space<vmem>>
      %dma_start3A_347 = arith.constant 0 : i32
      %dma_start3A_348 = tpu.memref_slice %arg4[%squeeze3A_343, %dma_start3A_347] : memref<1000000x50xf32, #tpu.memory_space<hbm>> -> memref<1x50xf32, #tpu.memory_space<hbm>>
      %dma_start3A_349 = tpu.memref_squeeze %dma_start3A_348 : memref<1x50xf32, #tpu.memory_space<hbm>> -> memref<50xf32, #tpu.memory_space<hbm>>
      %dma_start3A_350 = arith.constant 0 : i32
      %dma_start3A_351 = tpu.memref_slice %arg10[%add3A_341, %dma_start3A_350] : memref<256x50xf32, #tpu.memory_space<vmem>> -> memref<1x50xf32, #tpu.memory_space<vmem>>
      %dma_start3A_352 = tpu.memref_squeeze %dma_start3A_351 : memref<1x50xf32, #tpu.memory_space<vmem>> -> memref<50xf32, #tpu.memory_space<vmem>>
      %dma_start3A_353 = arith.constant 0 : i32
      %dma_start3A_354 = tpu.memref_slice %arg4[%squeeze3A_343, %dma_start3A_353] : memref<1000000x50xf32, #tpu.memory_space<hbm>> -> memref<1x50xf32, #tpu.memory_space<hbm>>
      %dma_start3A_355 = tpu.memref_squeeze %dma_start3A_354 : memref<1x50xf32, #tpu.memory_space<hbm>> -> memref<50xf32, #tpu.memory_space<hbm>>
      tpu.enqueue_dma source(%dma_start3A_355 : memref<50xf32, #tpu.memory_space<hbm>>) target(%dma_start3A_352 : memref<50xf32, #tpu.memory_space<vmem>>) target_semaphore(%arg12 : memref<!tpu.dma_semaphore, #tpu.memory_space<semaphore_mem>>)
      %slice3A_356 = vector.extract_strided_slice %get3A_52 {offsets = [9], sizes = [1], strides = [1]} : vector<16xi32> to vector<1xi32>
      %squeeze3A_357 = vector.extract %slice3A_356[0] : i32 from vector<1xi32>
      %dma_start3A_358 = arith.constant 0 : i32
      %dma_start3A_359 = tpu.memref_slice %arg11[%add3A_341, %dma_start3A_358] : memref<256x50xf32, #tpu.memory_space<vmem>> -> memref<1x50xf32, #tpu.memory_space<vmem>>
      %dma_start3A_360 = tpu.memref_squeeze %dma_start3A_359 : memref<1x50xf32, #tpu.memory_space<vmem>> -> memref<50xf32, #tpu.memory_space<vmem>>
      %dma_start3A_361 = arith.constant 0 : i32
      %dma_start3A_362 = tpu.memref_slice %arg5[%squeeze3A_357, %dma_start3A_361] : memref<1000000x50xf32, #tpu.memory_space<hbm>> -> memref<1x50xf32, #tpu.memory_space<hbm>>
      %dma_start3A_363 = tpu.memref_squeeze %dma_start3A_362 : memref<1x50xf32, #tpu.memory_space<hbm>> -> memref<50xf32, #tpu.memory_space<hbm>>
      %dma_start3A_364 = arith.constant 0 : i32
      %dma_start3A_365 = tpu.memref_slice %arg11[%add3A_341, %dma_start3A_364] : memref<256x50xf32, #tpu.memory_space<vmem>> -> memref<1x50xf32, #tpu.memory_space<vmem>>
      %dma_start3A_366 = tpu.memref_squeeze %dma_start3A_365 : memref<1x50xf32, #tpu.memory_space<vmem>> -> memref<50xf32, #tpu.memory_space<vmem>>
      %dma_start3A_367 = arith.constant 0 : i32
      %dma_start3A_368 = tpu.memref_slice %arg5[%squeeze3A_357, %dma_start3A_367] : memref<1000000x50xf32, #tpu.memory_space<hbm>> -> memref<1x50xf32, #tpu.memory_space<hbm>>
      %dma_start3A_369 = tpu.memref_squeeze %dma_start3A_368 : memref<1x50xf32, #tpu.memory_space<hbm>> -> memref<50xf32, #tpu.memory_space<hbm>>
      tpu.enqueue_dma source(%dma_start3A_369 : memref<50xf32, #tpu.memory_space<hbm>>) target(%dma_start3A_366 : memref<50xf32, #tpu.memory_space<vmem>>) target_semaphore(%arg13 : memref<!tpu.dma_semaphore, #tpu.memory_space<semaphore_mem>>)
      %mul3A_370 = arith.constant 16 : i32
      %mul3A_371 = arith.muli %scan3A_38, %mul3A_370 : i32
      %add3A_372 = arith.constant 10 : i32
      %add3A_373 = arith.addi %mul3A_371, %add3A_372 : i32
      %slice3A_374 = vector.extract_strided_slice %get3A_45 {offsets = [10], sizes = [1], strides = [1]} : vector<16xi32> to vector<1xi32>
      %squeeze3A_375 = vector.extract %slice3A_374[0] : i32 from vector<1xi32>
      %dma_start3A_376 = arith.constant 0 : i32
      %dma_start3A_377 = tpu.memref_slice %arg10[%add3A_373, %dma_start3A_376] : memref<256x50xf32, #tpu.memory_space<vmem>> -> memref<1x50xf32, #tpu.memory_space<vmem>>
      %dma_start3A_378 = tpu.memref_squeeze %dma_start3A_377 : memref<1x50xf32, #tpu.memory_space<vmem>> -> memref<50xf32, #tpu.memory_space<vmem>>
      %dma_start3A_379 = arith.constant 0 : i32
      %dma_start3A_380 = tpu.memref_slice %arg4[%squeeze3A_375, %dma_start3A_379] : memref<1000000x50xf32, #tpu.memory_space<hbm>> -> memref<1x50xf32, #tpu.memory_space<hbm>>
      %dma_start3A_381 = tpu.memref_squeeze %dma_start3A_380 : memref<1x50xf32, #tpu.memory_space<hbm>> -> memref<50xf32, #tpu.memory_space<hbm>>
      %dma_start3A_382 = arith.constant 0 : i32
      %dma_start3A_383 = tpu.memref_slice %arg10[%add3A_373, %dma_start3A_382] : memref<256x50xf32, #tpu.memory_space<vmem>> -> memref<1x50xf32, #tpu.memory_space<vmem>>
      %dma_start3A_384 = tpu.memref_squeeze %dma_start3A_383 : memref<1x50xf32, #tpu.memory_space<vmem>> -> memref<50xf32, #tpu.memory_space<vmem>>
      %dma_start3A_385 = arith.constant 0 : i32
      %dma_start3A_386 = tpu.memref_slice %arg4[%squeeze3A_375, %dma_start3A_385] : memref<1000000x50xf32, #tpu.memory_space<hbm>> -> memref<1x50xf32, #tpu.memory_space<hbm>>
      %dma_start3A_387 = tpu.memref_squeeze %dma_start3A_386 : memref<1x50xf32, #tpu.memory_space<hbm>> -> memref<50xf32, #tpu.memory_space<hbm>>
      tpu.enqueue_dma source(%dma_start3A_387 : memref<50xf32, #tpu.memory_space<hbm>>) target(%dma_start3A_384 : memref<50xf32, #tpu.memory_space<vmem>>) target_semaphore(%arg12 : memref<!tpu.dma_semaphore, #tpu.memory_space<semaphore_mem>>)
      %slice3A_388 = vector.extract_strided_slice %get3A_52 {offsets = [10], sizes = [1], strides = [1]} : vector<16xi32> to vector<1xi32>
      %squeeze3A_389 = vector.extract %slice3A_388[0] : i32 from vector<1xi32>
      %dma_start3A_390 = arith.constant 0 : i32
      %dma_start3A_391 = tpu.memref_slice %arg11[%add3A_373, %dma_start3A_390] : memref<256x50xf32, #tpu.memory_space<vmem>> -> memref<1x50xf32, #tpu.memory_space<vmem>>
      %dma_start3A_392 = tpu.memref_squeeze %dma_start3A_391 : memref<1x50xf32, #tpu.memory_space<vmem>> -> memref<50xf32, #tpu.memory_space<vmem>>
      %dma_start3A_393 = arith.constant 0 : i32
      %dma_start3A_394 = tpu.memref_slice %arg5[%squeeze3A_389, %dma_start3A_393] : memref<1000000x50xf32, #tpu.memory_space<hbm>> -> memref<1x50xf32, #tpu.memory_space<hbm>>
      %dma_start3A_395 = tpu.memref_squeeze %dma_start3A_394 : memref<1x50xf32, #tpu.memory_space<hbm>> -> memref<50xf32, #tpu.memory_space<hbm>>
      %dma_start3A_396 = arith.constant 0 : i32
      %dma_start3A_397 = tpu.memref_slice %arg11[%add3A_373, %dma_start3A_396] : memref<256x50xf32, #tpu.memory_space<vmem>> -> memref<1x50xf32, #tpu.memory_space<vmem>>
      %dma_start3A_398 = tpu.memref_squeeze %dma_start3A_397 : memref<1x50xf32, #tpu.memory_space<vmem>> -> memref<50xf32, #tpu.memory_space<vmem>>
      %dma_start3A_399 = arith.constant 0 : i32
      %dma_start3A_400 = tpu.memref_slice %arg5[%squeeze3A_389, %dma_start3A_399] : memref<1000000x50xf32, #tpu.memory_space<hbm>> -> memref<1x50xf32, #tpu.memory_space<hbm>>
      %dma_start3A_401 = tpu.memref_squeeze %dma_start3A_400 : memref<1x50xf32, #tpu.memory_space<hbm>> -> memref<50xf32, #tpu.memory_space<hbm>>
      tpu.enqueue_dma source(%dma_start3A_401 : memref<50xf32, #tpu.memory_space<hbm>>) target(%dma_start3A_398 : memref<50xf32, #tpu.memory_space<vmem>>) target_semaphore(%arg13 : memref<!tpu.dma_semaphore, #tpu.memory_space<semaphore_mem>>)
      %mul3A_402 = arith.constant 16 : i32
      %mul3A_403 = arith.muli %scan3A_38, %mul3A_402 : i32
      %add3A_404 = arith.constant 11 : i32
      %add3A_405 = arith.addi %mul3A_403, %add3A_404 : i32
      %slice3A_406 = vector.extract_strided_slice %get3A_45 {offsets = [11], sizes = [1], strides = [1]} : vector<16xi32> to vector<1xi32>
      %squeeze3A_407 = vector.extract %slice3A_406[0] : i32 from vector<1xi32>
      %dma_start3A_408 = arith.constant 0 : i32
      %dma_start3A_409 = tpu.memref_slice %arg10[%add3A_405, %dma_start3A_408] : memref<256x50xf32, #tpu.memory_space<vmem>> -> memref<1x50xf32, #tpu.memory_space<vmem>>
      %dma_start3A_410 = tpu.memref_squeeze %dma_start3A_409 : memref<1x50xf32, #tpu.memory_space<vmem>> -> memref<50xf32, #tpu.memory_space<vmem>>
      %dma_start3A_411 = arith.constant 0 : i32
      %dma_start3A_412 = tpu.memref_slice %arg4[%squeeze3A_407, %dma_start3A_411] : memref<1000000x50xf32, #tpu.memory_space<hbm>> -> memref<1x50xf32, #tpu.memory_space<hbm>>
      %dma_start3A_413 = tpu.memref_squeeze %dma_start3A_412 : memref<1x50xf32, #tpu.memory_space<hbm>> -> memref<50xf32, #tpu.memory_space<hbm>>
      %dma_start3A_414 = arith.constant 0 : i32
      %dma_start3A_415 = tpu.memref_slice %arg10[%add3A_405, %dma_start3A_414] : memref<256x50xf32, #tpu.memory_space<vmem>> -> memref<1x50xf32, #tpu.memory_space<vmem>>
      %dma_start3A_416 = tpu.memref_squeeze %dma_start3A_415 : memref<1x50xf32, #tpu.memory_space<vmem>> -> memref<50xf32, #tpu.memory_space<vmem>>
      %dma_start3A_417 = arith.constant 0 : i32
      %dma_start3A_418 = tpu.memref_slice %arg4[%squeeze3A_407, %dma_start3A_417] : memref<1000000x50xf32, #tpu.memory_space<hbm>> -> memref<1x50xf32, #tpu.memory_space<hbm>>
      %dma_start3A_419 = tpu.memref_squeeze %dma_start3A_418 : memref<1x50xf32, #tpu.memory_space<hbm>> -> memref<50xf32, #tpu.memory_space<hbm>>
      tpu.enqueue_dma source(%dma_start3A_419 : memref<50xf32, #tpu.memory_space<hbm>>) target(%dma_start3A_416 : memref<50xf32, #tpu.memory_space<vmem>>) target_semaphore(%arg12 : memref<!tpu.dma_semaphore, #tpu.memory_space<semaphore_mem>>)
      %slice3A_420 = vector.extract_strided_slice %get3A_52 {offsets = [11], sizes = [1], strides = [1]} : vector<16xi32> to vector<1xi32>
      %squeeze3A_421 = vector.extract %slice3A_420[0] : i32 from vector<1xi32>
      %dma_start3A_422 = arith.constant 0 : i32
      %dma_start3A_423 = tpu.memref_slice %arg11[%add3A_405, %dma_start3A_422] : memref<256x50xf32, #tpu.memory_space<vmem>> -> memref<1x50xf32, #tpu.memory_space<vmem>>
      %dma_start3A_424 = tpu.memref_squeeze %dma_start3A_423 : memref<1x50xf32, #tpu.memory_space<vmem>> -> memref<50xf32, #tpu.memory_space<vmem>>
      %dma_start3A_425 = arith.constant 0 : i32
      %dma_start3A_426 = tpu.memref_slice %arg5[%squeeze3A_421, %dma_start3A_425] : memref<1000000x50xf32, #tpu.memory_space<hbm>> -> memref<1x50xf32, #tpu.memory_space<hbm>>
      %dma_start3A_427 = tpu.memref_squeeze %dma_start3A_426 : memref<1x50xf32, #tpu.memory_space<hbm>> -> memref<50xf32, #tpu.memory_space<hbm>>
      %dma_start3A_428 = arith.constant 0 : i32
      %dma_start3A_429 = tpu.memref_slice %arg11[%add3A_405, %dma_start3A_428] : memref<256x50xf32, #tpu.memory_space<vmem>> -> memref<1x50xf32, #tpu.memory_space<vmem>>
      %dma_start3A_430 = tpu.memref_squeeze %dma_start3A_429 : memref<1x50xf32, #tpu.memory_space<vmem>> -> memref<50xf32, #tpu.memory_space<vmem>>
      %dma_start3A_431 = arith.constant 0 : i32
      %dma_start3A_432 = tpu.memref_slice %arg5[%squeeze3A_421, %dma_start3A_431] : memref<1000000x50xf32, #tpu.memory_space<hbm>> -> memref<1x50xf32, #tpu.memory_space<hbm>>
      %dma_start3A_433 = tpu.memref_squeeze %dma_start3A_432 : memref<1x50xf32, #tpu.memory_space<hbm>> -> memref<50xf32, #tpu.memory_space<hbm>>
      tpu.enqueue_dma source(%dma_start3A_433 : memref<50xf32, #tpu.memory_space<hbm>>) target(%dma_start3A_430 : memref<50xf32, #tpu.memory_space<vmem>>) target_semaphore(%arg13 : memref<!tpu.dma_semaphore, #tpu.memory_space<semaphore_mem>>)
      %mul3A_434 = arith.constant 16 : i32
      %mul3A_435 = arith.muli %scan3A_38, %mul3A_434 : i32
      %add3A_436 = arith.constant 12 : i32
      %add3A_437 = arith.addi %mul3A_435, %add3A_436 : i32
      %slice3A_438 = vector.extract_strided_slice %get3A_45 {offsets = [12], sizes = [1], strides = [1]} : vector<16xi32> to vector<1xi32>
      %squeeze3A_439 = vector.extract %slice3A_438[0] : i32 from vector<1xi32>
      %dma_start3A_440 = arith.constant 0 : i32
      %dma_start3A_441 = tpu.memref_slice %arg10[%add3A_437, %dma_start3A_440] : memref<256x50xf32, #tpu.memory_space<vmem>> -> memref<1x50xf32, #tpu.memory_space<vmem>>
      %dma_start3A_442 = tpu.memref_squeeze %dma_start3A_441 : memref<1x50xf32, #tpu.memory_space<vmem>> -> memref<50xf32, #tpu.memory_space<vmem>>
      %dma_start3A_443 = arith.constant 0 : i32
      %dma_start3A_444 = tpu.memref_slice %arg4[%squeeze3A_439, %dma_start3A_443] : memref<1000000x50xf32, #tpu.memory_space<hbm>> -> memref<1x50xf32, #tpu.memory_space<hbm>>
      %dma_start3A_445 = tpu.memref_squeeze %dma_start3A_444 : memref<1x50xf32, #tpu.memory_space<hbm>> -> memref<50xf32, #tpu.memory_space<hbm>>
      %dma_start3A_446 = arith.constant 0 : i32
      %dma_start3A_447 = tpu.memref_slice %arg10[%add3A_437, %dma_start3A_446] : memref<256x50xf32, #tpu.memory_space<vmem>> -> memref<1x50xf32, #tpu.memory_space<vmem>>
      %dma_start3A_448 = tpu.memref_squeeze %dma_start3A_447 : memref<1x50xf32, #tpu.memory_space<vmem>> -> memref<50xf32, #tpu.memory_space<vmem>>
      %dma_start3A_449 = arith.constant 0 : i32
      %dma_start3A_450 = tpu.memref_slice %arg4[%squeeze3A_439, %dma_start3A_449] : memref<1000000x50xf32, #tpu.memory_space<hbm>> -> memref<1x50xf32, #tpu.memory_space<hbm>>
      %dma_start3A_451 = tpu.memref_squeeze %dma_start3A_450 : memref<1x50xf32, #tpu.memory_space<hbm>> -> memref<50xf32, #tpu.memory_space<hbm>>
      tpu.enqueue_dma source(%dma_start3A_451 : memref<50xf32, #tpu.memory_space<hbm>>) target(%dma_start3A_448 : memref<50xf32, #tpu.memory_space<vmem>>) target_semaphore(%arg12 : memref<!tpu.dma_semaphore, #tpu.memory_space<semaphore_mem>>)
      %slice3A_452 = vector.extract_strided_slice %get3A_52 {offsets = [12], sizes = [1], strides = [1]} : vector<16xi32> to vector<1xi32>
      %squeeze3A_453 = vector.extract %slice3A_452[0] : i32 from vector<1xi32>
      %dma_start3A_454 = arith.constant 0 : i32
      %dma_start3A_455 = tpu.memref_slice %arg11[%add3A_437, %dma_start3A_454] : memref<256x50xf32, #tpu.memory_space<vmem>> -> memref<1x50xf32, #tpu.memory_space<vmem>>
      %dma_start3A_456 = tpu.memref_squeeze %dma_start3A_455 : memref<1x50xf32, #tpu.memory_space<vmem>> -> memref<50xf32, #tpu.memory_space<vmem>>
      %dma_start3A_457 = arith.constant 0 : i32
      %dma_start3A_458 = tpu.memref_slice %arg5[%squeeze3A_453, %dma_start3A_457] : memref<1000000x50xf32, #tpu.memory_space<hbm>> -> memref<1x50xf32, #tpu.memory_space<hbm>>
      %dma_start3A_459 = tpu.memref_squeeze %dma_start3A_458 : memref<1x50xf32, #tpu.memory_space<hbm>> -> memref<50xf32, #tpu.memory_space<hbm>>
      %dma_start3A_460 = arith.constant 0 : i32
      %dma_start3A_461 = tpu.memref_slice %arg11[%add3A_437, %dma_start3A_460] : memref<256x50xf32, #tpu.memory_space<vmem>> -> memref<1x50xf32, #tpu.memory_space<vmem>>
      %dma_start3A_462 = tpu.memref_squeeze %dma_start3A_461 : memref<1x50xf32, #tpu.memory_space<vmem>> -> memref<50xf32, #tpu.memory_space<vmem>>
      %dma_start3A_463 = arith.constant 0 : i32
      %dma_start3A_464 = tpu.memref_slice %arg5[%squeeze3A_453, %dma_start3A_463] : memref<1000000x50xf32, #tpu.memory_space<hbm>> -> memref<1x50xf32, #tpu.memory_space<hbm>>
      %dma_start3A_465 = tpu.memref_squeeze %dma_start3A_464 : memref<1x50xf32, #tpu.memory_space<hbm>> -> memref<50xf32, #tpu.memory_space<hbm>>
      tpu.enqueue_dma source(%dma_start3A_465 : memref<50xf32, #tpu.memory_space<hbm>>) target(%dma_start3A_462 : memref<50xf32, #tpu.memory_space<vmem>>) target_semaphore(%arg13 : memref<!tpu.dma_semaphore, #tpu.memory_space<semaphore_mem>>)
      %mul3A_466 = arith.constant 16 : i32
      %mul3A_467 = arith.muli %scan3A_38, %mul3A_466 : i32
      %add3A_468 = arith.constant 13 : i32
      %add3A_469 = arith.addi %mul3A_467, %add3A_468 : i32
      %slice3A_470 = vector.extract_strided_slice %get3A_45 {offsets = [13], sizes = [1], strides = [1]} : vector<16xi32> to vector<1xi32>
      %squeeze3A_471 = vector.extract %slice3A_470[0] : i32 from vector<1xi32>
      %dma_start3A_472 = arith.constant 0 : i32
      %dma_start3A_473 = tpu.memref_slice %arg10[%add3A_469, %dma_start3A_472] : memref<256x50xf32, #tpu.memory_space<vmem>> -> memref<1x50xf32, #tpu.memory_space<vmem>>
      %dma_start3A_474 = tpu.memref_squeeze %dma_start3A_473 : memref<1x50xf32, #tpu.memory_space<vmem>> -> memref<50xf32, #tpu.memory_space<vmem>>
      %dma_start3A_475 = arith.constant 0 : i32
      %dma_start3A_476 = tpu.memref_slice %arg4[%squeeze3A_471, %dma_start3A_475] : memref<1000000x50xf32, #tpu.memory_space<hbm>> -> memref<1x50xf32, #tpu.memory_space<hbm>>
      %dma_start3A_477 = tpu.memref_squeeze %dma_start3A_476 : memref<1x50xf32, #tpu.memory_space<hbm>> -> memref<50xf32, #tpu.memory_space<hbm>>
      %dma_start3A_478 = arith.constant 0 : i32
      %dma_start3A_479 = tpu.memref_slice %arg10[%add3A_469, %dma_start3A_478] : memref<256x50xf32, #tpu.memory_space<vmem>> -> memref<1x50xf32, #tpu.memory_space<vmem>>
      %dma_start3A_480 = tpu.memref_squeeze %dma_start3A_479 : memref<1x50xf32, #tpu.memory_space<vmem>> -> memref<50xf32, #tpu.memory_space<vmem>>
      %dma_start3A_481 = arith.constant 0 : i32
      %dma_start3A_482 = tpu.memref_slice %arg4[%squeeze3A_471, %dma_start3A_481] : memref<1000000x50xf32, #tpu.memory_space<hbm>> -> memref<1x50xf32, #tpu.memory_space<hbm>>
      %dma_start3A_483 = tpu.memref_squeeze %dma_start3A_482 : memref<1x50xf32, #tpu.memory_space<hbm>> -> memref<50xf32, #tpu.memory_space<hbm>>
      tpu.enqueue_dma source(%dma_start3A_483 : memref<50xf32, #tpu.memory_space<hbm>>) target(%dma_start3A_480 : memref<50xf32, #tpu.memory_space<vmem>>) target_semaphore(%arg12 : memref<!tpu.dma_semaphore, #tpu.memory_space<semaphore_mem>>)
      %slice3A_484 = vector.extract_strided_slice %get3A_52 {offsets = [13], sizes = [1], strides = [1]} : vector<16xi32> to vector<1xi32>
      %squeeze3A_485 = vector.extract %slice3A_484[0] : i32 from vector<1xi32>
      %dma_start3A_486 = arith.constant 0 : i32
      %dma_start3A_487 = tpu.memref_slice %arg11[%add3A_469, %dma_start3A_486] : memref<256x50xf32, #tpu.memory_space<vmem>> -> memref<1x50xf32, #tpu.memory_space<vmem>>
      %dma_start3A_488 = tpu.memref_squeeze %dma_start3A_487 : memref<1x50xf32, #tpu.memory_space<vmem>> -> memref<50xf32, #tpu.memory_space<vmem>>
      %dma_start3A_489 = arith.constant 0 : i32
      %dma_start3A_490 = tpu.memref_slice %arg5[%squeeze3A_485, %dma_start3A_489] : memref<1000000x50xf32, #tpu.memory_space<hbm>> -> memref<1x50xf32, #tpu.memory_space<hbm>>
      %dma_start3A_491 = tpu.memref_squeeze %dma_start3A_490 : memref<1x50xf32, #tpu.memory_space<hbm>> -> memref<50xf32, #tpu.memory_space<hbm>>
      %dma_start3A_492 = arith.constant 0 : i32
      %dma_start3A_493 = tpu.memref_slice %arg11[%add3A_469, %dma_start3A_492] : memref<256x50xf32, #tpu.memory_space<vmem>> -> memref<1x50xf32, #tpu.memory_space<vmem>>
      %dma_start3A_494 = tpu.memref_squeeze %dma_start3A_493 : memref<1x50xf32, #tpu.memory_space<vmem>> -> memref<50xf32, #tpu.memory_space<vmem>>
      %dma_start3A_495 = arith.constant 0 : i32
      %dma_start3A_496 = tpu.memref_slice %arg5[%squeeze3A_485, %dma_start3A_495] : memref<1000000x50xf32, #tpu.memory_space<hbm>> -> memref<1x50xf32, #tpu.memory_space<hbm>>
      %dma_start3A_497 = tpu.memref_squeeze %dma_start3A_496 : memref<1x50xf32, #tpu.memory_space<hbm>> -> memref<50xf32, #tpu.memory_space<hbm>>
      tpu.enqueue_dma source(%dma_start3A_497 : memref<50xf32, #tpu.memory_space<hbm>>) target(%dma_start3A_494 : memref<50xf32, #tpu.memory_space<vmem>>) target_semaphore(%arg13 : memref<!tpu.dma_semaphore, #tpu.memory_space<semaphore_mem>>)
      %mul3A_498 = arith.constant 16 : i32
      %mul3A_499 = arith.muli %scan3A_38, %mul3A_498 : i32
      %add3A_500 = arith.constant 14 : i32
      %add3A_501 = arith.addi %mul3A_499, %add3A_500 : i32
      %slice3A_502 = vector.extract_strided_slice %get3A_45 {offsets = [14], sizes = [1], strides = [1]} : vector<16xi32> to vector<1xi32>
      %squeeze3A_503 = vector.extract %slice3A_502[0] : i32 from vector<1xi32>
      %dma_start3A_504 = arith.constant 0 : i32
      %dma_start3A_505 = tpu.memref_slice %arg10[%add3A_501, %dma_start3A_504] : memref<256x50xf32, #tpu.memory_space<vmem>> -> memref<1x50xf32, #tpu.memory_space<vmem>>
      %dma_start3A_506 = tpu.memref_squeeze %dma_start3A_505 : memref<1x50xf32, #tpu.memory_space<vmem>> -> memref<50xf32, #tpu.memory_space<vmem>>
      %dma_start3A_507 = arith.constant 0 : i32
      %dma_start3A_508 = tpu.memref_slice %arg4[%squeeze3A_503, %dma_start3A_507] : memref<1000000x50xf32, #tpu.memory_space<hbm>> -> memref<1x50xf32, #tpu.memory_space<hbm>>
      %dma_start3A_509 = tpu.memref_squeeze %dma_start3A_508 : memref<1x50xf32, #tpu.memory_space<hbm>> -> memref<50xf32, #tpu.memory_space<hbm>>
      %dma_start3A_510 = arith.constant 0 : i32
      %dma_start3A_511 = tpu.memref_slice %arg10[%add3A_501, %dma_start3A_510] : memref<256x50xf32, #tpu.memory_space<vmem>> -> memref<1x50xf32, #tpu.memory_space<vmem>>
      %dma_start3A_512 = tpu.memref_squeeze %dma_start3A_511 : memref<1x50xf32, #tpu.memory_space<vmem>> -> memref<50xf32, #tpu.memory_space<vmem>>
      %dma_start3A_513 = arith.constant 0 : i32
      %dma_start3A_514 = tpu.memref_slice %arg4[%squeeze3A_503, %dma_start3A_513] : memref<1000000x50xf32, #tpu.memory_space<hbm>> -> memref<1x50xf32, #tpu.memory_space<hbm>>
      %dma_start3A_515 = tpu.memref_squeeze %dma_start3A_514 : memref<1x50xf32, #tpu.memory_space<hbm>> -> memref<50xf32, #tpu.memory_space<hbm>>
      tpu.enqueue_dma source(%dma_start3A_515 : memref<50xf32, #tpu.memory_space<hbm>>) target(%dma_start3A_512 : memref<50xf32, #tpu.memory_space<vmem>>) target_semaphore(%arg12 : memref<!tpu.dma_semaphore, #tpu.memory_space<semaphore_mem>>)
      %slice3A_516 = vector.extract_strided_slice %get3A_52 {offsets = [14], sizes = [1], strides = [1]} : vector<16xi32> to vector<1xi32>
      %squeeze3A_517 = vector.extract %slice3A_516[0] : i32 from vector<1xi32>
      %dma_start3A_518 = arith.constant 0 : i32
      %dma_start3A_519 = tpu.memref_slice %arg11[%add3A_501, %dma_start3A_518] : memref<256x50xf32, #tpu.memory_space<vmem>> -> memref<1x50xf32, #tpu.memory_space<vmem>>
      %dma_start3A_520 = tpu.memref_squeeze %dma_start3A_519 : memref<1x50xf32, #tpu.memory_space<vmem>> -> memref<50xf32, #tpu.memory_space<vmem>>
      %dma_start3A_521 = arith.constant 0 : i32
      %dma_start3A_522 = tpu.memref_slice %arg5[%squeeze3A_517, %dma_start3A_521] : memref<1000000x50xf32, #tpu.memory_space<hbm>> -> memref<1x50xf32, #tpu.memory_space<hbm>>
      %dma_start3A_523 = tpu.memref_squeeze %dma_start3A_522 : memref<1x50xf32, #tpu.memory_space<hbm>> -> memref<50xf32, #tpu.memory_space<hbm>>
      %dma_start3A_524 = arith.constant 0 : i32
      %dma_start3A_525 = tpu.memref_slice %arg11[%add3A_501, %dma_start3A_524] : memref<256x50xf32, #tpu.memory_space<vmem>> -> memref<1x50xf32, #tpu.memory_space<vmem>>
      %dma_start3A_526 = tpu.memref_squeeze %dma_start3A_525 : memref<1x50xf32, #tpu.memory_space<vmem>> -> memref<50xf32, #tpu.memory_space<vmem>>
      %dma_start3A_527 = arith.constant 0 : i32
      %dma_start3A_528 = tpu.memref_slice %arg5[%squeeze3A_517, %dma_start3A_527] : memref<1000000x50xf32, #tpu.memory_space<hbm>> -> memref<1x50xf32, #tpu.memory_space<hbm>>
      %dma_start3A_529 = tpu.memref_squeeze %dma_start3A_528 : memref<1x50xf32, #tpu.memory_space<hbm>> -> memref<50xf32, #tpu.memory_space<hbm>>
      tpu.enqueue_dma source(%dma_start3A_529 : memref<50xf32, #tpu.memory_space<hbm>>) target(%dma_start3A_526 : memref<50xf32, #tpu.memory_space<vmem>>) target_semaphore(%arg13 : memref<!tpu.dma_semaphore, #tpu.memory_space<semaphore_mem>>)
      %mul3A_530 = arith.constant 16 : i32
      %mul3A_531 = arith.muli %scan3A_38, %mul3A_530 : i32
      %add3A_532 = arith.constant 15 : i32
      %add3A_533 = arith.addi %mul3A_531, %add3A_532 : i32
      %slice3A_534 = vector.extract_strided_slice %get3A_45 {offsets = [15], sizes = [1], strides = [1]} : vector<16xi32> to vector<1xi32>
      %squeeze3A_535 = vector.extract %slice3A_534[0] : i32 from vector<1xi32>
      %dma_start3A_536 = arith.constant 0 : i32
      %dma_start3A_537 = tpu.memref_slice %arg10[%add3A_533, %dma_start3A_536] : memref<256x50xf32, #tpu.memory_space<vmem>> -> memref<1x50xf32, #tpu.memory_space<vmem>>
      %dma_start3A_538 = tpu.memref_squeeze %dma_start3A_537 : memref<1x50xf32, #tpu.memory_space<vmem>> -> memref<50xf32, #tpu.memory_space<vmem>>
      %dma_start3A_539 = arith.constant 0 : i32
      %dma_start3A_540 = tpu.memref_slice %arg4[%squeeze3A_535, %dma_start3A_539] : memref<1000000x50xf32, #tpu.memory_space<hbm>> -> memref<1x50xf32, #tpu.memory_space<hbm>>
      %dma_start3A_541 = tpu.memref_squeeze %dma_start3A_540 : memref<1x50xf32, #tpu.memory_space<hbm>> -> memref<50xf32, #tpu.memory_space<hbm>>
      %dma_start3A_542 = arith.constant 0 : i32
      %dma_start3A_543 = tpu.memref_slice %arg10[%add3A_533, %dma_start3A_542] : memref<256x50xf32, #tpu.memory_space<vmem>> -> memref<1x50xf32, #tpu.memory_space<vmem>>
      %dma_start3A_544 = tpu.memref_squeeze %dma_start3A_543 : memref<1x50xf32, #tpu.memory_space<vmem>> -> memref<50xf32, #tpu.memory_space<vmem>>
      %dma_start3A_545 = arith.constant 0 : i32
      %dma_start3A_546 = tpu.memref_slice %arg4[%squeeze3A_535, %dma_start3A_545] : memref<1000000x50xf32, #tpu.memory_space<hbm>> -> memref<1x50xf32, #tpu.memory_space<hbm>>
      %dma_start3A_547 = tpu.memref_squeeze %dma_start3A_546 : memref<1x50xf32, #tpu.memory_space<hbm>> -> memref<50xf32, #tpu.memory_space<hbm>>
      tpu.enqueue_dma source(%dma_start3A_547 : memref<50xf32, #tpu.memory_space<hbm>>) target(%dma_start3A_544 : memref<50xf32, #tpu.memory_space<vmem>>) target_semaphore(%arg12 : memref<!tpu.dma_semaphore, #tpu.memory_space<semaphore_mem>>)
      %slice3A_548 = vector.extract_strided_slice %get3A_52 {offsets = [15], sizes = [1], strides = [1]} : vector<16xi32> to vector<1xi32>
      %squeeze3A_549 = vector.extract %slice3A_548[0] : i32 from vector<1xi32>
      %dma_start3A_550 = arith.constant 0 : i32
      %dma_start3A_551 = tpu.memref_slice %arg11[%add3A_533, %dma_start3A_550] : memref<256x50xf32, #tpu.memory_space<vmem>> -> memref<1x50xf32, #tpu.memory_space<vmem>>
      %dma_start3A_552 = tpu.memref_squeeze %dma_start3A_551 : memref<1x50xf32, #tpu.memory_space<vmem>> -> memref<50xf32, #tpu.memory_space<vmem>>
      %dma_start3A_553 = arith.constant 0 : i32
      %dma_start3A_554 = tpu.memref_slice %arg5[%squeeze3A_549, %dma_start3A_553] : memref<1000000x50xf32, #tpu.memory_space<hbm>> -> memref<1x50xf32, #tpu.memory_space<hbm>>
      %dma_start3A_555 = tpu.memref_squeeze %dma_start3A_554 : memref<1x50xf32, #tpu.memory_space<hbm>> -> memref<50xf32, #tpu.memory_space<hbm>>
      %dma_start3A_556 = arith.constant 0 : i32
      %dma_start3A_557 = tpu.memref_slice %arg11[%add3A_533, %dma_start3A_556] : memref<256x50xf32, #tpu.memory_space<vmem>> -> memref<1x50xf32, #tpu.memory_space<vmem>>
      %dma_start3A_558 = tpu.memref_squeeze %dma_start3A_557 : memref<1x50xf32, #tpu.memory_space<vmem>> -> memref<50xf32, #tpu.memory_space<vmem>>
      %dma_start3A_559 = arith.constant 0 : i32
      %dma_start3A_560 = tpu.memref_slice %arg5[%squeeze3A_549, %dma_start3A_559] : memref<1000000x50xf32, #tpu.memory_space<hbm>> -> memref<1x50xf32, #tpu.memory_space<hbm>>
      %dma_start3A_561 = tpu.memref_squeeze %dma_start3A_560 : memref<1x50xf32, #tpu.memory_space<hbm>> -> memref<50xf32, #tpu.memory_space<hbm>>
      tpu.enqueue_dma source(%dma_start3A_561 : memref<50xf32, #tpu.memory_space<hbm>>) target(%dma_start3A_558 : memref<50xf32, #tpu.memory_space<vmem>>) target_semaphore(%arg13 : memref<!tpu.dma_semaphore, #tpu.memory_space<semaphore_mem>>)
      %scan3A_562 = arith.constant 0 : i32
      scf.yield %scan3A_562 : i32
    }
    %scan3A_26 = arith.constant 16 : i32
    %scan3A_27 = arith.constant 0 : i32
    %scan3A_28 = arith.constant 0 : i32
    %scan3A_29 = arith.constant 256 : i32
    %scan3A_30 = arith.addi %scan3A_28, %scan3A_29 : i32
    %scan3A_31 = arith.constant 1 : i32
    %scan3A_32 = scf.for %scan3A_38 = %scan3A_28 to %scan3A_30 step %scan3A_31 iter_args(%scan3A_39 = %scan3A_27) -> (i32)  : i32 {
      %dma_wait3A = arith.constant 0 : i32
      %dma_wait3A_40 = arith.constant 0 : i32
      %dma_wait3A_41 = tpu.memref_slice %arg10[%scan3A_38, %dma_wait3A_40] : memref<256x50xf32, #tpu.memory_space<vmem>> -> memref<1x50xf32, #tpu.memory_space<vmem>>
      %dma_wait3A_42 = tpu.memref_squeeze %dma_wait3A_41 : memref<1x50xf32, #tpu.memory_space<vmem>> -> memref<50xf32, #tpu.memory_space<vmem>>
      %dma_wait3A_43 = arith.constant 0 : i32
      %dma_wait3A_44 = tpu.memref_slice %arg4[%dma_wait3A, %dma_wait3A_43] : memref<1000000x50xf32, #tpu.memory_space<hbm>> -> memref<1x50xf32, #tpu.memory_space<hbm>>
      %dma_wait3A_45 = tpu.memref_squeeze %dma_wait3A_44 : memref<1x50xf32, #tpu.memory_space<hbm>> -> memref<50xf32, #tpu.memory_space<hbm>>
      %dma_wait3A_46 = arith.constant 0 : i32
      %dma_wait3A_47 = tpu.memref_slice %arg10[%scan3A_38, %dma_wait3A_46] : memref<256x50xf32, #tpu.memory_space<vmem>> -> memref<1x50xf32, #tpu.memory_space<vmem>>
      %dma_wait3A_48 = tpu.memref_squeeze %dma_wait3A_47 : memref<1x50xf32, #tpu.memory_space<vmem>> -> memref<50xf32, #tpu.memory_space<vmem>>
      %dma_wait3A_49 = arith.constant 0 : i32
      %dma_wait3A_50 = tpu.memref_slice %arg4[%dma_wait3A, %dma_wait3A_49] : memref<1000000x50xf32, #tpu.memory_space<hbm>> -> memref<1x50xf32, #tpu.memory_space<hbm>>
      %dma_wait3A_51 = tpu.memref_squeeze %dma_wait3A_50 : memref<1x50xf32, #tpu.memory_space<hbm>> -> memref<50xf32, #tpu.memory_space<hbm>>
      tpu.wait_dma2 semaphore(%arg12 : memref<!tpu.dma_semaphore, #tpu.memory_space<semaphore_mem>>) src(%dma_wait3A_51 : memref<50xf32, #tpu.memory_space<hbm>>) dst(%dma_wait3A_48 : memref<50xf32, #tpu.memory_space<vmem>>)
      %dma_wait3A_52 = arith.constant 0 : i32
      %dma_wait3A_53 = arith.constant 0 : i32
      %dma_wait3A_54 = tpu.memref_slice %arg11[%scan3A_38, %dma_wait3A_53] : memref<256x50xf32, #tpu.memory_space<vmem>> -> memref<1x50xf32, #tpu.memory_space<vmem>>
      %dma_wait3A_55 = tpu.memref_squeeze %dma_wait3A_54 : memref<1x50xf32, #tpu.memory_space<vmem>> -> memref<50xf32, #tpu.memory_space<vmem>>
      %dma_wait3A_56 = arith.constant 0 : i32
      %dma_wait3A_57 = tpu.memref_slice %arg5[%dma_wait3A_52, %dma_wait3A_56] : memref<1000000x50xf32, #tpu.memory_space<hbm>> -> memref<1x50xf32, #tpu.memory_space<hbm>>
      %dma_wait3A_58 = tpu.memref_squeeze %dma_wait3A_57 : memref<1x50xf32, #tpu.memory_space<hbm>> -> memref<50xf32, #tpu.memory_space<hbm>>
      %dma_wait3A_59 = arith.constant 0 : i32
      %dma_wait3A_60 = tpu.memref_slice %arg11[%scan3A_38, %dma_wait3A_59] : memref<256x50xf32, #tpu.memory_space<vmem>> -> memref<1x50xf32, #tpu.memory_space<vmem>>
      %dma_wait3A_61 = tpu.memref_squeeze %dma_wait3A_60 : memref<1x50xf32, #tpu.memory_space<vmem>> -> memref<50xf32, #tpu.memory_space<vmem>>
      %dma_wait3A_62 = arith.constant 0 : i32
      %dma_wait3A_63 = tpu.memref_slice %arg5[%dma_wait3A_52, %dma_wait3A_62] : memref<1000000x50xf32, #tpu.memory_space<hbm>> -> memref<1x50xf32, #tpu.memory_space<hbm>>
      %dma_wait3A_64 = tpu.memref_squeeze %dma_wait3A_63 : memref<1x50xf32, #tpu.memory_space<hbm>> -> memref<50xf32, #tpu.memory_space<hbm>>
      tpu.wait_dma2 semaphore(%arg13 : memref<!tpu.dma_semaphore, #tpu.memory_space<semaphore_mem>>) src(%dma_wait3A_64 : memref<50xf32, #tpu.memory_space<hbm>>) dst(%dma_wait3A_61 : memref<50xf32, #tpu.memory_space<vmem>>)
      %scan3A_65 = arith.constant 0 : i32
      scf.yield %scan3A_65 : i32
    }
    %scan3A_33 = arith.constant 256 : i32
    %add3A_34 = arith.constant 256 : i32
    %add3A_35 = arith.addi %mul3A_2, %add3A_34 : i32
    "tpu.region"() ({
      %run_scoped3A = tpu.sem_alloc : memref<!tpu.dma_semaphore, #tpu.memory_space<semaphore_mem>>
      %dma_start3A = arith.constant 0 : i32
      %dma_start3A_38 = tpu.memref_slice %arg6[%add3A_35, %dma_start3A] : memref<16384x50xf32, #tpu.memory_space<hbm>> -> memref<256x50xf32, #tpu.memory_space<hbm>>
      %dma_start3A_39 = arith.constant 0 : i32
      %dma_start3A_40 = tpu.memref_slice %arg6[%add3A_35, %dma_start3A_39] : memref<16384x50xf32, #tpu.memory_space<hbm>> -> memref<256x50xf32, #tpu.memory_space<hbm>>
      tpu.enqueue_dma source(%arg10 : memref<256x50xf32, #tpu.memory_space<vmem>>) target(%dma_start3A_40 : memref<256x50xf32, #tpu.memory_space<hbm>>) target_semaphore(%run_scoped3A : memref<!tpu.dma_semaphore, #tpu.memory_space<semaphore_mem>>)
      %dma_wait3A = arith.constant 0 : i32
      %dma_wait3A_41 = tpu.memref_slice %arg6[%add3A_35, %dma_wait3A] : memref<16384x50xf32, #tpu.memory_space<hbm>> -> memref<256x50xf32, #tpu.memory_space<hbm>>
      %dma_wait3A_42 = arith.constant 0 : i32
      %dma_wait3A_43 = tpu.memref_slice %arg6[%add3A_35, %dma_wait3A_42] : memref<16384x50xf32, #tpu.memory_space<hbm>> -> memref<256x50xf32, #tpu.memory_space<hbm>>
      tpu.wait_dma2 semaphore(%run_scoped3A : memref<!tpu.dma_semaphore, #tpu.memory_space<semaphore_mem>>) src(%arg10 : memref<256x50xf32, #tpu.memory_space<vmem>>) dst(%dma_wait3A_43 : memref<256x50xf32, #tpu.memory_space<hbm>>)
      tpu.yield
    }) : () -> ()
    %add3A_36 = arith.constant 256 : i32
    %add3A_37 = arith.addi %mul3A_2, %add3A_36 : i32
    "tpu.region"() ({
      %run_scoped3A = tpu.sem_alloc : memref<!tpu.dma_semaphore, #tpu.memory_space<semaphore_mem>>
      %dma_start3A = arith.constant 0 : i32
      %dma_start3A_38 = tpu.memref_slice %arg7[%add3A_37, %dma_start3A] : memref<16384x50xf32, #tpu.memory_space<hbm>> -> memref<256x50xf32, #tpu.memory_space<hbm>>
      %dma_start3A_39 = arith.constant 0 : i32
      %dma_start3A_40 = tpu.memref_slice %arg7[%add3A_37, %dma_start3A_39] : memref<16384x50xf32, #tpu.memory_space<hbm>> -> memref<256x50xf32, #tpu.memory_space<hbm>>
      tpu.enqueue_dma source(%arg11 : memref<256x50xf32, #tpu.memory_space<vmem>>) target(%dma_start3A_40 : memref<256x50xf32, #tpu.memory_space<hbm>>) target_semaphore(%run_scoped3A : memref<!tpu.dma_semaphore, #tpu.memory_space<semaphore_mem>>)
      %dma_wait3A = arith.constant 0 : i32
      %dma_wait3A_41 = tpu.memref_slice %arg7[%add3A_37, %dma_wait3A] : memref<16384x50xf32, #tpu.memory_space<hbm>> -> memref<256x50xf32, #tpu.memory_space<hbm>>
      %dma_wait3A_42 = arith.constant 0 : i32
      %dma_wait3A_43 = tpu.memref_slice %arg7[%add3A_37, %dma_wait3A_42] : memref<16384x50xf32, #tpu.memory_space<hbm>> -> memref<256x50xf32, #tpu.memory_space<hbm>>
      tpu.wait_dma2 semaphore(%run_scoped3A : memref<!tpu.dma_semaphore, #tpu.memory_space<semaphore_mem>>) src(%arg11 : memref<256x50xf32, #tpu.memory_space<vmem>>) dst(%dma_wait3A_43 : memref<256x50xf32, #tpu.memory_space<hbm>>)
      tpu.yield
    }) : () -> ()
    return
  }
}

module attributes {stable_mosaic.version = 14 : i64} {
  func.func @_mlp_body(%arg0: i32, %arg1: memref<2048x50xf32, #tpu.memory_space<vmem>>, %arg2: memref<2048x50xf32, #tpu.memory_space<vmem>>, %arg3: memref<2048x1xi32, #tpu.memory_space<vmem>>, %arg4: memref<2048x128xf32, #tpu.memory_space<vmem>>, %arg5: memref<2048x1xf32, #tpu.memory_space<vmem>>, %arg6: memref<1000x5xf32, #tpu.memory_space<vmem>>, %arg7: memref<128x32xf32, #tpu.memory_space<vmem>>, %arg8: memref<1x32xf32, #tpu.memory_space<vmem>>, %arg9: memref<50x128xf32, #tpu.memory_space<vmem>>, %arg10: memref<50x128xf32, #tpu.memory_space<vmem>>, %arg11: memref<5x128xf32, #tpu.memory_space<vmem>>, %arg12: memref<32x128xf32, #tpu.memory_space<vmem>>, %arg13: memref<1x128xf32, #tpu.memory_space<vmem>>, %arg14: memref<1x128xf32, #tpu.memory_space<vmem>>, %arg15: memref<128x1xf32, #tpu.memory_space<vmem>>, %arg16: memref<1x1xf32, #tpu.memory_space<vmem>>, %arg17: memref<2048x1xf32, #tpu.memory_space<vmem>>) attributes {dimension_semantics = [#tpu.dimension_semantics<arbitrary>], iteration_bounds = array<i64: 8>, scalar_prefetch = 0 : i64, scratch_operands = 0 : i64, tpu.core_type = #tpu.core_type<tc>, window_params = [{transform_indices = @transform_0, window_bounds = array<i64: 2048, 50>}, {transform_indices = @transform_1, window_bounds = array<i64: 2048, 50>}, {transform_indices = @transform_2, window_bounds = array<i64: 2048, 1>}, {transform_indices = @transform_3, window_bounds = array<i64: 2048, 128>}, {transform_indices = @transform_4, window_bounds = array<i64: 2048, 1>}, {pipeline_mode = #tpu.pipeline_mode<synchronous>, transform_indices = @transform_5, window_bounds = array<i64: 1000, 5>}, {pipeline_mode = #tpu.pipeline_mode<synchronous>, transform_indices = @transform_6, window_bounds = array<i64: 128, 32>}, {pipeline_mode = #tpu.pipeline_mode<synchronous>, transform_indices = @transform_7, window_bounds = array<i64: 1, 32>}, {pipeline_mode = #tpu.pipeline_mode<synchronous>, transform_indices = @transform_8, window_bounds = array<i64: 50, 128>}, {pipeline_mode = #tpu.pipeline_mode<synchronous>, transform_indices = @transform_9, window_bounds = array<i64: 50, 128>}, {pipeline_mode = #tpu.pipeline_mode<synchronous>, transform_indices = @transform_10, window_bounds = array<i64: 5, 128>}, {pipeline_mode = #tpu.pipeline_mode<synchronous>, transform_indices = @transform_11, window_bounds = array<i64: 32, 128>}, {pipeline_mode = #tpu.pipeline_mode<synchronous>, transform_indices = @transform_12, window_bounds = array<i64: 1, 128>}, {pipeline_mode = #tpu.pipeline_mode<synchronous>, transform_indices = @transform_13, window_bounds = array<i64: 1, 128>}, {pipeline_mode = #tpu.pipeline_mode<synchronous>, transform_indices = @transform_14, window_bounds = array<i64: 128, 1>}, {pipeline_mode = #tpu.pipeline_mode<synchronous>, transform_indices = @transform_15, window_bounds = array<i64: 1, 1>}, {transform_indices = @transform_16, window_bounds = array<i64: 2048, 1>}]} {
    %get3A = arith.constant 0 : index
    %get3A_0 = arith.constant 0 : index
    %get3A_1 = vector.load %arg4[%get3A, %get3A_0] : memref<2048x128xf32, #tpu.memory_space<vmem>>, vector<2048x128xf32>
    %get3A_2 = arith.constant 0 : index
    %get3A_3 = arith.constant 0 : index
    %get3A_4 = vector.load %arg7[%get3A_2, %get3A_3] : memref<128x32xf32, #tpu.memory_space<vmem>>, vector<128x32xf32>
    %dot_general3A = arith.constant dense<0.000000e+00> : vector<2048x32xf32>
    %dot_general3A_5 = tpu.matmul %get3A_1, %get3A_4, %dot_general3A {dimension_numbers = #tpu.dot_dimension_numbers<[1], [0], [0], [1], [0, 0, 1, 1], [], []>, transpose_lhs_hint = false} : vector<2048x128xf32>, vector<128x32xf32>, vector<2048x32xf32> -> vector<2048x32xf32>
    %get3A_6 = arith.constant 0 : index
    %get3A_7 = arith.constant 0 : index
    %get3A_8 = vector.load %arg8[%get3A_6, %get3A_7] : memref<1x32xf32, #tpu.memory_space<vmem>>, vector<1x32xf32>
    %add3A = vector.broadcast %get3A_8 : vector<1x32xf32> to vector<2048x32xf32>
    %add3A_9 = arith.addf %dot_general3A_5, %add3A : vector<2048x32xf32>
    %max3A = arith.constant 0.000000e+00 : f32
    %max3A_10 = vector.broadcast %max3A : f32 to vector<2048x32xf32>
    %max3A_11 = arith.maximumf %add3A_9, %max3A_10 : vector<2048x32xf32>
    %get3A_12 = arith.constant 0 : index
    %get3A_13 = arith.constant 0 : index
    %get3A_14 = vector.load %arg3[%get3A_12, %get3A_13] : memref<2048x1xi32, #tpu.memory_space<vmem>>, vector<2048x1xi32>
    %iota3A = tpu.iota {dimensions = array<i32: 1>} : vector<1x1000xi32>
    %eq3A = vector.broadcast %get3A_14 : vector<2048x1xi32> to vector<2048x1000xi32>
    %eq3A_15 = vector.broadcast %iota3A : vector<1x1000xi32> to vector<2048x1000xi32>
    %eq3A_16 = arith.cmpi eq, %eq3A, %eq3A_15 : vector<2048x1000xi32>
    %convert_element_type3A = arith.extui %eq3A_16 : vector<2048x1000xi1> to vector<2048x1000xi32>
    %convert_element_type3A_17 = arith.sitofp %convert_element_type3A : vector<2048x1000xi32> to vector<2048x1000xf32>
    %get3A_18 = arith.constant 0 : index
    %get3A_19 = arith.constant 0 : index
    %get3A_20 = vector.load %arg6[%get3A_18, %get3A_19] : memref<1000x5xf32, #tpu.memory_space<vmem>>, vector<1000x5xf32>
    %dot_general3A_21 = arith.constant dense<0.000000e+00> : vector<2048x5xf32>
    %dot_general3A_22 = tpu.matmul %convert_element_type3A_17, %get3A_20, %dot_general3A_21 {dimension_numbers = #tpu.dot_dimension_numbers<[1], [0], [0], [1], [0, 0, 1, 1], [], []>, transpose_lhs_hint = false} : vector<2048x1000xf32>, vector<1000x5xf32>, vector<2048x5xf32> -> vector<2048x5xf32>
    %get3A_23 = arith.constant 0 : index
    %get3A_24 = arith.constant 0 : index
    %get3A_25 = vector.load %arg1[%get3A_23, %get3A_24] : memref<2048x50xf32, #tpu.memory_space<vmem>>, vector<2048x50xf32>
    %get3A_26 = arith.constant 0 : index
    %get3A_27 = arith.constant 0 : index
    %get3A_28 = vector.load %arg9[%get3A_26, %get3A_27] : memref<50x128xf32, #tpu.memory_space<vmem>>, vector<50x128xf32>
    %dot_general3A_29 = arith.constant dense<0.000000e+00> : vector<2048x128xf32>
    %dot_general3A_30 = tpu.matmul %get3A_25, %get3A_28, %dot_general3A_29 {dimension_numbers = #tpu.dot_dimension_numbers<[1], [0], [0], [1], [0, 0, 1, 1], [], []>, transpose_lhs_hint = false} : vector<2048x50xf32>, vector<50x128xf32>, vector<2048x128xf32> -> vector<2048x128xf32>
    %get3A_31 = arith.constant 0 : index
    %get3A_32 = arith.constant 0 : index
    %get3A_33 = vector.load %arg2[%get3A_31, %get3A_32] : memref<2048x50xf32, #tpu.memory_space<vmem>>, vector<2048x50xf32>
    %get3A_34 = arith.constant 0 : index
    %get3A_35 = arith.constant 0 : index
    %get3A_36 = vector.load %arg10[%get3A_34, %get3A_35] : memref<50x128xf32, #tpu.memory_space<vmem>>, vector<50x128xf32>
    %dot_general3A_37 = arith.constant dense<0.000000e+00> : vector<2048x128xf32>
    %dot_general3A_38 = tpu.matmul %get3A_33, %get3A_36, %dot_general3A_37 {dimension_numbers = #tpu.dot_dimension_numbers<[1], [0], [0], [1], [0, 0, 1, 1], [], []>, transpose_lhs_hint = false} : vector<2048x50xf32>, vector<50x128xf32>, vector<2048x128xf32> -> vector<2048x128xf32>
    %add3A_39 = arith.addf %dot_general3A_30, %dot_general3A_38 : vector<2048x128xf32>
    %get3A_40 = arith.constant 0 : index
    %get3A_41 = arith.constant 0 : index
    %get3A_42 = vector.load %arg11[%get3A_40, %get3A_41] : memref<5x128xf32, #tpu.memory_space<vmem>>, vector<5x128xf32>
    %dot_general3A_43 = arith.constant dense<0.000000e+00> : vector<2048x128xf32>
    %dot_general3A_44 = tpu.matmul %dot_general3A_22, %get3A_42, %dot_general3A_43 {dimension_numbers = #tpu.dot_dimension_numbers<[1], [0], [0], [1], [0, 0, 1, 1], [], []>, transpose_lhs_hint = false} : vector<2048x5xf32>, vector<5x128xf32>, vector<2048x128xf32> -> vector<2048x128xf32>
    %add3A_45 = arith.addf %add3A_39, %dot_general3A_44 : vector<2048x128xf32>
    %get3A_46 = arith.constant 0 : index
    %get3A_47 = arith.constant 0 : index
    %get3A_48 = vector.load %arg12[%get3A_46, %get3A_47] : memref<32x128xf32, #tpu.memory_space<vmem>>, vector<32x128xf32>
    %dot_general3A_49 = arith.constant dense<0.000000e+00> : vector<2048x128xf32>
    %dot_general3A_50 = tpu.matmul %max3A_11, %get3A_48, %dot_general3A_49 {dimension_numbers = #tpu.dot_dimension_numbers<[1], [0], [0], [1], [0, 0, 1, 1], [], []>, transpose_lhs_hint = false} : vector<2048x32xf32>, vector<32x128xf32>, vector<2048x128xf32> -> vector<2048x128xf32>
    %add3A_51 = arith.addf %add3A_45, %dot_general3A_50 : vector<2048x128xf32>
    %get3A_52 = arith.constant 0 : index
    %get3A_53 = arith.constant 0 : index
    %get3A_54 = vector.load %arg5[%get3A_52, %get3A_53] : memref<2048x1xf32, #tpu.memory_space<vmem>>, vector<2048x1xf32>
    %get3A_55 = arith.constant 0 : index
    %get3A_56 = arith.constant 0 : index
    %get3A_57 = vector.load %arg13[%get3A_55, %get3A_56] : memref<1x128xf32, #tpu.memory_space<vmem>>, vector<1x128xf32>
    %mul3A = vector.broadcast %get3A_54 : vector<2048x1xf32> to vector<2048x128xf32>
    %mul3A_58 = vector.broadcast %get3A_57 : vector<1x128xf32> to vector<2048x128xf32>
    %mul3A_59 = arith.mulf %mul3A, %mul3A_58 : vector<2048x128xf32>
    %add3A_60 = arith.addf %add3A_51, %mul3A_59 : vector<2048x128xf32>
    %get3A_61 = arith.constant 0 : index
    %get3A_62 = arith.constant 0 : index
    %get3A_63 = vector.load %arg14[%get3A_61, %get3A_62] : memref<1x128xf32, #tpu.memory_space<vmem>>, vector<1x128xf32>
    %add3A_64 = vector.broadcast %get3A_63 : vector<1x128xf32> to vector<2048x128xf32>
    %add3A_65 = arith.addf %add3A_60, %add3A_64 : vector<2048x128xf32>
    %max3A_66 = arith.constant 0.000000e+00 : f32
    %max3A_67 = vector.broadcast %max3A_66 : f32 to vector<2048x128xf32>
    %max3A_68 = arith.maximumf %add3A_65, %max3A_67 : vector<2048x128xf32>
    %get3A_69 = arith.constant 0 : index
    %get3A_70 = arith.constant 0 : index
    %get3A_71 = vector.load %arg15[%get3A_69, %get3A_70] : memref<128x1xf32, #tpu.memory_space<vmem>>, vector<128x1xf32>
    %dot_general3A_72 = arith.constant dense<0.000000e+00> : vector<2048x1xf32>
    %dot_general3A_73 = tpu.matmul %max3A_68, %get3A_71, %dot_general3A_72 {dimension_numbers = #tpu.dot_dimension_numbers<[1], [0], [0], [1], [0, 0, 1, 1], [], []>, transpose_lhs_hint = false} : vector<2048x128xf32>, vector<128x1xf32>, vector<2048x1xf32> -> vector<2048x1xf32>
    %get3A_74 = arith.constant 0 : index
    %get3A_75 = arith.constant 0 : index
    %get3A_76 = vector.load %arg16[%get3A_74, %get3A_75] : memref<1x1xf32, #tpu.memory_space<vmem>>, vector<1x1xf32>
    %add3A_77 = vector.broadcast %get3A_76 : vector<1x1xf32> to vector<2048x1xf32>
    %add3A_78 = arith.addf %dot_general3A_73, %add3A_77 : vector<2048x1xf32>
    %neg3A = arith.constant 0.000000e+00 : f32
    %neg3A_79 = vector.broadcast %neg3A : f32 to vector<2048x1xf32>
    %neg3A_80 = arith.subf %neg3A_79, %add3A_78 : vector<2048x1xf32>
    %exp3A = math.exp %neg3A_80 : vector<2048x1xf32>
    %add3A_81 = arith.constant 1.000000e+00 : f32
    %add3A_82 = vector.broadcast %add3A_81 : f32 to vector<2048x1xf32>
    %add3A_83 = arith.addf %add3A_82, %exp3A : vector<2048x1xf32>
    %div3A = arith.constant 1.000000e+00 : f32
    %div3A_84 = vector.broadcast %div3A : f32 to vector<2048x1xf32>
    %div3A_85 = arith.divf %div3A_84, %add3A_83 : vector<2048x1xf32>
    %swap3A = arith.constant 0 : index
    %swap3A_86 = arith.constant 0 : index
    %swap3A_87 = vector.load %arg17[%swap3A, %swap3A_86] : memref<2048x1xf32, #tpu.memory_space<vmem>>, vector<2048x1xf32>
    tpu.vector_store %arg17[%swap3A, %swap3A_86], %div3A_85 {strides = array<i32>} : memref<2048x1xf32, #tpu.memory_space<vmem>>, vector<2048x1xf32>,
    return
  }
  func.func @transform_0(%arg0: i32) -> (i32, i32) {
    %c0_i32 = arith.constant 0 : i32
    %c0_i32_0 = arith.constant 0 : i32
    return %arg0, %c0_i32 : i32, i32
  }
  func.func @transform_1(%arg0: i32) -> (i32, i32) {
    %c0_i32 = arith.constant 0 : i32
    %c0_i32_0 = arith.constant 0 : i32
    return %arg0, %c0_i32 : i32, i32
  }
  func.func @transform_2(%arg0: i32) -> (i32, i32) {
    %c0_i32 = arith.constant 0 : i32
    %c0_i32_0 = arith.constant 0 : i32
    return %arg0, %c0_i32 : i32, i32
  }
  func.func @transform_3(%arg0: i32) -> (i32, i32) {
    %c0_i32 = arith.constant 0 : i32
    %c0_i32_0 = arith.constant 0 : i32
    return %arg0, %c0_i32 : i32, i32
  }
  func.func @transform_4(%arg0: i32) -> (i32, i32) {
    %c0_i32 = arith.constant 0 : i32
    %c0_i32_0 = arith.constant 0 : i32
    return %arg0, %c0_i32 : i32, i32
  }
  func.func @transform_5(%arg0: i32) -> (i32, i32) {
    %c0_i32 = arith.constant 0 : i32
    %c0_i32_0 = arith.constant 0 : i32
    %c0_i32_1 = arith.constant 0 : i32
    return %c0_i32, %c0_i32_0 : i32, i32
  }
  func.func @transform_6(%arg0: i32) -> (i32, i32) {
    %c0_i32 = arith.constant 0 : i32
    %c0_i32_0 = arith.constant 0 : i32
    %c0_i32_1 = arith.constant 0 : i32
    return %c0_i32, %c0_i32_0 : i32, i32
  }
  func.func @transform_7(%arg0: i32) -> (i32, i32) {
    %c0_i32 = arith.constant 0 : i32
    %c0_i32_0 = arith.constant 0 : i32
    %c0_i32_1 = arith.constant 0 : i32
    return %c0_i32, %c0_i32_0 : i32, i32
  }
  func.func @transform_8(%arg0: i32) -> (i32, i32) {
    %c0_i32 = arith.constant 0 : i32
    %c0_i32_0 = arith.constant 0 : i32
    %c0_i32_1 = arith.constant 0 : i32
    return %c0_i32, %c0_i32_0 : i32, i32
  }
  func.func @transform_9(%arg0: i32) -> (i32, i32) {
    %c0_i32 = arith.constant 0 : i32
    %c0_i32_0 = arith.constant 0 : i32
    %c0_i32_1 = arith.constant 0 : i32
    return %c0_i32, %c0_i32_0 : i32, i32
  }
  func.func @transform_10(%arg0: i32) -> (i32, i32) {
    %c0_i32 = arith.constant 0 : i32
    %c0_i32_0 = arith.constant 0 : i32
    %c0_i32_1 = arith.constant 0 : i32
    return %c0_i32, %c0_i32_0 : i32, i32
  }
  func.func @transform_11(%arg0: i32) -> (i32, i32) {
    %c0_i32 = arith.constant 0 : i32
    %c0_i32_0 = arith.constant 0 : i32
    %c0_i32_1 = arith.constant 0 : i32
    return %c0_i32, %c0_i32_0 : i32, i32
  }
  func.func @transform_12(%arg0: i32) -> (i32, i32) {
    %c0_i32 = arith.constant 0 : i32
    %c0_i32_0 = arith.constant 0 : i32
    %c0_i32_1 = arith.constant 0 : i32
    return %c0_i32, %c0_i32_0 : i32, i32
  }
  func.func @transform_13(%arg0: i32) -> (i32, i32) {
    %c0_i32 = arith.constant 0 : i32
    %c0_i32_0 = arith.constant 0 : i32
    %c0_i32_1 = arith.constant 0 : i32
    return %c0_i32, %c0_i32_0 : i32, i32
  }
  func.func @transform_14(%arg0: i32) -> (i32, i32) {
    %c0_i32 = arith.constant 0 : i32
    %c0_i32_0 = arith.constant 0 : i32
    %c0_i32_1 = arith.constant 0 : i32
    return %c0_i32, %c0_i32_0 : i32, i32
  }
  func.func @transform_15(%arg0: i32) -> (i32, i32) {
    %c0_i32 = arith.constant 0 : i32
    %c0_i32_0 = arith.constant 0 : i32
    %c0_i32_1 = arith.constant 0 : i32
    return %c0_i32, %c0_i32_0 : i32, i32
  }
  func.func @transform_16(%arg0: i32) -> (i32, i32) {
    %c0_i32 = arith.constant 0 : i32
    %c0_i32_0 = arith.constant 0 : i32
    return %arg0, %c0_i32 : i32, i32
  }
}

</mosaic_0001>

<sc_bundles>
// kernel: kernel.4.cloned.1.call-start
scs
__scs_entry_jumppad:
0x0: {  	(pc) =	sbr.rel $0x88, $3  }
0x1: {  	(tag) =	ssettag $0x0;
	lr =	simm.s32 $0x1  }
0x2: {  	[smem:$0x3F93] =	sst lr;
	_ =	strace $0xD0000000  }
0x3: {  	_ = 	snop  }
0x4: {  	_ = 	snop  }
0x5: {  	_ = 	snop  }
0x6: {  	_ = 	snop  }
0x7: {  	_ = 	snop  }
__scs_overlays_trampoline_lowered:
0x8: {  	[smem:$0x3FA2] =	sst s0  }
0x9: {  	[smem:$0x3FA3] =	sst s1  }
0xa: {  	[smem:$0x3FA4] =	sst s2  }
0xb: {  	[smem:$0x3FA5] =	sst s3  }
0xc: {  	[smem:$0x3FA6] =	sst s4  }
0xd: {  	[smem:$0x3FA7] =	sst s5  }
0xe: {  	[smem:$0x3FA8] =	sst s6  }
0xf: {  	[smem:$0x3FA9] =	sst s7  }
0x10: {  	[smem:$0x3FAA] =	sst s8  }
0x11: {  	[smem:$0x3FAB] =	sst s9;
	s0 =	simm.s32 @!p0 $0x0  }
0x12: {  	s1 =	sld [smem:$0x3F91];
	s0 =	simm.s32 @p0 $0x1  }
0x13: {  	[smem:$0x3FAC] =	sst s0;
	s0 =	simm.s32 @!p1 $0x0  }
0x14: {  	s2 =	sld [smem:$0x3F90];
	s0 =	simm.s32 @p1 $0x1  }
0x15: {  	[smem:$0x3FAD] =	sst s0;
	s0 =	simm.s32 @!p2 $0x0  }
0x16: {  	s3 =	sld [smem:$0x3FDB];
	s0 =	simm.s32 @p2 $0x1  }
0x17: {  	s4 =	simm.s32 $0x1BF5;
	[smem:$0x3FAF] =	sst s0  }
0x18: {  	s0 =	sld [smem:$0x3F92];
	_ =	swait.ge [sflag:s4], $0x0  }
0x19: {  	s7 =	sld [smem:$0x3F93]  }
0x1a: {  	s8 =	sadd.s32 $0xFFFFE003, lr  }
0x1b: {  	s9 =	sadd.s32 $0xFFFFFEF7, lr;
	s5 =	simm.s32 $0xFFFFFFFF;
	p2 =	slt.u32 s8, $0xFFFFF086  }
0x1c: {  	p1 =	slt.u32 s9, $0xF7A;
	s5 =	simm.s32 @!p2 $0x0  }
0x1d: {  	s5 =	simm.s32 @p1 $0x1;
	p0 =	seq.s32 s7, s2  }
0x1e: {  	s7 =	smul.u32 @!p0 $0xF7A, s2;
	p2 =	seq.s32 @!p0 s5, $0x0  }
0x1f: {  	s9 =	smul.u32 $0xF7A, s1;
	s8 =	simm.s32 @!p0 $0x1BF5;
	p2 =	por !p2, p0  }
0x20: {  	[sflag:s8] =	ssyncset.s32 @!p0 $0xFFFFF086;
	s6 =	sadd.s32 @!p0 s3, s7;
	s7 =	simm.s32 @!p0 $0x108  }
0x21: {  	s3 =	sadd.s32 s3, s9;
	s6 =	sadd.s32 @!p0 $0x88, s6;
	s7 =	simm.s32 @p2 $0x1082  }
0x22: {  	[simem:s7], [sflag:s8] =	dma.local @!p0 [hbm:s6], $0xF7A  }
0x23: {  	s9 =	sor.u32 $0xD0000000, s2;
	s6 =	simm.s32 $0x108;
	_ =	swait.ge @!p0 [sflag:s8], $0x0  }
0x24: {  	s3 =	sadd.s32 $0x88, s3;
	s6 =	simm.s32 @!p1 $0x1082;
	[sflag:s4] =	ssyncset.s32 $0xFFFFF086  }
0x25: {  	[simem:s6], [sflag:s4] =	dma.local [hbm:s3], $0xF7A  }
0x26: {  	[smem:$0x3F93] =	sst s1;
	(tag) =	ssettag s2;
	_ =	strace s9  }
0x27: {  	s1 =	sld [smem:$0x3FA3]  }
0x28: {  	s2 =	sld [smem:$0x3FA4]  }
0x29: {  	s4 =	sld [smem:$0x3FA6]  }
0x2a: {  	p0 =	seq.s32 s5, $0x0;
	s5 =	sld [smem:$0x3FA7]  }
0x2b: {  	s6 =	sld [smem:$0x3FA8]  }
0x2c: {  	s7 =	sld [smem:$0x3FA9]  }
0x2d: {  	s3 =	simm.s32 $0x108;
	s8 =	sld [smem:$0x3FAA]  }
0x2e: {  	s3 =	simm.s32 @!p0 $0x1082;
	s9 =	sld [smem:$0x3FAB]  }
0x2f: {  	lr =	sadd.s32 s0, s3;
	s0 =	sld [smem:$0x3FA2]  }
0x30: {  	s3 =	sld [smem:$0x3FA5]  }
0x31: {  	[smem:$0x3FAE] =	sst s10  }
0x32: {  	s10 =	sld [smem:$0x3FAC];
	_ =	sdelay $0x3  }
0x33: {  	p0 =	seq.s32 s10, $0x1;
	s10 =	sld [smem:$0x3FAE];
	_ =	sdelay $0x3  }
0x34: {  	[smem:$0x3FAE] =	sst s10  }
0x35: {  	s10 =	sld [smem:$0x3FAD];
	_ =	sdelay $0x3  }
0x36: {  	p1 =	seq.s32 s10, $0x1;
	s10 =	sld [smem:$0x3FAE];
	_ =	sdelay $0x3  }
0x37: {  	[smem:$0x3FAE] =	sst s10  }
0x38: {  	s10 =	sld [smem:$0x3FAF]  }
0x39: {  	_ = 	snop;
	(pc) =	sbr.ind lr, $3  }
0x3a: {  	_ = 	snop  }
0x3b: {  	_ = 	snop  }
0x3c: {  	p2 =	seq.s32 s10, $0x1;
	s10 =	sld [smem:$0x3FAE]  }
0x3d: {  	_ =	shalt  }
0x3e: {  	_ =	shalt  }
0x3f: {  	_ =	shalt  }
0x40: {  	_ =	shalt  }
0x41: {  	_ =	shalt  }
0x42: {  	_ =	shalt  }
0x43: {  	_ =	shalt  }
0x44: {  	_ =	shalt  }
0x45: {  	_ =	shalt  }
0x46: {  	_ =	shalt  }
0x47: {  	_ =	shalt  }
0x48: {  	_ =	shalt  }
0x49: {  	_ =	shalt  }
0x4a: {  	_ =	shalt  }
0x4b: {  	_ =	shalt  }
0x4c: {  	_ =	shalt  }
0x4d: {  	_ =	shalt  }
0x4e: {  	_ =	shalt  }
0x4f: {  	_ =	shalt  }
0x50: {  	_ =	shalt  }
0x51: {  	_ =	shalt  }
0x52: {  	_ =	shalt  }
0x53: {  	_ =	shalt  }
0x54: {  	_ =	shalt  }
0x55: {  	_ =	shalt  }
0x56: {  	_ =	shalt  }
0x57: {  	_ =	shalt  }
0x58: {  	_ =	shalt  }
0x59: {  	_ =	shalt  }
0x5a: {  	_ =	shalt  }
0x5b: {  	_ =	shalt  }
0x5c: {  	_ =	shalt  }
0x5d: {  	_ =	shalt  }
0x5e: {  	_ =	shalt  }
0x5f: {  	_ =	shalt  }
0x60: {  	_ =	shalt  }
0x61: {  	_ =	shalt  }
0x62: {  	_ =	shalt  }
0x63: {  	_ =	shalt  }
0x64: {  	_ =	shalt  }
0x65: {  	_ =	shalt  }
0x66: {  	_ =	shalt  }
0x67: {  	_ =	shalt  }
0x68: {  	_ =	shalt  }
0x69: {  	_ =	shalt  }
0x6a: {  	_ =	shalt  }
0x6b: {  	_ =	shalt  }
0x6c: {  	_ =	shalt  }
0x6d: {  	_ =	shalt  }
0x6e: {  	_ =	shalt  }
0x6f: {  	_ =	shalt  }
0x70: {  	_ =	shalt  }
0x71: {  	_ =	shalt  }
0x72: {  	_ =	shalt  }
0x73: {  	_ =	shalt  }
0x74: {  	_ =	shalt  }
0x75: {  	_ =	shalt  }
0x76: {  	_ =	shalt  }
0x77: {  	_ =	shalt  }
0x78: {  	_ =	shalt  }
0x79: {  	_ =	shalt  }
0x7a: {  	_ =	shalt  }
0x7b: {  	_ =	shalt  }
0x7c: {  	_ =	shalt  }
0x7d: {  	_ =	shalt  }
0x7e: {  	_ =	shalt  }
0x7f: {  	_ =	shalt  }
0x80: {  	_ =	shalt  }
0x81: {  	_ =	shalt  }
0x82: {  	_ =	shalt  }
0x83: {  	_ =	shalt  }
0x84: {  	_ =	shalt  }
0x85: {  	_ =	shalt  }
0x86: {  	_ =	shalt  }
0x87: {  	_ =	shalt  }
.Lfunc_end0:
.L_simem_size_0:
called_computation_lowered:
.L_overlay_start_0:
0x88: {  	s2 =	sld [smem:$0x3FD9]  }
0x89: {  	s3 =	sld [smem:$0x3FFE];
	_ =	sdelay $0x1  }
0x8a: {  	s1 =	srdreg.scid  }
0x8b: {  	s0 =	sand.u32 $0x1, s1  }
0x8c: {  	s17 =	sshll.u32 s0, $0xA;
	s2 =	sadd.s32 s3, s2  }
0x8d: {  	s2 =	sadd.s32 s2, s17  }
0x8e: {  	[smem:$0x3FBA] =	sst s2  }
0x8f: {  	_ = 	snop  }
0x90: {  	s2 =	sld [smem:$0x3FC9]  }
0x91: {  	s18 =	sld [smem:$0x3FC8];
	(tm) =	ssettm $0x1  }
0x92: {  	s4 =	sld [smem:$0x3FFB];
	_ =	sdelay $0x3  }
0x93: {  	_ =	strace s4  }
0x94: {  	s4 =	sld [smem:$0x3FFC];
	_ =	sdelay $0x3  }
0x95: {  	_ =	strace s4  }
0x96: {  	s4 =	sld [smem:$0x3FFD];
	_ =	sdelay $0x3  }
0x97: {  	_ =	strace s4  }
0x98: {  	_ =	strace $0x8FFFFFFF  }
0x99: {  	s19 =	sld [smem:$0x3FDB];
	_ =	sdelay $0x1  }
0x9a: {  	s5 =	simm.s32 $_scs_section_size  }
0x9b: {  	s6 =	simm.s32 $_size__tile_overlayer_lowered;
	s7 =	simm.s32 $_tile_overlayer_lowered  }
0x9c: {  	s22 =	simm.s32 $0x1BFF;
	s21 =	sshll.u32 s7, $0x1;
	s4 =	sadd.s32 s5, s19  }
0x9d: {  	s8 =	simm.s32 $0x0;
	s20 =	sshll.u32 s6, $0x1;
	s6 =	sadd.s32 s21, s4  }
0x9e: {  	[timem:s8], [sflag:s22] =	dma.local [hbm:s6], s20  }
0x9f: {  	_ =	swait.ge [sflag:s22], s20  }
0xa0: {  	s5 =	ssub.s32 $0x0, s20;
	[sflag:s22] =	ssyncset.done $0x0  }
0xa1: {  	[sflag:s22] =	ssyncadd.s32 s5;
	_ =	sdelay $0x1  }
0xa2: {  	s23 =	simm.s32 $0x1B8B  }
0xa3: {  	_ =	swait.ge [sflag:s23], $0x1  }
0xa4: {  	[sflag:s23] =	ssyncset.done $0x0  }
0xa5: {  	s25 =	simm.s32 $0x1B8E;
	s24 =	sld [smem:$0x3FFE];
	[sflag:s23] =	ssyncadd.s32 $0xFFFFFFFF  }
0xa6: {  	s26 =	simm.s32 $execute0_lowered;
	[smem:$0x3FD2] =	sst s25  }
0xa7: {  	s6 =	sshll.u32 s26, $0x1;
	_ =	strace $0x80000046;
	[dreg:$0x1] =	wrdreg $0xFFFFFFFF  }
0xa8: {  	s28 =	simm.s32 $_size_execute0_lowered;
	s4 =	sadd.s32 s4, s6;
	[dreg:$0x0] =	wrdreg $0x0  }
0xa9: {  	s6 =	sshll.u32 s28, $0x1;
	[dreg:$0x2] =	wrdreg s4  }
0xaa: {  	[dreg:$0x3] =	wrdreg s6  }
0xab: {  	[dreg:$0x4] =	wrdreg $0xC0  }
0xac: {  	_ =	task [dreg:s8], $0x5FFFF  }
0xad: {  	[dreg:$0x1] =	wrdreg $0xFFFFFFFF  }
0xae: {  	[dreg:$0x0] =	wrdreg $0x60  }
0xaf: {  	[dreg:$0x2] =	wrdreg s2  }
0xb0: {  	[dreg:$0x3] =	wrdreg s18  }
0xb1: {  	[dreg:$0x4] =	wrdreg s24  }
0xb2: {  	[dreg:$0x5] =	wrdreg $0x9  }
0xb3: {  	_ =	task.clear_ibuf [dreg:s8], $0x6FFFF;
	_ =	strace $0x90000046  }
0xb4: {  	s29 =	simm.s32 $0x9;
	_ =	strace $0x80000048  }
0xb5: {  	_ =	swait.ge [sflag:s29], $0x1  }
0xb6: {  	[sflag:s29] =	ssyncadd.s32 $0xFFFFFFFF  }
0xb7: {  	_ =	strace $0x90000048  }
0xb8: {  	_ =	sfence  }
0xb9: {  	s30 =	sld [smem:$0x0];
	_ =	sdelay $0x2  }
0xba: {  	s31 =	sshll.u32 s1, $0xD;
	s1 =	sshrl.u32 s1, $0x2  }
0xbb: {  	s3 =	sand.u32 $0x4000, s31;
	s1 =	sadd.s32 s1, s30  }
0xbc: {  	s0 =	sor.u32 s3, s0;
	s1 =	sshll.u32 s1, $0x11  }
0xbd: {  	s0 =	sor.u32 s1, s0  }
0xbe: {  	s0 =	sadd.s32 $0x8F2B, s0  }
0xbf: {  	[sflag:s0] =	ssyncadd.remote.s32 $0x1  }
0xc0: {  	_ =	sfence.sel $0xFFFF  }
0xc1: {  	[dreg:$0x0] =	wrdreg $0xFFFFFFFF;
	(pc) =	sbr.abs _section_cstart, $3  }
0xc2: {  	[dreg:$0x1] =	wrdreg $0xFFFFFFFF  }
0xc3: {  	_ =	task.clear_ibuf [dreg:s8], $0x2FFFF;
	_ =	strace $0x9FFFFFFF  }
0xc4: {  	(tm) =	ssettm $0x7FFFFFFF  }
0xc5: {  	_ =	shalt  }
tec
execute0_lowered:
.L_overlay_start_1:
0x0: {  	(tag) =	ssettag $0x1  }
0x1: {  	s0 =	rddreg [dreg:$0x0]  }
0x2: {  	s2 =	rddreg [dreg:$0x1]  }
0x3: {  	s5 =	rddreg [dreg:$0x2];
	s6 =	srdreg.scid  }
0x4: {  	s1 =	simm.s32 $0x0;
	s8 =	stileid.u32;
	s6 =	sand.u32 $0x1, s6  }
0x5: {  	s8 =	sshll.u32 s8, $0xA;
	s7 =	ssub.s32 $0x2, s6;
	s6 =	sshll.u32 s6, $0x9  }
0x6: {  	[smem:$0x7FF] =	sst s1;
	s3 =	sadd.s32 $0x1800, s5;
	s6 =	sor.u32 s6, s8  }
0x7: {  	s4 =	sadd.s32 $0xF43C00, s5;
	s9 =	sadd.s32 $0x1E86000, s5;
	s8 =	sshrl.u32 s6, $0x3  }
0x8: {  	s5 =	sadd.s32 $0x1EC6000, s5;
	_ =	strace $0x80000047;
	s0 =	sadd.s32 s0, s8  }
0x9: {  	s26 =	sshll.u32 s6, $0x4;
	s25 =	sadd.s32 s2, s8;
	[dreg:$0x16] =	wrdreg s0  }
0xa: {  	s10 =	sshrl.u32 s7, $0x1;
	s28 =	sadd.s32 s9, s26;
	[dreg:$0x17] =	wrdreg s25  }
0xb: {  	s7 =	ssub.s32 s7, s10;
	s29 =	sadd.s32 s5, s26;
	[dreg:$0x18] =	wrdreg s28  }
0xc: {  	s31 =	smax.u32 s7, $0x1;
	[dreg:$0x19] =	wrdreg s29;
	s0 =	sor.u32 $0x1000, s26  }
0xd: {  	[dreg:$0x1c] =	wrdreg s31;
	s30 =	sadd.s32 s9, s0  }
0xe: {  	s0 =	sadd.s32 s5, s0;
	[dreg:$0x1a] =	wrdreg s30  }
0xf: {  	s2 =	simm.s32 $0x0;
	s5 =	simm.s32 $0x3;
	[dreg:$0x1b] =	wrdreg s0  }
.LBB2_1:
0x10: {  	[dreg:$0x1d] =	wrdreg s2  }
0x11: {  	s0 =	rddreg [dreg:$0x16]  }
0x12: {  	[tilespmem:s1], [sflag:$0x3] =	stream.linear.gather [hbm4b:s0+s1], $0x200, $0x38;
	[tilespmem:$0x10400] =	vst v63  }
0x13: {  	_ =	swait.ge [sflag:s5], $0x200  }
0x14: {  	[sflag:s5] =	ssyncset.done $0x0  }
0x15: {  	s12 =	simm.s32 $0x200;
	s13 =	rddreg [dreg:$0x17];
	[sflag:s5] =	ssyncadd.s32 $0xFFFFFE00  }
0x16: {  	[tilespmem:s12], [sflag:$0x3] =	stream.linear.gather [hbm4b:s13+s1], $0x200, $0x38;
	[tilespmem:$0x10400] =	vst v63  }
0x17: {  	_ =	swait.ge [sflag:s5], $0x200  }
0x18: {  	[sflag:s5] =	ssyncset.done $0x0  }
0x19: {  	[sflag:s5] =	ssyncadd.s32 $0xFFFFFE00  }
0x1a: {  	v0 =	vld [tilespmem:s1+$0x0]  }
0x1b: {  	v2 =	vld [tilespmem:s12+$0x0];
	_ =	sdelay $0x3  }
0x1c: {  	v1 =	vshll.u32 v0, $0x4  }
0x1d: {  	v63 =	vshll.u32 v2, $0x4;
	(v2sf) =	vpush v1, $0x0  }
0x1e: {  	(v2sf) =	vpush v63, $0x0;
	_ =	sdelay $0x2  }
0x1f: {  	(v2sf) =	vpush v1, $0x1  }
0x20: {  	(v2sf) =	vpush v63, $0x1;
	_ =	sdelay $0x1  }
0x21: {  	(v2sf) =	vpush v1, $0x2;
	_ =	sdelay $0x1  }
0x22: {  	(v2sf) =	vpush v63, $0x2;
	_ =	sdelay $0x1  }
0x23: {  	s19 =	simm.s32 $0x2000;
	(v2sf) =	vpush v1, $0x3  }
0x24: {  	s18 =	simm.s32 $0x0;
	s6 =	simm.s32 $0x8400;
	s2 =	simm.s32 $0x880  }
0x25: {  	s7 =	simm.s32 $0x400;
	s9 =	simm.s32 $0x600;
	s10 =	simm.s32 $0x580  }
0x26: {  	s16 =	simm.s32 $0x480;
	s21 =	simm.s32 $0x8480;
	s23 =	simm.s32 $0x500  }
0x27: {  	s26 =	simm.s32 $0x8500;
	s28 =	simm.s32 $0xA00;
	s8 =	spop (v2sf);
	(v2sf) =	vpush v63, $0x3  }
0x28: {  	s0 =	simm.s32 $0x8900;
	s8 =	sand.u32 $0x1FFFFFF0, s8;
	s11 =	spop (v2sf)  }
0x29: {  	s5 =	simm.s32 $0x680;
	(v2sf) =	vpush v1, $0x4;
	s8 =	sadd.s32 s3, s8;
	s14 =	sand.u32 $0x1FFFFFF0, s11  }
0x2a: {  	(v2sf) =	vpush v63, $0x4;
	[tilespmem:s7], [sflag:$0x1] =	stream.linear.gather [hbm4b:s8+s1], $0x80, $0x38;
	[tilespmem:$0x10400] =	vst v63  }
0x2b: {  	s15 =	spop (v2sf);
	s7 =	simm.s32 $0x8580;
	s8 =	sadd.s32 s4, s14  }
0x2c: {  	s11 =	sand.u32 $0x1FFFFFF0, s15;
	s12 =	spop (v2sf);
	s14 =	simm.s32 $0x8600  }
0x2d: {  	(v2sf) =	vpush v1, $0x5;
	[tilespmem:s6], [sflag:$0x2] =	stream.linear.gather [hbm4b:s8+s1], $0x80, $0x38;
	[tilespmem:$0x10400] =	vst v63  }
0x2e: {  	s17 =	sadd.s32 s3, s11;
	s20 =	sand.u32 $0x1FFFFFF0, s12;
	s22 =	spop (v2sf);
	(v2sf) =	vpush v63, $0x5  }
0x2f: {  	[tilespmem:s16], [sflag:$0x1] =	stream.linear.gather [hbm4b:s17+s1], $0x80, $0x38;
	[tilespmem:$0x10400] =	vst v63  }
0x30: {  	s11 =	sadd.s32 s4, s20;
	(v2sf) =	vpush v1, $0x6;
	s8 =	sand.u32 $0x1FFFFFF0, s22;
	s24 =	spop (v2sf)  }
0x31: {  	[tilespmem:s21], [sflag:$0x2] =	stream.linear.gather [hbm4b:s11+s1], $0x80, $0x38;
	[tilespmem:$0x10400] =	vst v63  }
0x32: {  	s8 =	sadd.s32 s3, s8;
	s25 =	spop (v2sf);
	s11 =	sand.u32 $0x1FFFFFF0, s24  }
0x33: {  	[tilespmem:s23], [sflag:$0x1] =	stream.linear.gather [hbm4b:s8+s1], $0x80, $0x38;
	[tilespmem:$0x10400] =	vst v63  }
0x34: {  	s12 =	simm.s32 $0x8A00;
	(v2sf) =	vpush v63, $0x6;
	s30 =	sand.u32 $0x1FFFFFF0, s25;
	s29 =	sadd.s32 s4, s11  }
0x35: {  	[tilespmem:s26], [sflag:$0x2] =	stream.linear.gather [hbm4b:s29+s1], $0x80, $0x38;
	[tilespmem:$0x10400] =	vst v63  }
0x36: {  	s13 =	sadd.s32 s3, s30;
	s21 =	simm.s32 $0x8680;
	s31 =	spop (v2sf)  }
0x37: {  	[tilespmem:s10], [sflag:$0x1] =	stream.linear.gather [hbm4b:s13+s1], $0x80, $0x38;
	[tilespmem:$0x10400] =	vst v63  }
0x38: {  	s23 =	simm.s32 $0x700;
	(v2sf) =	vpush v1, $0x7;
	s6 =	sand.u32 $0x1FFFFFF0, s31;
	s15 =	spop (v2sf)  }
0x39: {  	s6 =	sadd.s32 s4, s6;
	s10 =	sand.u32 $0x1FFFFFF0, s15;
	s16 =	spop (v2sf)  }
0x3a: {  	(v2sf) =	vpush v63, $0x7;
	[tilespmem:s7], [sflag:$0x2] =	stream.linear.gather [hbm4b:s6+s1], $0x80, $0x38;
	[tilespmem:$0x10400] =	vst v63  }
0x3b: {  	s13 =	simm.s32 $0xA80;
	(v2sf) =	vpush v1, $0x8;
	s17 =	sadd.s32 s3, s10;
	s20 =	sand.u32 $0x1FFFFFF0, s16  }
0x3c: {  	s22 =	spop (v2sf);
	s10 =	simm.s32 $0x8A80;
	s7 =	sadd.s32 s4, s20  }
0x3d: {  	(v2sf) =	vpush v63, $0x8;
	s24 =	sand.u32 $0x1FFFFFF0, s22;
	s25 =	spop (v2sf);
	s22 =	simm.s32 $0x8780  }
0x3e: {  	[tilespmem:s9], [sflag:$0x1] =	stream.linear.gather [hbm4b:s17+s1], $0x80, $0x38;
	[tilespmem:$0x10400] =	vst v63  }
0x3f: {  	(v2sf) =	vpush v1, $0x9;
	s8 =	sadd.s32 s3, s24;
	s9 =	sand.u32 $0x1FFFFFF0, s25;
	s26 =	spop (v2sf)  }
0x40: {  	[tilespmem:s14], [sflag:$0x2] =	stream.linear.gather [hbm4b:s7+s1], $0x80, $0x38;
	[tilespmem:$0x10400] =	vst v63  }
0x41: {  	(v2sf) =	vpush v63, $0x9;
	s17 =	simm.s32 $0x780;
	s24 =	simm.s32 $0x800;
	s29 =	sadd.s32 s4, s9  }
0x42: {  	[tilespmem:s5], [sflag:$0x1] =	stream.linear.gather [hbm4b:s8+s1], $0x80, $0x38;
	[tilespmem:$0x10400] =	vst v63  }
0x43: {  	s30 =	sand.u32 $0x1FFFFFF0, s26;
	s31 =	spop (v2sf);
	(v2sf) =	vpush v1, $0xA;
	s9 =	simm.s32 $0x8880  }
0x44: {  	[tilespmem:s21], [sflag:$0x2] =	stream.linear.gather [hbm4b:s29+s1], $0x80, $0x38;
	[tilespmem:$0x10400] =	vst v63  }
0x45: {  	s11 =	sadd.s32 s3, s30;
	s14 =	simm.s32 $0x8700;
	(v2sf) =	vpush v63, $0xA;
	s6 =	sand.u32 $0x1FFFFFF0, s31  }
0x46: {  	[tilespmem:s23], [sflag:$0x1] =	stream.linear.gather [hbm4b:s11+s1], $0x80, $0x38;
	[tilespmem:$0x10400] =	vst v63  }
0x47: {  	s6 =	sadd.s32 s4, s6;
	s29 =	simm.s32 $0x8800;
	s15 =	spop (v2sf);
	(v2sf) =	vpush v1, $0xB  }
0x48: {  	[tilespmem:s14], [sflag:$0x2] =	stream.linear.gather [hbm4b:s6+s1], $0x80, $0x38;
	[tilespmem:$0x10400] =	vst v63  }
0x49: {  	s14 =	simm.s32 $0x900;
	s8 =	sand.u32 $0x1FFFFFF0, s15;
	s16 =	spop (v2sf)  }
0x4a: {  	s20 =	sadd.s32 s3, s8;
	s21 =	sand.u32 $0x1FFFFFF0, s16;
	s23 =	spop (v2sf)  }
0x4b: {  	(v2sf) =	vpush v63, $0xB;
	[tilespmem:s17], [sflag:$0x1] =	stream.linear.gather [hbm4b:s20+s1], $0x80, $0x38;
	[tilespmem:$0x10400] =	vst v63  }
0x4c: {  	s8 =	sadd.s32 s4, s21;
	s7 =	sand.u32 $0x1FFFFFF0, s23;
	s25 =	spop (v2sf)  }
0x4d: {  	[tilespmem:s22], [sflag:$0x2] =	stream.linear.gather [hbm4b:s8+s1], $0x80, $0x38;
	[tilespmem:$0x10400] =	vst v63  }
0x4e: {  	(v2sf) =	vpush v1, $0xC;
	s7 =	sadd.s32 s3, s7;
	s26 =	spop (v2sf);
	s8 =	sand.u32 $0x1FFFFFF0, s25  }
0x4f: {  	(v2sf) =	vpush v63, $0xC;
	[tilespmem:s24], [sflag:$0x1] =	stream.linear.gather [hbm4b:s7+s1], $0x80, $0x38;
	[tilespmem:$0x10400] =	vst v63  }
0x50: {  	s31 =	sand.u32 $0x1FFFFFF0, s26;
	s11 =	spop (v2sf);
	s30 =	sadd.s32 s4, s8  }
0x51: {  	[tilespmem:s29], [sflag:$0x2] =	stream.linear.gather [hbm4b:s30+s1], $0x80, $0x38;
	[tilespmem:$0x10400] =	vst v63  }
0x52: {  	s8 =	sadd.s32 s3, s31;
	s15 =	spop (v2sf);
	s7 =	sand.u32 $0x1FFFFFF0, s11  }
0x53: {  	[tilespmem:s2], [sflag:$0x1] =	stream.linear.gather [hbm4b:s8+s1], $0x80, $0x38;
	[tilespmem:$0x10400] =	vst v63  }
0x54: {  	s16 =	spop (v2sf);
	s7 =	sadd.s32 s4, s7;
	s8 =	sand.u32 $0x1FFFFFF0, s15  }
0x55: {  	[tilespmem:s9], [sflag:$0x2] =	stream.linear.gather [hbm4b:s7+s1], $0x80, $0x38;
	[tilespmem:$0x10400] =	vst v63  }
0x56: {  	s20 =	sand.u32 $0x1FFFFFF0, s16;
	s17 =	sadd.s32 s3, s8;
	s21 =	spop (v2sf)  }
0x57: {  	[tilespmem:s14], [sflag:$0x1] =	stream.linear.gather [hbm4b:s17+s1], $0x80, $0x38;
	[tilespmem:$0x10400] =	vst v63  }
0x58: {  	s5 =	simm.s32 $0x8980;
	s22 =	sadd.s32 s4, s20;
	s23 =	sand.u32 $0x1FFFFFF0, s21  }
0x59: {  	[tilespmem:s0], [sflag:$0x2] =	stream.linear.gather [hbm4b:s22+s1], $0x80, $0x38;
	[tilespmem:$0x10400] =	vst v63  }
0x5a: {  	s25 =	simm.s32 $0x980;
	(v2sf) =	vpush v1, $0xD;
	s24 =	spop (v2sf);
	s26 =	sadd.s32 s3, s23  }
0x5b: {  	(v2sf) =	vpush v63, $0xD;
	s29 =	sand.u32 $0x1FFFFFF0, s24;
	s23 =	simm.s32 $0x10;
	s24 =	simm.s32 $0x210  }
0x5c: {  	(v2sf) =	vpush v1, $0xE;
	[tilespmem:s25], [sflag:$0x1] =	stream.linear.gather [hbm4b:s26+s1], $0x80, $0x38;
	[tilespmem:$0x10400] =	vst v63  }
0x5d: {  	s30 =	sadd.s32 s4, s29;
	(v2sf) =	vpush v63, $0xE;
	s31 =	spop (v2sf);
	s26 =	simm.s32 $0xB00  }
0x5e: {  	(v2sf) =	vpush v1, $0xF;
	s25 =	simm.s32 $0x8B00;
	s0 =	sand.u32 $0x1FFFFFF0, s31;
	s2 =	spop (v2sf)  }
0x5f: {  	(v2sf) =	vpush v63, $0xF;
	[tilespmem:s5], [sflag:$0x2] =	stream.linear.gather [hbm4b:s30+s1], $0x80, $0x38;
	[tilespmem:$0x10400] =	vst v63  }
.LBB2_2:
0x60: {  	_ =	sdelay $0x4  }
0x61: {  	s0 =	sadd.s32 s3, s0;
	s2 =	sand.u32 $0x1FFFFFF0, s2  }
0x62: {  	[tilespmem:s28], [sflag:$0x1] =	stream.linear.gather [hbm4b:s0+s1], $0x80, $0x38;
	[tilespmem:$0x10400] =	vst v63  }
0x63: {  	s29 =	sadd.s32 s4, s2  }
0x64: {  	[tilespmem:s12], [sflag:$0x2] =	stream.linear.gather [hbm4b:s29+s1], $0x80, $0x38;
	[tilespmem:$0x10400] =	vst v63  }
0x65: {  	s5 =	spop (v2sf)  }
0x66: {  	s30 =	sand.u32 $0x1FFFFFF0, s5;
	s31 =	spop (v2sf)  }
0x67: {  	s2 =	sadd.s32 s3, s30;
	s5 =	sand.u32 $0x1FFFFFF0, s31;
	s6 =	spop (v2sf)  }
0x68: {  	[tilespmem:s13], [sflag:$0x1] =	stream.linear.gather [hbm4b:s2+s1], $0x80, $0x38;
	[tilespmem:$0x10400] =	vst v63  }
0x69: {  	s7 =	sadd.s32 s4, s5;
	s8 =	sand.u32 $0x1FFFFFF0, s6;
	s9 =	spop (v2sf)  }
0x6a: {  	[tilespmem:s10], [sflag:$0x2] =	stream.linear.gather [hbm4b:s7+s1], $0x80, $0x38;
	[tilespmem:$0x10400] =	vst v63  }
0x6b: {  	s11 =	sand.u32 $0x1FFFFFF0, s9;
	s12 =	spop (v2sf);
	s10 =	sadd.s32 s3, s8  }
0x6c: {  	[tilespmem:s26], [sflag:$0x1] =	stream.linear.gather [hbm4b:s10+s1], $0x80, $0x38;
	[tilespmem:$0x10400] =	vst v63  }
0x6d: {  	s13 =	sadd.s32 s4, s11;
	s14 =	sand.u32 $0x1FFFFFF0, s12;
	s15 =	spop (v2sf)  }
0x6e: {  	[tilespmem:s25], [sflag:$0x2] =	stream.linear.gather [hbm4b:s13+s1], $0x80, $0x38;
	[tilespmem:$0x10400] =	vst v63  }
0x6f: {  	s16 =	sadd.s32 $0xB80, s18;
	s2 =	sadd.s32 s3, s14;
	s5 =	sand.u32 $0x1FFFFFF0, s15  }
0x70: {  	[tilespmem:s16], [sflag:$0x1] =	stream.linear.gather [hbm4b:s2+s1], $0x80, $0x38;
	[tilespmem:$0x10400] =	vst v63  }
0x71: {  	s17 =	sadd.s32 $0x8B80, s18;
	s18 =	sadd.s32 s4, s5  }
0x72: {  	[tilespmem:s17], [sflag:$0x2] =	stream.linear.gather [hbm4b:s18+s1], $0x80, $0x38;
	[tilespmem:$0x10400] =	vst v63  }
0x73: {  	v0 =	vld [tilespmem:s23+$0x0]  }
0x74: {  	v2 =	vld [tilespmem:s24+$0x0];
	_ =	sdelay $0x3  }
0x75: {  	v1 =	vshll.u32 v0, $0x4  }
0x76: {  	v63 =	vshll.u32 v2, $0x4;
	(v2sf) =	vpush v1, $0x0  }
0x77: {  	s20 =	smov.u32 s19;
	(v2sf) =	vpush v63, $0x0  }
0x78: {  	s18 =	sshra.s32 s20, $0x2;
	(v2sf) =	vpush v1, $0x1  }
0x79: {  	p0 =	sne.s32 s19, $0x1E000;
	s19 =	sadd.s32 $0x2000, s19;
	s30 =	sadd.s32 $0x8400, s18  }
0x7a: {  	s6 =	sadd.s32 $0x680, s18;
	s0 =	sadd.s32 $0x880, s18;
	s29 =	sadd.s32 $0x400, s18;
	(v2sf) =	vpush v63, $0x1  }
0x7b: {  	s17 =	sadd.s32 $0x600, s18;
	s21 =	sadd.s32 $0x8900, s18;
	s14 =	sadd.s32 $0x580, s18  }
0x7c: {  	s13 =	sadd.s32 $0x8580, s18;
	s22 =	sadd.s32 $0x8A00, s18;
	s20 =	sadd.s32 $0x500, s18;
	(v2sf) =	vpush v1, $0x2  }
0x7d: {  	s12 =	sadd.s32 $0x8600, s18;
	s5 =	sadd.s32 $0xA80, s18;
	s31 =	sadd.s32 $0x8480, s18;
	(v2sf) =	vpush v63, $0x2  }
0x7e: {  	s11 =	sadd.s32 $0x8680, s18;
	s10 =	sadd.s32 $0x700, s18;
	[dreg:$0x8] =	wrdreg s0  }
0x7f: {  	s25 =	sadd.s32 $0x8980, s18;
	s26 =	sadd.s32 $0x8A80, s18;
	[dreg:$0x4] =	wrdreg s21;
	(v2sf) =	vpush v1, $0x3  }
0x80: {  	s9 =	sadd.s32 $0x8700, s18;
	s7 =	sadd.s32 $0x8880, s18;
	[dreg:$0x13] =	wrdreg s22  }
0x81: {  	s8 =	sadd.s32 $0x900, s18;
	s15 =	sadd.s32 $0x8800, s18;
	[dreg:$0x6] =	wrdreg s25;
	(v2sf) =	vpush v63, $0x3  }
0x82: {  	s28 =	sadd.s32 $0xA00, s18;
	s16 =	sadd.s32 $0x800, s18;
	[dreg:$0x15] =	wrdreg s26  }
0x83: {  	s23 =	sadd.s32 $0x10, s23;
	s24 =	sadd.s32 $0x10, s24;
	[dreg:$0xc] =	wrdreg s7  }
0x84: {  	s2 =	sadd.s32 $0x980, s18;
	s0 =	sadd.s32 $0x8500, s18;
	[dreg:$0xa] =	wrdreg s8  }
0x85: {  	[dreg:$0xe] =	wrdreg s15;
	s15 =	sadd.s32 $0x480, s18;
	(v2sf) =	vpush v1, $0x4;
	s21 =	spop (v2sf)  }
0x86: {  	[dreg:$0x10] =	wrdreg s16;
	s21 =	sand.u32 $0x1FFFFFF0, s21;
	s22 =	spop (v2sf)  }
0x87: {  	(v2sf) =	vpush v63, $0x4;
	s21 =	sadd.s32 s3, s21;
	s22 =	sand.u32 $0x1FFFFFF0, s22;
	s16 =	spop (v2sf)  }
0x88: {  	[tilespmem:s29], [sflag:$0x1] =	stream.linear.gather [hbm4b:s21+s1], $0x80, $0x38;
	[tilespmem:$0x10400] =	vst v63  }
0x89: {  	(v2sf) =	vpush v1, $0x5;
	s22 =	sadd.s32 s4, s22;
	s16 =	sand.u32 $0x1FFFFFF0, s16;
	s29 =	spop (v2sf)  }
0x8a: {  	(v2sf) =	vpush v63, $0x5;
	[tilespmem:s30], [sflag:$0x2] =	stream.linear.gather [hbm4b:s22+s1], $0x80, $0x38;
	[tilespmem:$0x10400] =	vst v63  }
0x8b: {  	s16 =	sadd.s32 s3, s16;
	s29 =	sand.u32 $0x1FFFFFF0, s29;
	s30 =	spop (v2sf)  }
0x8c: {  	(v2sf) =	vpush v1, $0x6;
	s21 =	sadd.s32 s4, s29;
	s29 =	sand.u32 $0x1FFFFFF0, s30;
	s30 =	spop (v2sf)  }
0x8d: {  	[tilespmem:s15], [sflag:$0x1] =	stream.linear.gather [hbm4b:s16+s1], $0x80, $0x38;
	[tilespmem:$0x10400] =	vst v63  }
0x8e: {  	s8 =	sadd.s32 $0x780, s18;
	s7 =	sadd.s32 $0x8780, s18;
	(v2sf) =	vpush v63, $0x6;
	s22 =	spop (v2sf)  }
0x8f: {  	(v2sf) =	vpush v1, $0x7;
	[tilespmem:s31], [sflag:$0x2] =	stream.linear.gather [hbm4b:s21+s1], $0x80, $0x38;
	[tilespmem:$0x10400] =	vst v63  }
0x90: {  	s16 =	sadd.s32 s3, s29;
	s21 =	sand.u32 $0x1FFFFFF0, s30;
	s31 =	spop (v2sf)  }
0x91: {  	(v2sf) =	vpush v63, $0x7;
	[tilespmem:s20], [sflag:$0x1] =	stream.linear.gather [hbm4b:s16+s1], $0x80, $0x38;
	[tilespmem:$0x10400] =	vst v63  }
0x92: {  	s26 =	sadd.s32 $0xB00, s18;
	s30 =	sand.u32 $0x1FFFFFF0, s22;
	s29 =	sadd.s32 s4, s21  }
0x93: {  	[tilespmem:s0], [sflag:$0x2] =	stream.linear.gather [hbm4b:s29+s1], $0x80, $0x38;
	[tilespmem:$0x10400] =	vst v63  }
0x94: {  	s21 =	sand.u32 $0x1FFFFFF0, s31;
	s22 =	spop (v2sf);
	s16 =	sadd.s32 s3, s30  }
0x95: {  	[tilespmem:s14], [sflag:$0x1] =	stream.linear.gather [hbm4b:s16+s1], $0x80, $0x38;
	[tilespmem:$0x10400] =	vst v63  }
0x96: {  	s25 =	sadd.s32 $0x8B00, s18;
	s29 =	sadd.s32 s4, s21;
	s31 =	spop (v2sf)  }
0x97: {  	(v2sf) =	vpush v1, $0x8;
	[tilespmem:s13], [sflag:$0x2] =	stream.linear.gather [hbm4b:s29+s1], $0x80, $0x38;
	[tilespmem:$0x10400] =	vst v63  }
0x98: {  	s30 =	sand.u32 $0x1FFFFFF0, s22;
	s14 =	sand.u32 $0x1FFFFFF0, s31;
	s15 =	spop (v2sf)  }
0x99: {  	(v2sf) =	vpush v63, $0x8;
	s13 =	sadd.s32 s3, s30;
	s16 =	sadd.s32 s4, s14;
	s20 =	spop (v2sf)  }
0x9a: {  	(v2sf) =	vpush v1, $0x9;
	[tilespmem:s17], [sflag:$0x1] =	stream.linear.gather [hbm4b:s13+s1], $0x80, $0x38;
	[tilespmem:$0x10400] =	vst v63  }
0x9b: {  	s17 =	sand.u32 $0x1FFFFFF0, s15;
	s22 =	sand.u32 $0x1FFFFFF0, s20;
	s29 =	spop (v2sf)  }
0x9c: {  	(v2sf) =	vpush v63, $0x9;
	[tilespmem:s12], [sflag:$0x2] =	stream.linear.gather [hbm4b:s16+s1], $0x80, $0x38;
	[tilespmem:$0x10400] =	vst v63  }
0x9d: {  	s13 =	smov.u32 s5;
	s21 =	sadd.s32 s3, s17;
	s5 =	spop (v2sf)  }
0x9e: {  	s30 =	sadd.s32 s4, s22;
	s31 =	sand.u32 $0x1FFFFFF0, s29;
	s15 =	spop (v2sf)  }
0x9f: {  	[tilespmem:s6], [sflag:$0x1] =	stream.linear.gather [hbm4b:s21+s1], $0x80, $0x38;
	[tilespmem:$0x10400] =	vst v63  }
0xa0: {  	(v2sf) =	vpush v1, $0xA;
	s12 =	rddreg [dreg:$0x13];
	s14 =	sand.u32 $0x1FFFFFF0, s5;
	s20 =	spop (v2sf)  }
0xa1: {  	[tilespmem:s11], [sflag:$0x2] =	stream.linear.gather [hbm4b:s30+s1], $0x80, $0x38;
	[tilespmem:$0x10400] =	vst v63  }
0xa2: {  	(v2sf) =	vpush v63, $0xA;
	s16 =	sadd.s32 s4, s14;
	s11 =	sadd.s32 s3, s31;
	s22 =	sand.u32 $0x1FFFFFF0, s20  }
0xa3: {  	[tilespmem:s10], [sflag:$0x1] =	stream.linear.gather [hbm4b:s11+s1], $0x80, $0x38;
	[tilespmem:$0x10400] =	vst v63  }
0xa4: {  	s17 =	sand.u32 $0x1FFFFFF0, s15;
	s30 =	sadd.s32 s4, s22;
	s22 =	rddreg [dreg:$0x8]  }
0xa5: {  	[tilespmem:s9], [sflag:$0x2] =	stream.linear.gather [hbm4b:s16+s1], $0x80, $0x38;
	[tilespmem:$0x10400] =	vst v63  }
0xa6: {  	(v2sf) =	vpush v1, $0xB;
	s21 =	sadd.s32 s3, s17;
	s29 =	spop (v2sf);
	s10 =	rddreg [dreg:$0x15]  }
0xa7: {  	[tilespmem:s8], [sflag:$0x1] =	stream.linear.gather [hbm4b:s21+s1], $0x80, $0x38;
	[tilespmem:$0x10400] =	vst v63  }
0xa8: {  	(v2sf) =	vpush v63, $0xB;
	s31 =	sand.u32 $0x1FFFFFF0, s29;
	s9 =	rddreg [dreg:$0x10];
	s5 =	spop (v2sf)  }
0xa9: {  	(v2sf) =	vpush v1, $0xC;
	s6 =	sadd.s32 s3, s31;
	s16 =	rddreg [dreg:$0xe];
	s8 =	spop (v2sf)  }
0xaa: {  	[tilespmem:s7], [sflag:$0x2] =	stream.linear.gather [hbm4b:s30+s1], $0x80, $0x38;
	[tilespmem:$0x10400] =	vst v63  }
0xab: {  	(v2sf) =	vpush v63, $0xC;
	s7 =	sand.u32 $0x1FFFFFF0, s5;
	s14 =	sand.u32 $0x1FFFFFF0, s8;
	s15 =	spop (v2sf)  }
0xac: {  	[tilespmem:s9], [sflag:$0x1] =	stream.linear.gather [hbm4b:s6+s1], $0x80, $0x38;
	[tilespmem:$0x10400] =	vst v63  }
0xad: {  	s8 =	rddreg [dreg:$0xc];
	s11 =	sadd.s32 s4, s7;
	s17 =	sadd.s32 s3, s14  }
0xae: {  	[tilespmem:s16], [sflag:$0x2] =	stream.linear.gather [hbm4b:s11+s1], $0x80, $0x38;
	[tilespmem:$0x10400] =	vst v63  }
0xaf: {  	s20 =	sand.u32 $0x1FFFFFF0, s15;
	s15 =	rddreg [dreg:$0xa];
	s21 =	spop (v2sf)  }
0xb0: {  	[tilespmem:s22], [sflag:$0x1] =	stream.linear.gather [hbm4b:s17+s1], $0x80, $0x38;
	[tilespmem:$0x10400] =	vst v63  }
0xb1: {  	s29 =	sadd.s32 s4, s20;
	s30 =	sand.u32 $0x1FFFFFF0, s21;
	s31 =	spop (v2sf)  }
0xb2: {  	[tilespmem:s8], [sflag:$0x2] =	stream.linear.gather [hbm4b:s29+s1], $0x80, $0x38;
	[tilespmem:$0x10400] =	vst v63  }
0xb3: {  	s21 =	rddreg [dreg:$0x4];
	s9 =	sadd.s32 s3, s30;
	s11 =	sand.u32 $0x1FFFFFF0, s31  }
0xb4: {  	[tilespmem:s15], [sflag:$0x1] =	stream.linear.gather [hbm4b:s9+s1], $0x80, $0x38;
	[tilespmem:$0x10400] =	vst v63  }
0xb5: {  	s14 =	spop (v2sf);
	s31 =	rddreg [dreg:$0x6];
	s16 =	sadd.s32 s4, s11  }
0xb6: {  	(v2sf) =	vpush v1, $0xD;
	[tilespmem:s21], [sflag:$0x2] =	stream.linear.gather [hbm4b:s16+s1], $0x80, $0x38;
	[tilespmem:$0x10400] =	vst v63  }
.Ltmp0:
0xb7: {  	(v2sf) =	vpush v63, $0xD;
	s17 =	sand.u32 $0x1FFFFFF0, s14;
	s20 =	spop (v2sf);
	(pc) =	sbr.rel @p0 .LBB2_2-.Ltmp0, $4  }
0xb8: {  	(v2sf) =	vpush v1, $0xE;
	s22 =	sadd.s32 s3, s17;
	s30 =	spop (v2sf);
	s29 =	sand.u32 $0x1FFFFFF0, s20  }
0xb9: {  	(v2sf) =	vpush v63, $0xE;
	[tilespmem:s2], [sflag:$0x1] =	stream.linear.gather [hbm4b:s22+s1], $0x80, $0x38;
	[tilespmem:$0x10400] =	vst v63  }
0xba: {  	(v2sf) =	vpush v1, $0xF;
	s0 =	sand.u32 $0x1FFFFFF0, s30;
	s5 =	sadd.s32 s4, s29;
	s2 =	spop (v2sf)  }
0xbb: {  	(v2sf) =	vpush v63, $0xF;
	[tilespmem:s31], [sflag:$0x2] =	stream.linear.gather [hbm4b:s5+s1], $0x80, $0x38;
	[tilespmem:$0x10400] =	vst v63  }
0xbc: {  	_ =	sdelay $0x4  }
0xbd: {  	s0 =	sadd.s32 s3, s0;
	s2 =	sand.u32 $0x1FFFFFF0, s2  }
0xbe: {  	[tilespmem:s28], [sflag:$0x1] =	stream.linear.gather [hbm4b:s0+s1], $0x80, $0x38;
	[tilespmem:$0x10400] =	vst v63  }
0xbf: {  	s8 =	sadd.s32 s4, s2  }
0xc0: {  	[tilespmem:s12], [sflag:$0x2] =	stream.linear.gather [hbm4b:s8+s1], $0x80, $0x38;
	[tilespmem:$0x10400] =	vst v63  }
0xc1: {  	s5 =	spop (v2sf)  }
0xc2: {  	s9 =	sand.u32 $0x1FFFFFF0, s5;
	s11 =	spop (v2sf)  }
0xc3: {  	s14 =	sadd.s32 s3, s9;
	s15 =	sand.u32 $0x1FFFFFF0, s11;
	s16 =	spop (v2sf)  }
0xc4: {  	[tilespmem:s13], [sflag:$0x1] =	stream.linear.gather [hbm4b:s14+s1], $0x80, $0x38;
	[tilespmem:$0x10400] =	vst v63  }
0xc5: {  	s17 =	sadd.s32 s4, s15;
	s19 =	sand.u32 $0x1FFFFFF0, s16;
	s20 =	spop (v2sf)  }
0xc6: {  	[tilespmem:s10], [sflag:$0x2] =	stream.linear.gather [hbm4b:s17+s1], $0x80, $0x38;
	[tilespmem:$0x10400] =	vst v63  }
0xc7: {  	s21 =	sadd.s32 s3, s19;
	s22 =	sand.u32 $0x1FFFFFF0, s20;
	s23 =	spop (v2sf)  }
0xc8: {  	[tilespmem:s26], [sflag:$0x1] =	stream.linear.gather [hbm4b:s21+s1], $0x80, $0x38;
	[tilespmem:$0x10400] =	vst v63  }
0xc9: {  	s24 =	sadd.s32 s4, s22;
	s28 =	spop (v2sf);
	s26 =	sand.u32 $0x1FFFFFF0, s23  }
0xca: {  	[tilespmem:s25], [sflag:$0x2] =	stream.linear.gather [hbm4b:s24+s1], $0x80, $0x38;
	[tilespmem:$0x10400] =	vst v63  }
0xcb: {  	s29 =	sadd.s32 $0xB80, s18;
	s5 =	sand.u32 $0x1FFFFFF0, s28;
	s2 =	sadd.s32 s3, s26  }
0xcc: {  	[tilespmem:s29], [sflag:$0x1] =	stream.linear.gather [hbm4b:s2+s1], $0x80, $0x38;
	[tilespmem:$0x10400] =	vst v63  }
0xcd: {  	s30 =	sadd.s32 $0x8B80, s18;
	s31 =	sadd.s32 s4, s5;
	s2 =	simm.s32 $0x1  }
0xce: {  	[tilespmem:s30], [sflag:$0x2] =	stream.linear.gather [hbm4b:s31+s1], $0x80, $0x38;
	[tilespmem:$0x10400] =	vst v63  }
0xcf: {  	_ =	swait.ge [sflag:s2], $0x80  }
0xd0: {  	[sflag:s2] =	ssyncset.done $0x0  }
0xd1: {  	s5 =	simm.s32 $0x2;
	[sflag:s2] =	ssyncadd.s32 $0xFFFFFF80  }
0xd2: {  	_ =	swait.ge [sflag:s5], $0x80  }
0xd3: {  	s0 =	simm.s32 $0xFF;
	[sflag:s5] =	ssyncset.done $0x0  }
.LBB2_4:
0xd4: {  	p0 =	sne.s32 s0, $0x1;
	s0 =	sadd.s32 $0xFFFFFFFF, s0;
	[sflag:s5] =	ssyncadd.s32 $0xFFFFFF80  }
.Ltmp1:
0xd5: {  	_ =	swait.ge [sflag:s2], $0x80;
	(pc) =	sbr.rel @p0 .LBB2_4-.Ltmp1, $4  }
0xd6: {  	[sflag:s2] =	ssyncset.done $0x0  }
0xd7: {  	[sflag:s2] =	ssyncadd.s32 $0xFFFFFF80  }
0xd8: {  	_ =	swait.ge [sflag:s5], $0x80  }
0xd9: {  	[sflag:s5] =	ssyncset.done $0x0  }
0xda: {  	[sflag:s5] =	ssyncadd.s32 $0xFFFFFF80;
	s0 =	simm.s32 $0x0  }
0xdb: {  	s2 =	rddreg [dreg:$0x18];
	s8 =	simm.s32 $0x400;
	s9 =	simm.s32 $0x3  }
0xdc: {  	[hbm4b:s2+s0] =	stream.linear.scatter [tilespmem:s8], [sflag:$0x3], $0x8000, $0x38;
	[tilespmem:$0x10400] =	vst v63  }
0xdd: {  	_ =	swait.ge [sflag:s9], $0x8000  }
0xde: {  	[sflag:s9] =	ssyncset.done $0x0  }
0xdf: {  	s6 =	simm.s32 $0x8400;
	s10 =	rddreg [dreg:$0x19];
	[sflag:s9] =	ssyncadd.s32 $0xFFFF8000  }
0xe0: {  	[hbm4b:s10+s0] =	stream.linear.scatter [tilespmem:s6], [sflag:$0x3], $0x8000, $0x38;
	[tilespmem:$0x10400] =	vst v63  }
0xe1: {  	_ =	swait.ge [sflag:s9], $0x8000  }
0xe2: {  	[sflag:s9] =	ssyncset.done $0x0  }
0xe3: {  	s11 =	simm.s32 $0x100;
	[sflag:s9] =	ssyncadd.s32 $0xFFFF8000  }
0xe4: {  	s12 =	simm.s32 $0x300;
	v0 =	vld [tilespmem:s11+$0x0]  }
0xe5: {  	v2 =	vld [tilespmem:s12+$0x0];
	_ =	sdelay $0x3  }
0xe6: {  	v1 =	vshll.u32 v0, $0x4  }
0xe7: {  	v63 =	vshll.u32 v2, $0x4;
	(v2sf) =	vpush v1, $0x0  }
0xe8: {  	(v2sf) =	vpush v63, $0x0;
	_ =	sdelay $0x2  }
0xe9: {  	(v2sf) =	vpush v1, $0x1  }
0xea: {  	(v2sf) =	vpush v63, $0x1;
	_ =	sdelay $0x1  }
0xeb: {  	(v2sf) =	vpush v1, $0x2;
	_ =	sdelay $0x1  }
0xec: {  	(v2sf) =	vpush v63, $0x2;
	_ =	sdelay $0x1  }
0xed: {  	s19 =	simm.s32 $0x2000;
	(v2sf) =	vpush v1, $0x3  }
0xee: {  	s18 =	simm.s32 $0x0;
	s13 =	simm.s32 $0x8400;
	s5 =	simm.s32 $0x680  }
0xef: {  	s7 =	simm.s32 $0x400;
	s16 =	simm.s32 $0x480;
	s21 =	simm.s32 $0x8480  }
0xf0: {  	s23 =	simm.s32 $0x500;
	s26 =	simm.s32 $0x8500;
	s28 =	simm.s32 $0xA00  }
0xf1: {  	s2 =	simm.s32 $0x880;
	s0 =	simm.s32 $0x8900;
	s8 =	spop (v2sf);
	(v2sf) =	vpush v63, $0x3  }
0xf2: {  	s10 =	simm.s32 $0x580;
	s8 =	sand.u32 $0x1FFFFFF0, s8;
	s11 =	spop (v2sf)  }
0xf3: {  	s9 =	simm.s32 $0x600;
	(v2sf) =	vpush v1, $0x4;
	s8 =	sadd.s32 s3, s8;
	s14 =	sand.u32 $0x1FFFFFF0, s11  }
0xf4: {  	(v2sf) =	vpush v63, $0x4;
	[tilespmem:s7], [sflag:$0x1] =	stream.linear.gather [hbm4b:s8+s1], $0x80, $0x38;
	[tilespmem:$0x10400] =	vst v63  }
0xf5: {  	s15 =	spop (v2sf);
	s7 =	simm.s32 $0x8580;
	s8 =	sadd.s32 s4, s14  }
0xf6: {  	s11 =	sand.u32 $0x1FFFFFF0, s15;
	s12 =	spop (v2sf);
	s14 =	simm.s32 $0x8600  }
0xf7: {  	(v2sf) =	vpush v1, $0x5;
	[tilespmem:s13], [sflag:$0x2] =	stream.linear.gather [hbm4b:s8+s1], $0x80, $0x38;
	[tilespmem:$0x10400] =	vst v63  }
0xf8: {  	s17 =	sadd.s32 s3, s11;
	s20 =	sand.u32 $0x1FFFFFF0, s12;
	s22 =	spop (v2sf);
	(v2sf) =	vpush v63, $0x5  }
0xf9: {  	[tilespmem:s16], [sflag:$0x1] =	stream.linear.gather [hbm4b:s17+s1], $0x80, $0x38;
	[tilespmem:$0x10400] =	vst v63  }
0xfa: {  	s11 =	sadd.s32 s4, s20;
	(v2sf) =	vpush v1, $0x6;
	s8 =	sand.u32 $0x1FFFFFF0, s22;
	s24 =	spop (v2sf)  }
0xfb: {  	[tilespmem:s21], [sflag:$0x2] =	stream.linear.gather [hbm4b:s11+s1], $0x80, $0x38;
	[tilespmem:$0x10400] =	vst v63  }
0xfc: {  	s8 =	sadd.s32 s3, s8;
	s25 =	spop (v2sf);
	s11 =	sand.u32 $0x1FFFFFF0, s24  }
0xfd: {  	[tilespmem:s23], [sflag:$0x1] =	stream.linear.gather [hbm4b:s8+s1], $0x80, $0x38;
	[tilespmem:$0x10400] =	vst v63  }
0xfe: {  	s12 =	simm.s32 $0x8A00;
	(v2sf) =	vpush v63, $0x6;
	s30 =	sand.u32 $0x1FFFFFF0, s25;
	s29 =	sadd.s32 s4, s11  }
0xff: {  	[tilespmem:s26], [sflag:$0x2] =	stream.linear.gather [hbm4b:s29+s1], $0x80, $0x38;
	[tilespmem:$0x10400] =	vst v63  }
0x100: {  	s13 =	sadd.s32 s3, s30;
	s21 =	simm.s32 $0x8680;
	s31 =	spop (v2sf)  }
0x101: {  	[tilespmem:s10], [sflag:$0x1] =	stream.linear.gather [hbm4b:s13+s1], $0x80, $0x38;
	[tilespmem:$0x10400] =	vst v63  }
0x102: {  	s23 =	simm.s32 $0x700;
	(v2sf) =	vpush v1, $0x7;
	s6 =	sand.u32 $0x1FFFFFF0, s31;
	s15 =	spop (v2sf)  }
0x103: {  	s6 =	sadd.s32 s4, s6;
	s10 =	sand.u32 $0x1FFFFFF0, s15;
	s16 =	spop (v2sf)  }
0x104: {  	(v2sf) =	vpush v63, $0x7;
	[tilespmem:s7], [sflag:$0x2] =	stream.linear.gather [hbm4b:s6+s1], $0x80, $0x38;
	[tilespmem:$0x10400] =	vst v63  }
0x105: {  	s13 =	simm.s32 $0xA80;
	(v2sf) =	vpush v1, $0x8;
	s17 =	sadd.s32 s3, s10;
	s20 =	sand.u32 $0x1FFFFFF0, s16  }
0x106: {  	s22 =	spop (v2sf);
	s10 =	simm.s32 $0x8A80;
	s7 =	sadd.s32 s4, s20  }
0x107: {  	(v2sf) =	vpush v63, $0x8;
	s24 =	sand.u32 $0x1FFFFFF0, s22;
	s25 =	spop (v2sf);
	s22 =	simm.s32 $0x8780  }
0x108: {  	[tilespmem:s9], [sflag:$0x1] =	stream.linear.gather [hbm4b:s17+s1], $0x80, $0x38;
	[tilespmem:$0x10400] =	vst v63  }
0x109: {  	(v2sf) =	vpush v1, $0x9;
	s8 =	sadd.s32 s3, s24;
	s9 =	sand.u32 $0x1FFFFFF0, s25;
	s26 =	spop (v2sf)  }
0x10a: {  	[tilespmem:s14], [sflag:$0x2] =	stream.linear.gather [hbm4b:s7+s1], $0x80, $0x38;
	[tilespmem:$0x10400] =	vst v63  }
0x10b: {  	(v2sf) =	vpush v63, $0x9;
	s17 =	simm.s32 $0x780;
	s24 =	simm.s32 $0x800;
	s29 =	sadd.s32 s4, s9  }
0x10c: {  	[tilespmem:s5], [sflag:$0x1] =	stream.linear.gather [hbm4b:s8+s1], $0x80, $0x38;
	[tilespmem:$0x10400] =	vst v63  }
0x10d: {  	s30 =	sand.u32 $0x1FFFFFF0, s26;
	s31 =	spop (v2sf);
	(v2sf) =	vpush v1, $0xA;
	s9 =	simm.s32 $0x8880  }
0x10e: {  	[tilespmem:s21], [sflag:$0x2] =	stream.linear.gather [hbm4b:s29+s1], $0x80, $0x38;
	[tilespmem:$0x10400] =	vst v63  }
0x10f: {  	s11 =	sadd.s32 s3, s30;
	s14 =	simm.s32 $0x8700;
	(v2sf) =	vpush v63, $0xA;
	s6 =	sand.u32 $0x1FFFFFF0, s31  }
0x110: {  	[tilespmem:s23], [sflag:$0x1] =	stream.linear.gather [hbm4b:s11+s1], $0x80, $0x38;
	[tilespmem:$0x10400] =	vst v63  }
0x111: {  	s6 =	sadd.s32 s4, s6;
	s29 =	simm.s32 $0x8800;
	s15 =	spop (v2sf);
	(v2sf) =	vpush v1, $0xB  }
0x112: {  	[tilespmem:s14], [sflag:$0x2] =	stream.linear.gather [hbm4b:s6+s1], $0x80, $0x38;
	[tilespmem:$0x10400] =	vst v63  }
0x113: {  	s14 =	simm.s32 $0x900;
	s8 =	sand.u32 $0x1FFFFFF0, s15;
	s16 =	spop (v2sf)  }
0x114: {  	s20 =	sadd.s32 s3, s8;
	s21 =	sand.u32 $0x1FFFFFF0, s16;
	s23 =	spop (v2sf)  }
0x115: {  	(v2sf) =	vpush v63, $0xB;
	[tilespmem:s17], [sflag:$0x1] =	stream.linear.gather [hbm4b:s20+s1], $0x80, $0x38;
	[tilespmem:$0x10400] =	vst v63  }
0x116: {  	s8 =	sadd.s32 s4, s21;
	s7 =	sand.u32 $0x1FFFFFF0, s23;
	s25 =	spop (v2sf)  }
0x117: {  	[tilespmem:s22], [sflag:$0x2] =	stream.linear.gather [hbm4b:s8+s1], $0x80, $0x38;
	[tilespmem:$0x10400] =	vst v63  }
0x118: {  	(v2sf) =	vpush v1, $0xC;
	s7 =	sadd.s32 s3, s7;
	s26 =	spop (v2sf);
	s8 =	sand.u32 $0x1FFFFFF0, s25  }
0x119: {  	(v2sf) =	vpush v63, $0xC;
	[tilespmem:s24], [sflag:$0x1] =	stream.linear.gather [hbm4b:s7+s1], $0x80, $0x38;
	[tilespmem:$0x10400] =	vst v63  }
0x11a: {  	s31 =	sand.u32 $0x1FFFFFF0, s26;
	s11 =	spop (v2sf);
	s30 =	sadd.s32 s4, s8  }
0x11b: {  	[tilespmem:s29], [sflag:$0x2] =	stream.linear.gather [hbm4b:s30+s1], $0x80, $0x38;
	[tilespmem:$0x10400] =	vst v63  }
0x11c: {  	s8 =	sadd.s32 s3, s31;
	s15 =	spop (v2sf);
	s7 =	sand.u32 $0x1FFFFFF0, s11  }
0x11d: {  	[tilespmem:s2], [sflag:$0x1] =	stream.linear.gather [hbm4b:s8+s1], $0x80, $0x38;
	[tilespmem:$0x10400] =	vst v63  }
0x11e: {  	s16 =	spop (v2sf);
	s7 =	sadd.s32 s4, s7;
	s8 =	sand.u32 $0x1FFFFFF0, s15  }
0x11f: {  	[tilespmem:s9], [sflag:$0x2] =	stream.linear.gather [hbm4b:s7+s1], $0x80, $0x38;
	[tilespmem:$0x10400] =	vst v63  }
0x120: {  	s20 =	sand.u32 $0x1FFFFFF0, s16;
	s17 =	sadd.s32 s3, s8;
	s21 =	spop (v2sf)  }
0x121: {  	[tilespmem:s14], [sflag:$0x1] =	stream.linear.gather [hbm4b:s17+s1], $0x80, $0x38;
	[tilespmem:$0x10400] =	vst v63  }
0x122: {  	s5 =	simm.s32 $0x8980;
	s22 =	sadd.s32 s4, s20;
	s23 =	sand.u32 $0x1FFFFFF0, s21  }
0x123: {  	[tilespmem:s0], [sflag:$0x2] =	stream.linear.gather [hbm4b:s22+s1], $0x80, $0x38;
	[tilespmem:$0x10400] =	vst v63  }
0x124: {  	s25 =	simm.s32 $0x980;
	(v2sf) =	vpush v1, $0xD;
	s24 =	spop (v2sf);
	s26 =	sadd.s32 s3, s23  }
0x125: {  	(v2sf) =	vpush v63, $0xD;
	s29 =	sand.u32 $0x1FFFFFF0, s24;
	s23 =	simm.s32 $0x110;
	s24 =	simm.s32 $0x310  }
0x126: {  	(v2sf) =	vpush v1, $0xE;
	[tilespmem:s25], [sflag:$0x1] =	stream.linear.gather [hbm4b:s26+s1], $0x80, $0x38;
	[tilespmem:$0x10400] =	vst v63  }
0x127: {  	s30 =	sadd.s32 s4, s29;
	(v2sf) =	vpush v63, $0xE;
	s31 =	spop (v2sf);
	s26 =	simm.s32 $0xB00  }
0x128: {  	(v2sf) =	vpush v1, $0xF;
	s25 =	simm.s32 $0x8B00;
	s0 =	sand.u32 $0x1FFFFFF0, s31;
	s2 =	spop (v2sf)  }
0x129: {  	(v2sf) =	vpush v63, $0xF;
	[tilespmem:s5], [sflag:$0x2] =	stream.linear.gather [hbm4b:s30+s1], $0x80, $0x38;
	[tilespmem:$0x10400] =	vst v63  }
.LBB2_6:
0x12a: {  	_ =	sdelay $0x4  }
0x12b: {  	s0 =	sadd.s32 s3, s0;
	s2 =	sand.u32 $0x1FFFFFF0, s2  }
0x12c: {  	[tilespmem:s28], [sflag:$0x1] =	stream.linear.gather [hbm4b:s0+s1], $0x80, $0x38;
	[tilespmem:$0x10400] =	vst v63  }
0x12d: {  	s29 =	sadd.s32 s4, s2  }
0x12e: {  	[tilespmem:s12], [sflag:$0x2] =	stream.linear.gather [hbm4b:s29+s1], $0x80, $0x38;
	[tilespmem:$0x10400] =	vst v63  }
0x12f: {  	s5 =	spop (v2sf)  }
0x130: {  	s30 =	sand.u32 $0x1FFFFFF0, s5;
	s31 =	spop (v2sf)  }
0x131: {  	s2 =	sadd.s32 s3, s30;
	s5 =	sand.u32 $0x1FFFFFF0, s31;
	s6 =	spop (v2sf)  }
0x132: {  	[tilespmem:s13], [sflag:$0x1] =	stream.linear.gather [hbm4b:s2+s1], $0x80, $0x38;
	[tilespmem:$0x10400] =	vst v63  }
0x133: {  	s7 =	sadd.s32 s4, s5;
	s8 =	sand.u32 $0x1FFFFFF0, s6;
	s9 =	spop (v2sf)  }
0x134: {  	[tilespmem:s10], [sflag:$0x2] =	stream.linear.gather [hbm4b:s7+s1], $0x80, $0x38;
	[tilespmem:$0x10400] =	vst v63  }
0x135: {  	s11 =	sand.u32 $0x1FFFFFF0, s9;
	s12 =	spop (v2sf);
	s10 =	sadd.s32 s3, s8  }
0x136: {  	[tilespmem:s26], [sflag:$0x1] =	stream.linear.gather [hbm4b:s10+s1], $0x80, $0x38;
	[tilespmem:$0x10400] =	vst v63  }
0x137: {  	s13 =	sadd.s32 s4, s11;
	s14 =	sand.u32 $0x1FFFFFF0, s12;
	s15 =	spop (v2sf)  }
0x138: {  	[tilespmem:s25], [sflag:$0x2] =	stream.linear.gather [hbm4b:s13+s1], $0x80, $0x38;
	[tilespmem:$0x10400] =	vst v63  }
0x139: {  	s16 =	sadd.s32 $0xB80, s18;
	s2 =	sadd.s32 s3, s14;
	s5 =	sand.u32 $0x1FFFFFF0, s15  }
0x13a: {  	[tilespmem:s16], [sflag:$0x1] =	stream.linear.gather [hbm4b:s2+s1], $0x80, $0x38;
	[tilespmem:$0x10400] =	vst v63  }
0x13b: {  	s17 =	sadd.s32 $0x8B80, s18;
	s18 =	sadd.s32 s4, s5  }
0x13c: {  	[tilespmem:s17], [sflag:$0x2] =	stream.linear.gather [hbm4b:s18+s1], $0x80, $0x38;
	[tilespmem:$0x10400] =	vst v63  }
0x13d: {  	v0 =	vld [tilespmem:s23+$0x0]  }
0x13e: {  	v2 =	vld [tilespmem:s24+$0x0];
	_ =	sdelay $0x3  }
0x13f: {  	v1 =	vshll.u32 v0, $0x4  }
0x140: {  	v63 =	vshll.u32 v2, $0x4;
	(v2sf) =	vpush v1, $0x0  }
0x141: {  	s20 =	smov.u32 s19;
	(v2sf) =	vpush v63, $0x0  }
0x142: {  	s18 =	sshra.s32 s20, $0x2;
	(v2sf) =	vpush v1, $0x1  }
0x143: {  	p0 =	sne.s32 s19, $0x1E000;
	s19 =	sadd.s32 $0x2000, s19;
	s30 =	sadd.s32 $0x8400, s18  }
0x144: {  	s6 =	sadd.s32 $0x680, s18;
	s0 =	sadd.s32 $0x880, s18;
	s29 =	sadd.s32 $0x400, s18;
	(v2sf) =	vpush v63, $0x1  }
0x145: {  	s17 =	sadd.s32 $0x600, s18;
	s21 =	sadd.s32 $0x8900, s18;
	s14 =	sadd.s32 $0x580, s18  }
0x146: {  	s13 =	sadd.s32 $0x8580, s18;
	s22 =	sadd.s32 $0x8A00, s18;
	s20 =	sadd.s32 $0x500, s18;
	(v2sf) =	vpush v1, $0x2  }
0x147: {  	s12 =	sadd.s32 $0x8600, s18;
	s5 =	sadd.s32 $0xA80, s18;
	s31 =	sadd.s32 $0x8480, s18;
	(v2sf) =	vpush v63, $0x2  }
0x148: {  	s11 =	sadd.s32 $0x8680, s18;
	s10 =	sadd.s32 $0x700, s18;
	[dreg:$0x9] =	wrdreg s0  }
0x149: {  	s25 =	sadd.s32 $0x8980, s18;
	s26 =	sadd.s32 $0x8A80, s18;
	[dreg:$0x5] =	wrdreg s21;
	(v2sf) =	vpush v1, $0x3  }
0x14a: {  	s9 =	sadd.s32 $0x8700, s18;
	s7 =	sadd.s32 $0x8880, s18;
	[dreg:$0x12] =	wrdreg s22  }
0x14b: {  	s8 =	sadd.s32 $0x900, s18;
	s15 =	sadd.s32 $0x8800, s18;
	[dreg:$0x7] =	wrdreg s25;
	(v2sf) =	vpush v63, $0x3  }
0x14c: {  	s28 =	sadd.s32 $0xA00, s18;
	s16 =	sadd.s32 $0x800, s18;
	[dreg:$0x14] =	wrdreg s26  }
0x14d: {  	s23 =	sadd.s32 $0x10, s23;
	s24 =	sadd.s32 $0x10, s24;
	[dreg:$0xd] =	wrdreg s7  }
0x14e: {  	s2 =	sadd.s32 $0x980, s18;
	s0 =	sadd.s32 $0x8500, s18;
	[dreg:$0xb] =	wrdreg s8  }
0x14f: {  	[dreg:$0xf] =	wrdreg s15;
	s15 =	sadd.s32 $0x480, s18;
	(v2sf) =	vpush v1, $0x4;
	s21 =	spop (v2sf)  }
0x150: {  	[dreg:$0x11] =	wrdreg s16;
	s21 =	sand.u32 $0x1FFFFFF0, s21;
	s22 =	spop (v2sf)  }
0x151: {  	(v2sf) =	vpush v63, $0x4;
	s21 =	sadd.s32 s3, s21;
	s22 =	sand.u32 $0x1FFFFFF0, s22;
	s16 =	spop (v2sf)  }
0x152: {  	[tilespmem:s29], [sflag:$0x1] =	stream.linear.gather [hbm4b:s21+s1], $0x80, $0x38;
	[tilespmem:$0x10400] =	vst v63  }
0x153: {  	(v2sf) =	vpush v1, $0x5;
	s22 =	sadd.s32 s4, s22;
	s16 =	sand.u32 $0x1FFFFFF0, s16;
	s29 =	spop (v2sf)  }
0x154: {  	(v2sf) =	vpush v63, $0x5;
	[tilespmem:s30], [sflag:$0x2] =	stream.linear.gather [hbm4b:s22+s1], $0x80, $0x38;
	[tilespmem:$0x10400] =	vst v63  }
0x155: {  	s16 =	sadd.s32 s3, s16;
	s29 =	sand.u32 $0x1FFFFFF0, s29;
	s30 =	spop (v2sf)  }
0x156: {  	(v2sf) =	vpush v1, $0x6;
	s21 =	sadd.s32 s4, s29;
	s29 =	sand.u32 $0x1FFFFFF0, s30;
	s30 =	spop (v2sf)  }
0x157: {  	[tilespmem:s15], [sflag:$0x1] =	stream.linear.gather [hbm4b:s16+s1], $0x80, $0x38;
	[tilespmem:$0x10400] =	vst v63  }
0x158: {  	s8 =	sadd.s32 $0x780, s18;
	s7 =	sadd.s32 $0x8780, s18;
	(v2sf) =	vpush v63, $0x6;
	s22 =	spop (v2sf)  }
0x159: {  	(v2sf) =	vpush v1, $0x7;
	[tilespmem:s31], [sflag:$0x2] =	stream.linear.gather [hbm4b:s21+s1], $0x80, $0x38;
	[tilespmem:$0x10400] =	vst v63  }
0x15a: {  	s16 =	sadd.s32 s3, s29;
	s21 =	sand.u32 $0x1FFFFFF0, s30;
	s31 =	spop (v2sf)  }
0x15b: {  	(v2sf) =	vpush v63, $0x7;
	[tilespmem:s20], [sflag:$0x1] =	stream.linear.gather [hbm4b:s16+s1], $0x80, $0x38;
	[tilespmem:$0x10400] =	vst v63  }
0x15c: {  	s26 =	sadd.s32 $0xB00, s18;
	s30 =	sand.u32 $0x1FFFFFF0, s22;
	s29 =	sadd.s32 s4, s21  }
0x15d: {  	[tilespmem:s0], [sflag:$0x2] =	stream.linear.gather [hbm4b:s29+s1], $0x80, $0x38;
	[tilespmem:$0x10400] =	vst v63  }
0x15e: {  	s21 =	sand.u32 $0x1FFFFFF0, s31;
	s22 =	spop (v2sf);
	s16 =	sadd.s32 s3, s30  }
0x15f: {  	[tilespmem:s14], [sflag:$0x1] =	stream.linear.gather [hbm4b:s16+s1], $0x80, $0x38;
	[tilespmem:$0x10400] =	vst v63  }
0x160: {  	s25 =	sadd.s32 $0x8B00, s18;
	s29 =	sadd.s32 s4, s21;
	s31 =	spop (v2sf)  }
0x161: {  	(v2sf) =	vpush v1, $0x8;
	[tilespmem:s13], [sflag:$0x2] =	stream.linear.gather [hbm4b:s29+s1], $0x80, $0x38;
	[tilespmem:$0x10400] =	vst v63  }
0x162: {  	s30 =	sand.u32 $0x1FFFFFF0, s22;
	s14 =	sand.u32 $0x1FFFFFF0, s31;
	s15 =	spop (v2sf)  }
0x163: {  	(v2sf) =	vpush v63, $0x8;
	s13 =	sadd.s32 s3, s30;
	s16 =	sadd.s32 s4, s14;
	s20 =	spop (v2sf)  }
0x164: {  	(v2sf) =	vpush v1, $0x9;
	[tilespmem:s17], [sflag:$0x1] =	stream.linear.gather [hbm4b:s13+s1], $0x80, $0x38;
	[tilespmem:$0x10400] =	vst v63  }
0x165: {  	s17 =	sand.u32 $0x1FFFFFF0, s15;
	s22 =	sand.u32 $0x1FFFFFF0, s20;
	s29 =	spop (v2sf)  }
0x166: {  	(v2sf) =	vpush v63, $0x9;
	[tilespmem:s12], [sflag:$0x2] =	stream.linear.gather [hbm4b:s16+s1], $0x80, $0x38;
	[tilespmem:$0x10400] =	vst v63  }
0x167: {  	s13 =	smov.u32 s5;
	s21 =	sadd.s32 s3, s17;
	s5 =	spop (v2sf)  }
0x168: {  	s30 =	sadd.s32 s4, s22;
	s31 =	sand.u32 $0x1FFFFFF0, s29;
	s15 =	spop (v2sf)  }
0x169: {  	[tilespmem:s6], [sflag:$0x1] =	stream.linear.gather [hbm4b:s21+s1], $0x80, $0x38;
	[tilespmem:$0x10400] =	vst v63  }
0x16a: {  	(v2sf) =	vpush v1, $0xA;
	s12 =	rddreg [dreg:$0x12];
	s14 =	sand.u32 $0x1FFFFFF0, s5;
	s20 =	spop (v2sf)  }
0x16b: {  	[tilespmem:s11], [sflag:$0x2] =	stream.linear.gather [hbm4b:s30+s1], $0x80, $0x38;
	[tilespmem:$0x10400] =	vst v63  }
0x16c: {  	(v2sf) =	vpush v63, $0xA;
	s16 =	sadd.s32 s4, s14;
	s11 =	sadd.s32 s3, s31;
	s22 =	sand.u32 $0x1FFFFFF0, s20  }
0x16d: {  	[tilespmem:s10], [sflag:$0x1] =	stream.linear.gather [hbm4b:s11+s1], $0x80, $0x38;
	[tilespmem:$0x10400] =	vst v63  }
0x16e: {  	s17 =	sand.u32 $0x1FFFFFF0, s15;
	s30 =	sadd.s32 s4, s22;
	s22 =	rddreg [dreg:$0x9]  }
0x16f: {  	[tilespmem:s9], [sflag:$0x2] =	stream.linear.gather [hbm4b:s16+s1], $0x80, $0x38;
	[tilespmem:$0x10400] =	vst v63  }
0x170: {  	(v2sf) =	vpush v1, $0xB;
	s21 =	sadd.s32 s3, s17;
	s29 =	spop (v2sf);
	s10 =	rddreg [dreg:$0x14]  }
0x171: {  	[tilespmem:s8], [sflag:$0x1] =	stream.linear.gather [hbm4b:s21+s1], $0x80, $0x38;
	[tilespmem:$0x10400] =	vst v63  }
0x172: {  	(v2sf) =	vpush v63, $0xB;
	s31 =	sand.u32 $0x1FFFFFF0, s29;
	s9 =	rddreg [dreg:$0x11];
	s5 =	spop (v2sf)  }
0x173: {  	(v2sf) =	vpush v1, $0xC;
	s6 =	sadd.s32 s3, s31;
	s16 =	rddreg [dreg:$0xf];
	s8 =	spop (v2sf)  }
0x174: {  	[tilespmem:s7], [sflag:$0x2] =	stream.linear.gather [hbm4b:s30+s1], $0x80, $0x38;
	[tilespmem:$0x10400] =	vst v63  }
0x175: {  	(v2sf) =	vpush v63, $0xC;
	s7 =	sand.u32 $0x1FFFFFF0, s5;
	s14 =	sand.u32 $0x1FFFFFF0, s8;
	s15 =	spop (v2sf)  }
0x176: {  	[tilespmem:s9], [sflag:$0x1] =	stream.linear.gather [hbm4b:s6+s1], $0x80, $0x38;
	[tilespmem:$0x10400] =	vst v63  }
0x177: {  	s8 =	rddreg [dreg:$0xd];
	s11 =	sadd.s32 s4, s7;
	s17 =	sadd.s32 s3, s14  }
0x178: {  	[tilespmem:s16], [sflag:$0x2] =	stream.linear.gather [hbm4b:s11+s1], $0x80, $0x38;
	[tilespmem:$0x10400] =	vst v63  }
0x179: {  	s20 =	sand.u32 $0x1FFFFFF0, s15;
	s15 =	rddreg [dreg:$0xb];
	s21 =	spop (v2sf)  }
0x17a: {  	[tilespmem:s22], [sflag:$0x1] =	stream.linear.gather [hbm4b:s17+s1], $0x80, $0x38;
	[tilespmem:$0x10400] =	vst v63  }
0x17b: {  	s29 =	sadd.s32 s4, s20;
	s30 =	sand.u32 $0x1FFFFFF0, s21;
	s31 =	spop (v2sf)  }
0x17c: {  	[tilespmem:s8], [sflag:$0x2] =	stream.linear.gather [hbm4b:s29+s1], $0x80, $0x38;
	[tilespmem:$0x10400] =	vst v63  }
0x17d: {  	s21 =	rddreg [dreg:$0x5];
	s9 =	sadd.s32 s3, s30;
	s11 =	sand.u32 $0x1FFFFFF0, s31  }
0x17e: {  	[tilespmem:s15], [sflag:$0x1] =	stream.linear.gather [hbm4b:s9+s1], $0x80, $0x38;
	[tilespmem:$0x10400] =	vst v63  }
0x17f: {  	s14 =	spop (v2sf);
	s31 =	rddreg [dreg:$0x7];
	s16 =	sadd.s32 s4, s11  }
0x180: {  	(v2sf) =	vpush v1, $0xD;
	[tilespmem:s21], [sflag:$0x2] =	stream.linear.gather [hbm4b:s16+s1], $0x80, $0x38;
	[tilespmem:$0x10400] =	vst v63  }
.Ltmp2:
0x181: {  	(v2sf) =	vpush v63, $0xD;
	s17 =	sand.u32 $0x1FFFFFF0, s14;
	s20 =	spop (v2sf);
	(pc) =	sbr.rel @p0 .LBB2_6-.Ltmp2, $4  }
0x182: {  	(v2sf) =	vpush v1, $0xE;
	s22 =	sadd.s32 s3, s17;
	s30 =	spop (v2sf);
	s29 =	sand.u32 $0x1FFFFFF0, s20  }
0x183: {  	(v2sf) =	vpush v63, $0xE;
	[tilespmem:s2], [sflag:$0x1] =	stream.linear.gather [hbm4b:s22+s1], $0x80, $0x38;
	[tilespmem:$0x10400] =	vst v63  }
0x184: {  	(v2sf) =	vpush v1, $0xF;
	s0 =	sand.u32 $0x1FFFFFF0, s30;
	s5 =	sadd.s32 s4, s29;
	s2 =	spop (v2sf)  }
0x185: {  	(v2sf) =	vpush v63, $0xF;
	[tilespmem:s31], [sflag:$0x2] =	stream.linear.gather [hbm4b:s5+s1], $0x80, $0x38;
	[tilespmem:$0x10400] =	vst v63  }
0x186: {  	_ =	sdelay $0x4  }
0x187: {  	s0 =	sadd.s32 s3, s0;
	s2 =	sand.u32 $0x1FFFFFF0, s2  }
0x188: {  	[tilespmem:s28], [sflag:$0x1] =	stream.linear.gather [hbm4b:s0+s1], $0x80, $0x38;
	[tilespmem:$0x10400] =	vst v63  }
0x189: {  	s8 =	sadd.s32 s4, s2  }
0x18a: {  	[tilespmem:s12], [sflag:$0x2] =	stream.linear.gather [hbm4b:s8+s1], $0x80, $0x38;
	[tilespmem:$0x10400] =	vst v63  }
0x18b: {  	s5 =	spop (v2sf)  }
0x18c: {  	s9 =	sand.u32 $0x1FFFFFF0, s5;
	s11 =	spop (v2sf)  }
0x18d: {  	s14 =	sadd.s32 s3, s9;
	s15 =	sand.u32 $0x1FFFFFF0, s11;
	s16 =	spop (v2sf)  }
0x18e: {  	[tilespmem:s13], [sflag:$0x1] =	stream.linear.gather [hbm4b:s14+s1], $0x80, $0x38;
	[tilespmem:$0x10400] =	vst v63  }
0x18f: {  	s17 =	sadd.s32 s4, s15;
	s19 =	sand.u32 $0x1FFFFFF0, s16;
	s20 =	spop (v2sf)  }
0x190: {  	[tilespmem:s10], [sflag:$0x2] =	stream.linear.gather [hbm4b:s17+s1], $0x80, $0x38;
	[tilespmem:$0x10400] =	vst v63  }
0x191: {  	s21 =	sadd.s32 s3, s19;
	s22 =	sand.u32 $0x1FFFFFF0, s20;
	s23 =	spop (v2sf)  }
0x192: {  	[tilespmem:s26], [sflag:$0x1] =	stream.linear.gather [hbm4b:s21+s1], $0x80, $0x38;
	[tilespmem:$0x10400] =	vst v63  }
0x193: {  	s24 =	sadd.s32 s4, s22;
	s28 =	spop (v2sf);
	s26 =	sand.u32 $0x1FFFFFF0, s23  }
0x194: {  	[tilespmem:s25], [sflag:$0x2] =	stream.linear.gather [hbm4b:s24+s1], $0x80, $0x38;
	[tilespmem:$0x10400] =	vst v63  }
0x195: {  	s29 =	sadd.s32 $0xB80, s18;
	s5 =	sand.u32 $0x1FFFFFF0, s28;
	s2 =	sadd.s32 s3, s26  }
0x196: {  	[tilespmem:s29], [sflag:$0x1] =	stream.linear.gather [hbm4b:s2+s1], $0x80, $0x38;
	[tilespmem:$0x10400] =	vst v63  }
0x197: {  	s30 =	sadd.s32 $0x8B80, s18;
	s31 =	sadd.s32 s4, s5;
	s2 =	simm.s32 $0x1  }
0x198: {  	[tilespmem:s30], [sflag:$0x2] =	stream.linear.gather [hbm4b:s31+s1], $0x80, $0x38;
	[tilespmem:$0x10400] =	vst v63  }
0x199: {  	_ =	swait.ge [sflag:s2], $0x80  }
0x19a: {  	[sflag:s2] =	ssyncset.done $0x0  }
0x19b: {  	s5 =	simm.s32 $0x2;
	[sflag:s2] =	ssyncadd.s32 $0xFFFFFF80  }
0x19c: {  	_ =	swait.ge [sflag:s5], $0x80  }
0x19d: {  	s0 =	simm.s32 $0xFF;
	[sflag:s5] =	ssyncset.done $0x0  }
.LBB2_8:
0x19e: {  	p0 =	sne.s32 s0, $0x1;
	s0 =	sadd.s32 $0xFFFFFFFF, s0;
	[sflag:s5] =	ssyncadd.s32 $0xFFFFFF80  }
.Ltmp3:
0x19f: {  	_ =	swait.ge [sflag:s2], $0x80;
	(pc) =	sbr.rel @p0 .LBB2_8-.Ltmp3, $4  }
0x1a0: {  	[sflag:s2] =	ssyncset.done $0x0  }
0x1a1: {  	[sflag:s2] =	ssyncadd.s32 $0xFFFFFF80  }
0x1a2: {  	_ =	swait.ge [sflag:s5], $0x80  }
0x1a3: {  	[sflag:s5] =	ssyncset.done $0x0  }
0x1a4: {  	[sflag:s5] =	ssyncadd.s32 $0xFFFFFF80  }
0x1a5: {  	s0 =	rddreg [dreg:$0x1a];
	s2 =	simm.s32 $0x400;
	s5 =	simm.s32 $0x3  }
0x1a6: {  	[hbm4b:s0+s1] =	stream.linear.scatter [tilespmem:s2], [sflag:$0x3], $0x8000, $0x38;
	[tilespmem:$0x10400] =	vst v63  }
0x1a7: {  	_ =	swait.ge [sflag:s5], $0x8000  }
0x1a8: {  	[sflag:s5] =	ssyncset.done $0x0  }
0x1a9: {  	s29 =	simm.s32 $0x8400;
	s28 =	rddreg [dreg:$0x1b];
	[sflag:s5] =	ssyncadd.s32 $0xFFFF8000  }
0x1aa: {  	[hbm4b:s28+s1] =	stream.linear.scatter [tilespmem:s29], [sflag:$0x3], $0x8000, $0x38;
	[tilespmem:$0x10400] =	vst v63  }
0x1ab: {  	_ =	swait.ge [sflag:s5], $0x8000  }
0x1ac: {  	s30 =	rddreg [dreg:$0x1d]  }
0x1ad: {  	s31 =	rddreg [dreg:$0x1c];
	s2 =	sadd.s32 $0x1, s30  }
0x1ae: {  	p0 =	sne.s32 s2, s31  }
.Ltmp4:
0x1af: {  	_ = 	snop;
	(pc) =	sbr.rel @p0 .LBB2_1-.Ltmp4, $3  }
0x1b0: {  	_ =	sdelay $0x1  }
0x1b1: {  	[sflag:s5] =	ssyncset.done $0x0  }
0x1b2: {  	[sflag:s5] =	ssyncadd.s32 $0xFFFF8000  }
0x1b3: {  	_ =	sfence.sel $0x180000  }
0x1b4: {  	[bflag:$0x0] =	sbarrier.arrive $0xFFFF  }
0x1b5: {  	_ =	strace $0x90000047  }
0x1b6: {  	s0 =	stileid.u32;
	[bflag:$0x2] =	sbarrier.arrive $0xFFFF  }
0x1b7: {  	p0 =	sne.s32 s0, $0x0;
	s0 =	rddreg [dreg:$0x3]  }
0x1b8: {  	s0 =	sadd.s32 @!p0 $0x100000, s0  }
0x1b9: {  	[sflag:s0] =	ssyncadd.tile.s32 @!p0 $0x1;
	_ =	shalt  }
.Lfunc_end2:
_tile_overlayer_lowered:
.L_overlay_start_2:
0x1ba: {  	(tag) =	ssettag $0x2  }
0x1bb: {  	s0 =	rddreg [dreg:$0x0];
	s2 =	stileid.u32  }
0x1bc: {  	s1 =	rddreg [dreg:$0x1];
	p0 =	sne.s32 s2, $0x0  }
0x1bd: {  	s3 =	rddreg [dreg:$0x2];
	[bflag:$0x3] =	sbarrier.arrive $0xFFFF;
	s2 =	simm.s32 @!p0 $0x1C03  }
0x1be: {  	[timem:s3], [sflag:s2] =	dma.local @!p0 [hbm:s0], s1  }
0x1bf: {  	s0 =	simm.s32 @!p0 $0x3  }
0x1c0: {  	_ =	swait.ge @!p0 [sflag:s0], s1  }
0x1c1: {  	s1 =	ssub.s32 @!p0 $0x0, s1;
	[sflag:s0] =	ssyncset.done @!p0 $0x0  }
0x1c2: {  	[sflag:s0] =	ssyncadd.s32 @!p0 s1  }
0x1c3: {  	[bflag:$0x3] =	sbarrier.arrive $0xFFFF  }
0x1c4: {  	_ =	shalt  }

</sc_bundles>
